<compile_context>
chip_gen: v7x
topology: tpu7x:2x2x1
jax: 0.10.2.dev20260603
libtpu: 0.0.44.dev20260713+nightly
codegen_flags: <defaults>
</compile_context>

<pallas_src>
import functools

import jax
import jax.numpy as jnp
from jax import lax
from jax.experimental import pallas as pl
from jax.experimental.pallas import tpu as pltpu
from jax.experimental.pallas import tpu_sc as plsc

def _round8(v):
  return (v + 7) // 8 * 8


NC = 2
NS = 16
L = 16
CH = 128


def _sc_mesh():
  return plsc.VectorSubcoreMesh(core_axis_name="c", subcore_axis_name="s",
                                num_cores=NC, num_subcores=NS)


def _deg_call(N, E):
  nw = NC * NS
  epw = E // nw
  rpt = _round8(-(-N // NS))
  NP = rpt * NS

  @functools.partial(
      pl.kernel,
      out_type=jax.ShapeDtypeStruct((nw, NP), jnp.float32),
      mesh=_sc_mesh(),
      scratch_types=[
          pltpu.VMEM((epw,), jnp.int32),
          pltpu.VMEM((NP,), jnp.float32),
      ],
      compiler_params=pltpu.CompilerParams(needs_layout_passes=False),
  )
  def k(col_hbm, degp_hbm, colstage, hist):
    cid = lax.axis_index("c")
    sid = lax.axis_index("s")
    wid = cid * NS + sid

    def zbody(i, c):
      hist[pl.ds(i * L, L)] = jnp.zeros(L, jnp.float32)
      return c

    lax.fori_loop(0, NP // L, zbody, 0)
    pltpu.sync_copy(col_hbm.at[pl.ds(wid * epw, epw)], colstage)
    ones = jnp.ones(L, jnp.float32)

    def body(i, c):
      idx = colstage[pl.ds(i * L, L)]
      plsc.addupdate_scatter(hist, [idx], ones)
      return c

    lax.fori_loop(0, epw // L, body, 0)
    pltpu.sync_copy(hist, degp_hbm.at[pl.ds(wid, 1)].at[0])

  return k


def _edge_call(N, nch, F):
  rpt = _round8(-(-N // NS))
  NP = rpt * NS
  R = 2
  RX = 4
  assert nch % 4 == 0 and nch >= 8

  @functools.partial(
      pl.kernel,
      out_type=jax.ShapeDtypeStruct((NC, NP, F), jnp.float32),
      mesh=_sc_mesh(),
      scratch_types=[
          pltpu.VMEM((RX, 2, CH), jnp.int32),
          [pltpu.VMEM((CH, F), jnp.float32)] * R,
          pltpu.VMEM_SHARED((NP, F), jnp.float32),
          [pltpu.SemaphoreType.DMA] * RX,
          [pltpu.SemaphoreType.DMA] * R,
      ],
  )
  def k(xs_hbm, idx3_hbm, zeros_hbm, accp_hbm,
        idx_v, rows_v, acc, sem_ix, sem_g):
    cid = lax.axis_index("c")
    sid = lax.axis_index("s")
    wid = cid * NS + sid
    rbase = sid * rpt
    pltpu.sync_copy(zeros_hbm, acc.at[pl.ds(rbase, rpt)])
    plsc.subcore_barrier()

    def ix_start(i, s):
      pltpu.async_copy(idx3_hbm.at[wid, i], idx_v.at[s], sem_ix[s])

    def ix_wait(i, s):
      pltpu.make_async_copy(idx3_hbm.at[wid, i], idx_v.at[s],
                            sem_ix[s]).wait()

    def g_start(s, b):
      return pltpu.async_copy(xs_hbm.at[idx_v.at[s, 0]], rows_v[b], sem_g[b])

    def scat(s, b):
      pltpu.sync_copy(rows_v[b], acc.at[idx_v.at[s, 1]], add=True)

    def step(i, ph, ixfetch=True):
      if ixfetch:
        ix_start(i + 2, (ph + 2) % RX)
      ix_wait(i + 1, (ph + 1) % RX)
      d = g_start((ph + 1) % RX, (ph + 1) % R)
      scat(ph % RX, ph % R)
      d.wait()

    ix_start(0, 0)
    ix_start(1, 1)
    ix_wait(0, 0)
    g_start(0, 0).wait()

    def body(h, c):
      for ph in range(4):
        step(h * 4 + ph, ph)
      return c

    lax.fori_loop(0, nch // 4 - 1, body, 0)
    i0 = nch - 4
    step(i0 + 0, 0)
    step(i0 + 1, 1)
    step(i0 + 2, 2, ixfetch=False)
    scat(3, 1)
    plsc.subcore_barrier()
    pltpu.sync_copy(acc.at[pl.ds(rbase, rpt)],
                    accp_hbm.at[cid, pl.ds(rbase, rpt)])

  return k


def _b1_call(N, F, H, BN):

  def body(x_ref, w_ref, degp_ref, xs_ref, dinv_ref):
    deg = 1.0 + jnp.sum(degp_ref[...], axis=0)
    di = lax.rsqrt(deg)
    xw = jnp.dot(x_ref[...], w_ref[...], preferred_element_type=jnp.float32)
    xs_ref[...] = xw * di[:, None]
    dinv_ref[...] = di[:, None]

  return pl.pallas_call(
      body,
      grid=(pl.cdiv(N, BN),),
      in_specs=[
          pl.BlockSpec((BN, F), lambda i: (i, 0)),
          pl.BlockSpec((F, H), lambda i: (0, 0)),
          pl.BlockSpec((NC * NS, BN), lambda i: (0, i)),
      ],
      out_specs=[
          pl.BlockSpec((BN, H), lambda i: (i, 0)),
          pl.BlockSpec((BN, 1), lambda i: (i, 0)),
      ],
      out_shape=[
          jax.ShapeDtypeStruct((N, H), jnp.float32),
          jax.ShapeDtypeStruct((N, 1), jnp.float32),
      ],
  )


def _b2_call(N, H, O, BN):

  def body(accp_ref, xs1_ref, dinv_ref, b1_ref, w2_ref, xs2_ref):
    s = accp_ref[0] + accp_ref[1] + xs1_ref[...]
    h = jnp.maximum(s * dinv_ref[...] + b1_ref[...], 0.0)
    xs2_ref[...] = jnp.dot(h, w2_ref[...],
                           preferred_element_type=jnp.float32) * dinv_ref[...]

  return pl.pallas_call(
      body,
      grid=(pl.cdiv(N, BN),),
      in_specs=[
          pl.BlockSpec((NC, BN, H), lambda i: (0, i, 0)),
          pl.BlockSpec((BN, H), lambda i: (i, 0)),
          pl.BlockSpec((BN, 1), lambda i: (i, 0)),
          pl.BlockSpec((1, H), lambda i: (0, 0)),
          pl.BlockSpec((H, O), lambda i: (0, 0)),
      ],
      out_specs=pl.BlockSpec((BN, O), lambda i: (i, 0)),
      out_shape=jax.ShapeDtypeStruct((N, O), jnp.float32),
  )


def _b3_call(N, O, BN):

  def body(accp_ref, xs2_ref, dinv_ref, b2_ref, out_ref):
    s = accp_ref[0] + accp_ref[1] + xs2_ref[...]
    out_ref[...] = s * dinv_ref[...] + b2_ref[...]

  return pl.pallas_call(
      body,
      grid=(pl.cdiv(N, BN),),
      in_specs=[
          pl.BlockSpec((NC, BN, O), lambda i: (0, i, 0)),
          pl.BlockSpec((BN, O), lambda i: (i, 0)),
          pl.BlockSpec((BN, 1), lambda i: (i, 0)),
          pl.BlockSpec((1, O), lambda i: (0, 0)),
      ],
      out_specs=pl.BlockSpec((BN, O), lambda i: (i, 0)),
      out_shape=jax.ShapeDtypeStruct((N, O), jnp.float32),
  )


def kernel(x, edge_index, edge_attr, W1, b1, W2, b2):
  N, F = x.shape
  H = W1.shape[1]
  O = W2.shape[1]
  E = edge_index.shape[1]
  del edge_attr
  assert E % (NC * NS) == 0 and N % NS == 0
  BN = 1024

  row = edge_index[0]
  col = edge_index[1]
  rpt = _round8(-(-N // NS))
  zerosF = jnp.zeros((rpt, F), jnp.float32)

  nw = NC * NS
  nch = -(-E // (nw * CH))
  nch = (nch + 3) // 4 * 4
  E3 = nw * nch * CH
  NP = rpt * NS
  pad_ar = jnp.arange(E3 - E, dtype=jnp.int32)
  row3 = jnp.concatenate([row, pad_ar % N]).reshape(nw, nch, 1, CH)
  col3 = jnp.concatenate([col, N + pad_ar % (NP - N)]).reshape(nw, nch, 1, CH)
  idx3 = jnp.concatenate([row3, col3], axis=2)

  degp = _deg_call(N, E)(col)
  xs1, dinv = _b1_call(N, F, H, BN)(x, W1, degp)
  accp1 = _edge_call(N, nch, H)(xs1, idx3, zerosF)
  xs2 = _b2_call(N, H, O, BN)(accp1, xs1, dinv, b1.reshape(1, H), W2)
  accp2 = _edge_call(N, nch, O)(xs2, idx3, zerosF)
  out = _b3_call(N, O, BN)(accp2, xs2, dinv, b2.reshape(1, O))
  return out

# --- scband reference (transcript-rebuilt; emitter-appended) ---
"""Pipeline reference for scband-gcn-50663434224370 (READ-ONLY COPY).

The authoritative reference and input builder live on the scoring server;
editing this copy changes nothing except your own understanding.
"""

import jax, jax.numpy as jnp
import numpy as np

N = 10000
E = 320000
F_IN = 128
HID = 128
OUT = 128
D_EDGE = 16

def setup_inputs(seed: int = 0) -> dict:
    key = jax.random.key(seed)
    ks = jax.random.split(key, 8)
    x = jax.random.normal(ks[0], (N, F_IN), dtype=jnp.float32)
    edge_index = jax.random.randint(ks[1], (2, E), 0, N, dtype=jnp.int32)
    edge_attr = jax.random.normal(ks[2], (E, D_EDGE), dtype=jnp.float32)
    W1 = jax.random.normal(ks[3], (F_IN, HID), dtype=jnp.float32) * (1.0 / np.sqrt(F_IN))
    b1 = jnp.zeros((HID,), dtype=jnp.float32)
    W2 = jax.random.normal(ks[4], (HID, OUT), dtype=jnp.float32) * (1.0 / np.sqrt(HID))
    b2 = jnp.zeros((OUT,), dtype=jnp.float32)
    return {"x": x, "edge_index": edge_index, "edge_attr": edge_attr,
            "W1": W1, "b1": b1, "W2": W2, "b2": b2}

def _gcn_conv(x, edge_index, W, b):
    # Faithful GCNConv: x' = D^{-1/2} (A + I) D^{-1/2} X W + b (self-loops added)
    n = x.shape[0]
    xw = x @ W
    row = edge_index[0]
    col = edge_index[1]
    loop = jnp.arange(n, dtype=edge_index.dtype)
    row = jnp.concatenate([row, loop])
    col = jnp.concatenate([col, loop])
    ones = jnp.ones(row.shape[0], dtype=xw.dtype)
    deg = jnp.zeros((n,), dtype=xw.dtype).at[col].add(ones)
    deg_inv_sqrt = jnp.where(deg > 0, jax.lax.rsqrt(jnp.maximum(deg, 1e-12)), 0.0)
    norm = deg_inv_sqrt[row] * deg_inv_sqrt[col]
    msg = xw[row] * norm[:, None]
    out = jax.ops.segment_sum(msg, col, num_segments=n)
    return out + b

def reference(x, edge_index, edge_attr, W1, b1, W2, b2):
    # edge_attr is accepted by the original forward but unused by GCNConv layers
    h = _gcn_conv(x, edge_index, W1, b1)
    h = jax.nn.relu(h)
    # F.dropout with training flag: evaluated deterministically (eval mode / identity)
    out = _gcn_conv(h, edge_index, W2, b2)
    return out

if __name__ == "__main__":
    import jax
    _d = setup_inputs()
    print(jax.jit(kernel)(*tuple(_d.values())))

</pallas_src>

<mosaic_0001>
#map = affine_map<(d0, d1) -> (0, 0)>
#map1 = affine_map<(d0, d1) -> (0, 0, 0, 0)>
#map2 = affine_map<(d0, d1) -> (0, 0, 0)>
module attributes {stable_mosaic.version = 14 : i64} {
  func.func @k(%arg0: i32, %arg1: i32, %arg2: memref<10000x128xf32, #tpu.memory_space<hbm>>, %arg3: memref<32x80x2x128xi32, #tpu.memory_space<hbm>>, %arg4: memref<632x128xf32, #tpu.memory_space<hbm>>, %arg5: memref<2x10112x128xf32, #tpu.memory_space<hbm>>, %arg6: memref<4x2x128xi32, #tpu.memory_space<vmem>>, %arg7: memref<128x128xf32, #tpu.memory_space<vmem>>, %arg8: memref<128x128xf32, #tpu.memory_space<vmem>>, %arg9: memref<10112x128xf32, #tpu.memory_space<vmem_shared>>, %arg10: memref<!tpu.dma_semaphore, #tpu.memory_space<semaphore_mem>>, %arg11: memref<!tpu.dma_semaphore, #tpu.memory_space<semaphore_mem>>, %arg12: memref<!tpu.dma_semaphore, #tpu.memory_space<semaphore_mem>>, %arg13: memref<!tpu.dma_semaphore, #tpu.memory_space<semaphore_mem>>, %arg14: memref<!tpu.dma_semaphore, #tpu.memory_space<semaphore_mem>>, %arg15: memref<!tpu.dma_semaphore, #tpu.memory_space<semaphore_mem>>) attributes {dimension_semantics = [#tpu.dimension_semantics<core_parallel>, #tpu.dimension_semantics<subcore_parallel>], iteration_bounds = array<i64: 2, 16>, scalar_prefetch = 0 : i64, scratch_operands = 10 : i64, tpu.core_type = #tpu.core_type<sc_vector_subcore>, window_params = [{transform_indices = #map}, {transform_indices = #map1}, {transform_indices = #map}, {transform_indices = #map2}]} {
    %mul3A = arith.constant 16 : i32
    %mul3A_0 = arith.muli %arg0, %mul3A : i32
    %add3A = arith.addi %mul3A_0, %arg1 : i32
    %mul3A_1 = arith.constant 632 : i32
    %mul3A_2 = arith.muli %arg1, %mul3A_1 : i32
    "tpu.region"() ({
      %run_scoped3A_222 = tpu.sem_alloc : memref<!tpu.dma_semaphore, #tpu.memory_space<semaphore_mem>>
      %dma_start3A_223 = arith.constant 0 : i32
      %dma_start3A_224 = tpu.memref_slice %arg9[%mul3A_2, %dma_start3A_223] : memref<10112x128xf32, #tpu.memory_space<vmem_shared>> -> memref<632x128xf32, #tpu.memory_space<vmem_shared>>
      tpu.enqueue_dma source(%arg4 : memref<632x128xf32, #tpu.memory_space<hbm>>) target(%dma_start3A_224 : memref<632x128xf32, #tpu.memory_space<vmem_shared>>) target_semaphore(%run_scoped3A_222 : memref<!tpu.dma_semaphore, #tpu.memory_space<semaphore_mem>>)
      %dma_wait3A_225 = arith.constant 0 : i32
      %dma_wait3A_226 = tpu.memref_slice %arg9[%mul3A_2, %dma_wait3A_225] : memref<10112x128xf32, #tpu.memory_space<vmem_shared>> -> memref<632x128xf32, #tpu.memory_space<vmem_shared>>
      tpu.wait_dma2 semaphore(%run_scoped3A_222 : memref<!tpu.dma_semaphore, #tpu.memory_space<semaphore_mem>>) src(%arg4 : memref<632x128xf32, #tpu.memory_space<hbm>>) dst(%dma_wait3A_226 : memref<632x128xf32, #tpu.memory_space<vmem_shared>>)
      tpu.yield
    }) : () -> ()
    %barrier3A = arith.constant 0 : index
    tpu.barrier barrier_id(%barrier3A)
    %dma_start3A = arith.constant 0 : i32
    %dma_start3A_3 = arith.constant 0 : i32
    %dma_start3A_4 = arith.constant 0 : i32
    %dma_start3A_5 = arith.constant 0 : i32
    %dma_start3A_6 = tpu.memref_slice %arg6[%dma_start3A_3, %dma_start3A_4, %dma_start3A_5] : memref<4x2x128xi32, #tpu.memory_space<vmem>> -> memref<1x2x128xi32, #tpu.memory_space<vmem>>
    %dma_start3A_7 = tpu.memref_squeeze %dma_start3A_6 : memref<1x2x128xi32, #tpu.memory_space<vmem>> -> memref<2x128xi32, #tpu.memory_space<vmem>>
    %dma_start3A_8 = arith.constant 0 : i32
    %dma_start3A_9 = arith.constant 0 : i32
    %dma_start3A_10 = tpu.memref_slice %arg3[%add3A, %dma_start3A, %dma_start3A_8, %dma_start3A_9] : memref<32x80x2x128xi32, #tpu.memory_space<hbm>> -> memref<1x1x2x128xi32, #tpu.memory_space<hbm>>
    %dma_start3A_11 = tpu.memref_squeeze %dma_start3A_10 : memref<1x1x2x128xi32, #tpu.memory_space<hbm>> -> memref<2x128xi32, #tpu.memory_space<hbm>>
    %dma_start3A_12 = arith.constant 0 : i32
    %dma_start3A_13 = arith.constant 0 : i32
    %dma_start3A_14 = tpu.memref_slice %arg6[%dma_start3A_3, %dma_start3A_12, %dma_start3A_13] : memref<4x2x128xi32, #tpu.memory_space<vmem>> -> memref<1x2x128xi32, #tpu.memory_space<vmem>>
    %dma_start3A_15 = tpu.memref_squeeze %dma_start3A_14 : memref<1x2x128xi32, #tpu.memory_space<vmem>> -> memref<2x128xi32, #tpu.memory_space<vmem>>
    %dma_start3A_16 = arith.constant 0 : i32
    %dma_start3A_17 = arith.constant 0 : i32
    %dma_start3A_18 = tpu.memref_slice %arg3[%add3A, %dma_start3A, %dma_start3A_16, %dma_start3A_17] : memref<32x80x2x128xi32, #tpu.memory_space<hbm>> -> memref<1x1x2x128xi32, #tpu.memory_space<hbm>>
    %dma_start3A_19 = tpu.memref_squeeze %dma_start3A_18 : memref<1x1x2x128xi32, #tpu.memory_space<hbm>> -> memref<2x128xi32, #tpu.memory_space<hbm>>
    tpu.enqueue_dma source(%dma_start3A_19 : memref<2x128xi32, #tpu.memory_space<hbm>>) target(%dma_start3A_15 : memref<2x128xi32, #tpu.memory_space<vmem>>) target_semaphore(%arg10 : memref<!tpu.dma_semaphore, #tpu.memory_space<semaphore_mem>>)
    %dma_start3A_20 = arith.constant 1 : i32
    %dma_start3A_21 = arith.constant 1 : i32
    %dma_start3A_22 = arith.constant 0 : i32
    %dma_start3A_23 = arith.constant 0 : i32
    %dma_start3A_24 = tpu.memref_slice %arg6[%dma_start3A_21, %dma_start3A_22, %dma_start3A_23] : memref<4x2x128xi32, #tpu.memory_space<vmem>> -> memref<1x2x128xi32, #tpu.memory_space<vmem>>
    %dma_start3A_25 = tpu.memref_squeeze %dma_start3A_24 : memref<1x2x128xi32, #tpu.memory_space<vmem>> -> memref<2x128xi32, #tpu.memory_space<vmem>>
    %dma_start3A_26 = arith.constant 0 : i32
    %dma_start3A_27 = arith.constant 0 : i32
    %dma_start3A_28 = tpu.memref_slice %arg3[%add3A, %dma_start3A_20, %dma_start3A_26, %dma_start3A_27] : memref<32x80x2x128xi32, #tpu.memory_space<hbm>> -> memref<1x1x2x128xi32, #tpu.memory_space<hbm>>
    %dma_start3A_29 = tpu.memref_squeeze %dma_start3A_28 : memref<1x1x2x128xi32, #tpu.memory_space<hbm>> -> memref<2x128xi32, #tpu.memory_space<hbm>>
    %dma_start3A_30 = arith.constant 0 : i32
    %dma_start3A_31 = arith.constant 0 : i32
    %dma_start3A_32 = tpu.memref_slice %arg6[%dma_start3A_21, %dma_start3A_30, %dma_start3A_31] : memref<4x2x128xi32, #tpu.memory_space<vmem>> -> memref<1x2x128xi32, #tpu.memory_space<vmem>>
    %dma_start3A_33 = tpu.memref_squeeze %dma_start3A_32 : memref<1x2x128xi32, #tpu.memory_space<vmem>> -> memref<2x128xi32, #tpu.memory_space<vmem>>
    %dma_start3A_34 = arith.constant 0 : i32
    %dma_start3A_35 = arith.constant 0 : i32
    %dma_start3A_36 = tpu.memref_slice %arg3[%add3A, %dma_start3A_20, %dma_start3A_34, %dma_start3A_35] : memref<32x80x2x128xi32, #tpu.memory_space<hbm>> -> memref<1x1x2x128xi32, #tpu.memory_space<hbm>>
    %dma_start3A_37 = tpu.memref_squeeze %dma_start3A_36 : memref<1x1x2x128xi32, #tpu.memory_space<hbm>> -> memref<2x128xi32, #tpu.memory_space<hbm>>
    tpu.enqueue_dma source(%dma_start3A_37 : memref<2x128xi32, #tpu.memory_space<hbm>>) target(%dma_start3A_33 : memref<2x128xi32, #tpu.memory_space<vmem>>) target_semaphore(%arg11 : memref<!tpu.dma_semaphore, #tpu.memory_space<semaphore_mem>>)
    %dma_wait3A = arith.constant 0 : i32
    %dma_wait3A_38 = arith.constant 0 : i32
    %dma_wait3A_39 = arith.constant 0 : i32
    %dma_wait3A_40 = arith.constant 0 : i32
    %dma_wait3A_41 = tpu.memref_slice %arg6[%dma_wait3A_38, %dma_wait3A_39, %dma_wait3A_40] : memref<4x2x128xi32, #tpu.memory_space<vmem>> -> memref<1x2x128xi32, #tpu.memory_space<vmem>>
    %dma_wait3A_42 = tpu.memref_squeeze %dma_wait3A_41 : memref<1x2x128xi32, #tpu.memory_space<vmem>> -> memref<2x128xi32, #tpu.memory_space<vmem>>
    %dma_wait3A_43 = arith.constant 0 : i32
    %dma_wait3A_44 = arith.constant 0 : i32
    %dma_wait3A_45 = tpu.memref_slice %arg3[%add3A, %dma_wait3A, %dma_wait3A_43, %dma_wait3A_44] : memref<32x80x2x128xi32, #tpu.memory_space<hbm>> -> memref<1x1x2x128xi32, #tpu.memory_space<hbm>>
    %dma_wait3A_46 = tpu.memref_squeeze %dma_wait3A_45 : memref<1x1x2x128xi32, #tpu.memory_space<hbm>> -> memref<2x128xi32, #tpu.memory_space<hbm>>
    %dma_wait3A_47 = arith.constant 0 : i32
    %dma_wait3A_48 = arith.constant 0 : i32
    %dma_wait3A_49 = tpu.memref_slice %arg6[%dma_wait3A_38, %dma_wait3A_47, %dma_wait3A_48] : memref<4x2x128xi32, #tpu.memory_space<vmem>> -> memref<1x2x128xi32, #tpu.memory_space<vmem>>
    %dma_wait3A_50 = tpu.memref_squeeze %dma_wait3A_49 : memref<1x2x128xi32, #tpu.memory_space<vmem>> -> memref<2x128xi32, #tpu.memory_space<vmem>>
    %dma_wait3A_51 = arith.constant 0 : i32
    %dma_wait3A_52 = arith.constant 0 : i32
    %dma_wait3A_53 = tpu.memref_slice %arg3[%add3A, %dma_wait3A, %dma_wait3A_51, %dma_wait3A_52] : memref<32x80x2x128xi32, #tpu.memory_space<hbm>> -> memref<1x1x2x128xi32, #tpu.memory_space<hbm>>
    %dma_wait3A_54 = tpu.memref_squeeze %dma_wait3A_53 : memref<1x1x2x128xi32, #tpu.memory_space<hbm>> -> memref<2x128xi32, #tpu.memory_space<hbm>>
    tpu.wait_dma2 semaphore(%arg10 : memref<!tpu.dma_semaphore, #tpu.memory_space<semaphore_mem>>) src(%dma_wait3A_54 : memref<2x128xi32, #tpu.memory_space<hbm>>) dst(%dma_wait3A_50 : memref<2x128xi32, #tpu.memory_space<vmem>>)
    %dma_start3A_55 = arith.constant 0 : i32
    %dma_start3A_56 = arith.constant 0 : i32
    %dma_start3A_57 = arith.constant 0 : i32
    %dma_start3A_58 = tpu.memref_slice %arg6[%dma_start3A_55, %dma_start3A_56, %dma_start3A_57] : memref<4x2x128xi32, #tpu.memory_space<vmem>> -> memref<1x1x128xi32, #tpu.memory_space<vmem>>
    %dma_start3A_59 = tpu.memref_squeeze %dma_start3A_58 : memref<1x1x128xi32, #tpu.memory_space<vmem>> -> memref<128xi32, #tpu.memory_space<vmem>>
    %dma_start3A_60 = arith.constant 0 : i32
    %dma_start3A_61 = arith.constant 0 : i32
    %dma_start3A_62 = tpu.memref_slice %arg2[%dma_start3A_60, %dma_start3A_61] : memref<10000x128xf32, #tpu.memory_space<hbm>> -> memref<10000x128xf32, #tpu.memory_space<hbm>>
    tpu.enqueue_indirect_dma source(%dma_start3A_62 : memref<10000x128xf32, #tpu.memory_space<hbm>>) target(%arg7 : memref<128x128xf32, #tpu.memory_space<vmem>>) offsets(%dma_start3A_59 : memref<128xi32, #tpu.memory_space<vmem>>) semaphore(%arg14 : memref<!tpu.dma_semaphore, #tpu.memory_space<semaphore_mem>>)
    %dma_wait3A_63 = arith.constant 0 : i32
    %dma_wait3A_64 = arith.constant 0 : i32
    %dma_wait3A_65 = arith.constant 0 : i32
    %dma_wait3A_66 = tpu.memref_slice %arg6[%dma_wait3A_63, %dma_wait3A_64, %dma_wait3A_65] : memref<4x2x128xi32, #tpu.memory_space<vmem>> -> memref<1x1x128xi32, #tpu.memory_space<vmem>>
    %dma_wait3A_67 = tpu.memref_squeeze %dma_wait3A_66 : memref<1x1x128xi32, #tpu.memory_space<vmem>> -> memref<128xi32, #tpu.memory_space<vmem>>
    %dma_wait3A_68 = arith.constant 0 : i32
    %dma_wait3A_69 = arith.constant 0 : i32
    %dma_wait3A_70 = tpu.memref_slice %arg2[%dma_wait3A_68, %dma_wait3A_69] : memref<10000x128xf32, #tpu.memory_space<hbm>> -> memref<10000x128xf32, #tpu.memory_space<hbm>>
    tpu.wait_indirect_dma semaphore(%arg14 : memref<!tpu.dma_semaphore, #tpu.memory_space<semaphore_mem>>) src(%dma_wait3A_70 : memref<10000x128xf32, #tpu.memory_space<hbm>>) dst(%arg7 : memref<128x128xf32, #tpu.memory_space<vmem>>)
    %scan3A = arith.constant 0 : i32
    %scan3A_71 = arith.constant 0 : i32
    %scan3A_72 = arith.constant 19 : i32
    %scan3A_73 = arith.addi %scan3A_71, %scan3A_72 : i32
    %scan3A_74 = arith.constant 1 : i32
    scf.for %scan3A_222 = %scan3A_71 to %scan3A_73 step %scan3A_74  : i32 {
      %mul3A_223 = arith.constant 4 : i32
      %mul3A_224 = arith.muli %scan3A_222, %mul3A_223 : i32
      %add3A_225 = arith.constant 0 : i32
      %add3A_226 = arith.addi %mul3A_224, %add3A_225 : i32
      %add3A_227 = arith.constant 2 : i32
      %add3A_228 = arith.addi %add3A_226, %add3A_227 : i32
      %dma_start3A_229 = arith.constant 2 : i32
      %dma_start3A_230 = arith.constant 0 : i32
      %dma_start3A_231 = arith.constant 0 : i32
      %dma_start3A_232 = tpu.memref_slice %arg6[%dma_start3A_229, %dma_start3A_230, %dma_start3A_231] : memref<4x2x128xi32, #tpu.memory_space<vmem>> -> memref<1x2x128xi32, #tpu.memory_space<vmem>>
      %dma_start3A_233 = tpu.memref_squeeze %dma_start3A_232 : memref<1x2x128xi32, #tpu.memory_space<vmem>> -> memref<2x128xi32, #tpu.memory_space<vmem>>
      %dma_start3A_234 = arith.constant 0 : i32
      %dma_start3A_235 = arith.constant 0 : i32
      %dma_start3A_236 = tpu.memref_slice %arg3[%add3A, %add3A_228, %dma_start3A_234, %dma_start3A_235] : memref<32x80x2x128xi32, #tpu.memory_space<hbm>> -> memref<1x1x2x128xi32, #tpu.memory_space<hbm>>
      %dma_start3A_237 = tpu.memref_squeeze %dma_start3A_236 : memref<1x1x2x128xi32, #tpu.memory_space<hbm>> -> memref<2x128xi32, #tpu.memory_space<hbm>>
      %dma_start3A_238 = arith.constant 0 : i32
      %dma_start3A_239 = arith.constant 0 : i32
      %dma_start3A_240 = tpu.memref_slice %arg6[%dma_start3A_229, %dma_start3A_238, %dma_start3A_239] : memref<4x2x128xi32, #tpu.memory_space<vmem>> -> memref<1x2x128xi32, #tpu.memory_space<vmem>>
      %dma_start3A_241 = tpu.memref_squeeze %dma_start3A_240 : memref<1x2x128xi32, #tpu.memory_space<vmem>> -> memref<2x128xi32, #tpu.memory_space<vmem>>
      %dma_start3A_242 = arith.constant 0 : i32
      %dma_start3A_243 = arith.constant 0 : i32
      %dma_start3A_244 = tpu.memref_slice %arg3[%add3A, %add3A_228, %dma_start3A_242, %dma_start3A_243] : memref<32x80x2x128xi32, #tpu.memory_space<hbm>> -> memref<1x1x2x128xi32, #tpu.memory_space<hbm>>
      %dma_start3A_245 = tpu.memref_squeeze %dma_start3A_244 : memref<1x1x2x128xi32, #tpu.memory_space<hbm>> -> memref<2x128xi32, #tpu.memory_space<hbm>>
      tpu.enqueue_dma source(%dma_start3A_245 : memref<2x128xi32, #tpu.memory_space<hbm>>) target(%dma_start3A_241 : memref<2x128xi32, #tpu.memory_space<vmem>>) target_semaphore(%arg12 : memref<!tpu.dma_semaphore, #tpu.memory_space<semaphore_mem>>)
      %add3A_246 = arith.constant 1 : i32
      %add3A_247 = arith.addi %add3A_226, %add3A_246 : i32
      %dma_wait3A_248 = arith.constant 1 : i32
      %dma_wait3A_249 = arith.constant 0 : i32
      %dma_wait3A_250 = arith.constant 0 : i32
      %dma_wait3A_251 = tpu.memref_slice %arg6[%dma_wait3A_248, %dma_wait3A_249, %dma_wait3A_250] : memref<4x2x128xi32, #tpu.memory_space<vmem>> -> memref<1x2x128xi32, #tpu.memory_space<vmem>>
      %dma_wait3A_252 = tpu.memref_squeeze %dma_wait3A_251 : memref<1x2x128xi32, #tpu.memory_space<vmem>> -> memref<2x128xi32, #tpu.memory_space<vmem>>
      %dma_wait3A_253 = arith.constant 0 : i32
      %dma_wait3A_254 = arith.constant 0 : i32
      %dma_wait3A_255 = tpu.memref_slice %arg3[%add3A, %add3A_247, %dma_wait3A_253, %dma_wait3A_254] : memref<32x80x2x128xi32, #tpu.memory_space<hbm>> -> memref<1x1x2x128xi32, #tpu.memory_space<hbm>>
      %dma_wait3A_256 = tpu.memref_squeeze %dma_wait3A_255 : memref<1x1x2x128xi32, #tpu.memory_space<hbm>> -> memref<2x128xi32, #tpu.memory_space<hbm>>
      %dma_wait3A_257 = arith.constant 0 : i32
      %dma_wait3A_258 = arith.constant 0 : i32
      %dma_wait3A_259 = tpu.memref_slice %arg6[%dma_wait3A_248, %dma_wait3A_257, %dma_wait3A_258] : memref<4x2x128xi32, #tpu.memory_space<vmem>> -> memref<1x2x128xi32, #tpu.memory_space<vmem>>
      %dma_wait3A_260 = tpu.memref_squeeze %dma_wait3A_259 : memref<1x2x128xi32, #tpu.memory_space<vmem>> -> memref<2x128xi32, #tpu.memory_space<vmem>>
      %dma_wait3A_261 = arith.constant 0 : i32
      %dma_wait3A_262 = arith.constant 0 : i32
      %dma_wait3A_263 = tpu.memref_slice %arg3[%add3A, %add3A_247, %dma_wait3A_261, %dma_wait3A_262] : memref<32x80x2x128xi32, #tpu.memory_space<hbm>> -> memref<1x1x2x128xi32, #tpu.memory_space<hbm>>
      %dma_wait3A_264 = tpu.memref_squeeze %dma_wait3A_263 : memref<1x1x2x128xi32, #tpu.memory_space<hbm>> -> memref<2x128xi32, #tpu.memory_space<hbm>>
      tpu.wait_dma2 semaphore(%arg11 : memref<!tpu.dma_semaphore, #tpu.memory_space<semaphore_mem>>) src(%dma_wait3A_264 : memref<2x128xi32, #tpu.memory_space<hbm>>) dst(%dma_wait3A_260 : memref<2x128xi32, #tpu.memory_space<vmem>>)
      %dma_start3A_265 = arith.constant 1 : i32
      %dma_start3A_266 = arith.constant 0 : i32
      %dma_start3A_267 = arith.constant 0 : i32
      %dma_start3A_268 = tpu.memref_slice %arg6[%dma_start3A_265, %dma_start3A_266, %dma_start3A_267] : memref<4x2x128xi32, #tpu.memory_space<vmem>> -> memref<1x1x128xi32, #tpu.memory_space<vmem>>
      %dma_start3A_269 = tpu.memref_squeeze %dma_start3A_268 : memref<1x1x128xi32, #tpu.memory_space<vmem>> -> memref<128xi32, #tpu.memory_space<vmem>>
      %dma_start3A_270 = arith.constant 0 : i32
      %dma_start3A_271 = arith.constant 0 : i32
      %dma_start3A_272 = tpu.memref_slice %arg2[%dma_start3A_270, %dma_start3A_271] : memref<10000x128xf32, #tpu.memory_space<hbm>> -> memref<10000x128xf32, #tpu.memory_space<hbm>>
      tpu.enqueue_indirect_dma source(%dma_start3A_272 : memref<10000x128xf32, #tpu.memory_space<hbm>>) target(%arg8 : memref<128x128xf32, #tpu.memory_space<vmem>>) offsets(%dma_start3A_269 : memref<128xi32, #tpu.memory_space<vmem>>) semaphore(%arg15 : memref<!tpu.dma_semaphore, #tpu.memory_space<semaphore_mem>>)
      %run_scoped3A_273 = arith.constant 0 : i32
      %run_scoped3A_274 = arith.constant 1 : i32
      "tpu.region"() ({
        %run_scoped3A_463 = tpu.sem_alloc : memref<!tpu.dma_semaphore, #tpu.memory_space<semaphore_mem>>
        %dma_start3A_464 = arith.constant 0 : i32
        %dma_start3A_465 = tpu.memref_slice %arg6[%run_scoped3A_273, %run_scoped3A_274, %dma_start3A_464] : memref<4x2x128xi32, #tpu.memory_space<vmem>> -> memref<1x1x128xi32, #tpu.memory_space<vmem>>
        %dma_start3A_466 = tpu.memref_squeeze %dma_start3A_465 : memref<1x1x128xi32, #tpu.memory_space<vmem>> -> memref<128xi32, #tpu.memory_space<vmem>>
        %dma_start3A_467 = arith.constant 0 : i32
        %dma_start3A_468 = arith.constant 0 : i32
        %dma_start3A_469 = tpu.memref_slice %arg9[%dma_start3A_467, %dma_start3A_468] : memref<10112x128xf32, #tpu.memory_space<vmem_shared>> -> memref<10112x128xf32, #tpu.memory_space<vmem_shared>>
        tpu.enqueue_indirect_dma source(%arg7 : memref<128x128xf32, #tpu.memory_space<vmem>>) target(%dma_start3A_469 : memref<10112x128xf32, #tpu.memory_space<vmem_shared>>) offsets(%dma_start3A_466 : memref<128xi32, #tpu.memory_space<vmem>>) semaphore(%run_scoped3A_463 : memref<!tpu.dma_semaphore, #tpu.memory_space<semaphore_mem>>) {add = true}
        %dma_wait3A_470 = arith.constant 0 : i32
        %dma_wait3A_471 = tpu.memref_slice %arg6[%run_scoped3A_273, %run_scoped3A_274, %dma_wait3A_470] : memref<4x2x128xi32, #tpu.memory_space<vmem>> -> memref<1x1x128xi32, #tpu.memory_space<vmem>>
        %dma_wait3A_472 = tpu.memref_squeeze %dma_wait3A_471 : memref<1x1x128xi32, #tpu.memory_space<vmem>> -> memref<128xi32, #tpu.memory_space<vmem>>
        %dma_wait3A_473 = arith.constant 0 : i32
        %dma_wait3A_474 = arith.constant 0 : i32
        %dma_wait3A_475 = tpu.memref_slice %arg9[%dma_wait3A_473, %dma_wait3A_474] : memref<10112x128xf32, #tpu.memory_space<vmem_shared>> -> memref<10112x128xf32, #tpu.memory_space<vmem_shared>>
        tpu.wait_indirect_dma semaphore(%run_scoped3A_463 : memref<!tpu.dma_semaphore, #tpu.memory_space<semaphore_mem>>) src(%arg7 : memref<128x128xf32, #tpu.memory_space<vmem>>) dst(%dma_wait3A_475 : memref<10112x128xf32, #tpu.memory_space<vmem_shared>>)
        tpu.yield
      }) : () -> ()
      %dma_wait3A_275 = arith.constant 1 : i32
      %dma_wait3A_276 = arith.constant 0 : i32
      %dma_wait3A_277 = arith.constant 0 : i32
      %dma_wait3A_278 = tpu.memref_slice %arg6[%dma_wait3A_275, %dma_wait3A_276, %dma_wait3A_277] : memref<4x2x128xi32, #tpu.memory_space<vmem>> -> memref<1x1x128xi32, #tpu.memory_space<vmem>>
      %dma_wait3A_279 = tpu.memref_squeeze %dma_wait3A_278 : memref<1x1x128xi32, #tpu.memory_space<vmem>> -> memref<128xi32, #tpu.memory_space<vmem>>
      %dma_wait3A_280 = arith.constant 0 : i32
      %dma_wait3A_281 = arith.constant 0 : i32
      %dma_wait3A_282 = tpu.memref_slice %arg2[%dma_wait3A_280, %dma_wait3A_281] : memref<10000x128xf32, #tpu.memory_space<hbm>> -> memref<10000x128xf32, #tpu.memory_space<hbm>>
      tpu.wait_indirect_dma semaphore(%arg15 : memref<!tpu.dma_semaphore, #tpu.memory_space<semaphore_mem>>) src(%dma_wait3A_282 : memref<10000x128xf32, #tpu.memory_space<hbm>>) dst(%arg8 : memref<128x128xf32, #tpu.memory_space<vmem>>)
      %mul3A_283 = arith.constant 4 : i32
      %mul3A_284 = arith.muli %scan3A_222, %mul3A_283 : i32
      %add3A_285 = arith.constant 1 : i32
      %add3A_286 = arith.addi %mul3A_284, %add3A_285 : i32
      %add3A_287 = arith.constant 2 : i32
      %add3A_288 = arith.addi %add3A_286, %add3A_287 : i32
      %dma_start3A_289 = arith.constant 3 : i32
      %dma_start3A_290 = arith.constant 0 : i32
      %dma_start3A_291 = arith.constant 0 : i32
      %dma_start3A_292 = tpu.memref_slice %arg6[%dma_start3A_289, %dma_start3A_290, %dma_start3A_291] : memref<4x2x128xi32, #tpu.memory_space<vmem>> -> memref<1x2x128xi32, #tpu.memory_space<vmem>>
      %dma_start3A_293 = tpu.memref_squeeze %dma_start3A_292 : memref<1x2x128xi32, #tpu.memory_space<vmem>> -> memref<2x128xi32, #tpu.memory_space<vmem>>
      %dma_start3A_294 = arith.constant 0 : i32
      %dma_start3A_295 = arith.constant 0 : i32
      %dma_start3A_296 = tpu.memref_slice %arg3[%add3A, %add3A_288, %dma_start3A_294, %dma_start3A_295] : memref<32x80x2x128xi32, #tpu.memory_space<hbm>> -> memref<1x1x2x128xi32, #tpu.memory_space<hbm>>
      %dma_start3A_297 = tpu.memref_squeeze %dma_start3A_296 : memref<1x1x2x128xi32, #tpu.memory_space<hbm>> -> memref<2x128xi32, #tpu.memory_space<hbm>>
      %dma_start3A_298 = arith.constant 0 : i32
      %dma_start3A_299 = arith.constant 0 : i32
      %dma_start3A_300 = tpu.memref_slice %arg6[%dma_start3A_289, %dma_start3A_298, %dma_start3A_299] : memref<4x2x128xi32, #tpu.memory_space<vmem>> -> memref<1x2x128xi32, #tpu.memory_space<vmem>>
      %dma_start3A_301 = tpu.memref_squeeze %dma_start3A_300 : memref<1x2x128xi32, #tpu.memory_space<vmem>> -> memref<2x128xi32, #tpu.memory_space<vmem>>
      %dma_start3A_302 = arith.constant 0 : i32
      %dma_start3A_303 = arith.constant 0 : i32
      %dma_start3A_304 = tpu.memref_slice %arg3[%add3A, %add3A_288, %dma_start3A_302, %dma_start3A_303] : memref<32x80x2x128xi32, #tpu.memory_space<hbm>> -> memref<1x1x2x128xi32, #tpu.memory_space<hbm>>
      %dma_start3A_305 = tpu.memref_squeeze %dma_start3A_304 : memref<1x1x2x128xi32, #tpu.memory_space<hbm>> -> memref<2x128xi32, #tpu.memory_space<hbm>>
      tpu.enqueue_dma source(%dma_start3A_305 : memref<2x128xi32, #tpu.memory_space<hbm>>) target(%dma_start3A_301 : memref<2x128xi32, #tpu.memory_space<vmem>>) target_semaphore(%arg13 : memref<!tpu.dma_semaphore, #tpu.memory_space<semaphore_mem>>)
      %add3A_306 = arith.constant 1 : i32
      %add3A_307 = arith.addi %add3A_286, %add3A_306 : i32
      %dma_wait3A_308 = arith.constant 2 : i32
      %dma_wait3A_309 = arith.constant 0 : i32
      %dma_wait3A_310 = arith.constant 0 : i32
      %dma_wait3A_311 = tpu.memref_slice %arg6[%dma_wait3A_308, %dma_wait3A_309, %dma_wait3A_310] : memref<4x2x128xi32, #tpu.memory_space<vmem>> -> memref<1x2x128xi32, #tpu.memory_space<vmem>>
      %dma_wait3A_312 = tpu.memref_squeeze %dma_wait3A_311 : memref<1x2x128xi32, #tpu.memory_space<vmem>> -> memref<2x128xi32, #tpu.memory_space<vmem>>
      %dma_wait3A_313 = arith.constant 0 : i32
      %dma_wait3A_314 = arith.constant 0 : i32
      %dma_wait3A_315 = tpu.memref_slice %arg3[%add3A, %add3A_307, %dma_wait3A_313, %dma_wait3A_314] : memref<32x80x2x128xi32, #tpu.memory_space<hbm>> -> memref<1x1x2x128xi32, #tpu.memory_space<hbm>>
      %dma_wait3A_316 = tpu.memref_squeeze %dma_wait3A_315 : memref<1x1x2x128xi32, #tpu.memory_space<hbm>> -> memref<2x128xi32, #tpu.memory_space<hbm>>
      %dma_wait3A_317 = arith.constant 0 : i32
      %dma_wait3A_318 = arith.constant 0 : i32
      %dma_wait3A_319 = tpu.memref_slice %arg6[%dma_wait3A_308, %dma_wait3A_317, %dma_wait3A_318] : memref<4x2x128xi32, #tpu.memory_space<vmem>> -> memref<1x2x128xi32, #tpu.memory_space<vmem>>
      %dma_wait3A_320 = tpu.memref_squeeze %dma_wait3A_319 : memref<1x2x128xi32, #tpu.memory_space<vmem>> -> memref<2x128xi32, #tpu.memory_space<vmem>>
      %dma_wait3A_321 = arith.constant 0 : i32
      %dma_wait3A_322 = arith.constant 0 : i32
      %dma_wait3A_323 = tpu.memref_slice %arg3[%add3A, %add3A_307, %dma_wait3A_321, %dma_wait3A_322] : memref<32x80x2x128xi32, #tpu.memory_space<hbm>> -> memref<1x1x2x128xi32, #tpu.memory_space<hbm>>
      %dma_wait3A_324 = tpu.memref_squeeze %dma_wait3A_323 : memref<1x1x2x128xi32, #tpu.memory_space<hbm>> -> memref<2x128xi32, #tpu.memory_space<hbm>>
      tpu.wait_dma2 semaphore(%arg12 : memref<!tpu.dma_semaphore, #tpu.memory_space<semaphore_mem>>) src(%dma_wait3A_324 : memref<2x128xi32, #tpu.memory_space<hbm>>) dst(%dma_wait3A_320 : memref<2x128xi32, #tpu.memory_space<vmem>>)
      %dma_start3A_325 = arith.constant 2 : i32
      %dma_start3A_326 = arith.constant 0 : i32
      %dma_start3A_327 = arith.constant 0 : i32
      %dma_start3A_328 = tpu.memref_slice %arg6[%dma_start3A_325, %dma_start3A_326, %dma_start3A_327] : memref<4x2x128xi32, #tpu.memory_space<vmem>> -> memref<1x1x128xi32, #tpu.memory_space<vmem>>
      %dma_start3A_329 = tpu.memref_squeeze %dma_start3A_328 : memref<1x1x128xi32, #tpu.memory_space<vmem>> -> memref<128xi32, #tpu.memory_space<vmem>>
      %dma_start3A_330 = arith.constant 0 : i32
      %dma_start3A_331 = arith.constant 0 : i32
      %dma_start3A_332 = tpu.memref_slice %arg2[%dma_start3A_330, %dma_start3A_331] : memref<10000x128xf32, #tpu.memory_space<hbm>> -> memref<10000x128xf32, #tpu.memory_space<hbm>>
      tpu.enqueue_indirect_dma source(%dma_start3A_332 : memref<10000x128xf32, #tpu.memory_space<hbm>>) target(%arg7 : memref<128x128xf32, #tpu.memory_space<vmem>>) offsets(%dma_start3A_329 : memref<128xi32, #tpu.memory_space<vmem>>) semaphore(%arg14 : memref<!tpu.dma_semaphore, #tpu.memory_space<semaphore_mem>>)
      %run_scoped3A_333 = arith.constant 1 : i32
      %run_scoped3A_334 = arith.constant 1 : i32
      "tpu.region"() ({
        %run_scoped3A_463 = tpu.sem_alloc : memref<!tpu.dma_semaphore, #tpu.memory_space<semaphore_mem>>
        %dma_start3A_464 = arith.constant 0 : i32
        %dma_start3A_465 = tpu.memref_slice %arg6[%run_scoped3A_333, %run_scoped3A_334, %dma_start3A_464] : memref<4x2x128xi32, #tpu.memory_space<vmem>> -> memref<1x1x128xi32, #tpu.memory_space<vmem>>
        %dma_start3A_466 = tpu.memref_squeeze %dma_start3A_465 : memref<1x1x128xi32, #tpu.memory_space<vmem>> -> memref<128xi32, #tpu.memory_space<vmem>>
        %dma_start3A_467 = arith.constant 0 : i32
        %dma_start3A_468 = arith.constant 0 : i32
        %dma_start3A_469 = tpu.memref_slice %arg9[%dma_start3A_467, %dma_start3A_468] : memref<10112x128xf32, #tpu.memory_space<vmem_shared>> -> memref<10112x128xf32, #tpu.memory_space<vmem_shared>>
        tpu.enqueue_indirect_dma source(%arg8 : memref<128x128xf32, #tpu.memory_space<vmem>>) target(%dma_start3A_469 : memref<10112x128xf32, #tpu.memory_space<vmem_shared>>) offsets(%dma_start3A_466 : memref<128xi32, #tpu.memory_space<vmem>>) semaphore(%run_scoped3A_463 : memref<!tpu.dma_semaphore, #tpu.memory_space<semaphore_mem>>) {add = true}
        %dma_wait3A_470 = arith.constant 0 : i32
        %dma_wait3A_471 = tpu.memref_slice %arg6[%run_scoped3A_333, %run_scoped3A_334, %dma_wait3A_470] : memref<4x2x128xi32, #tpu.memory_space<vmem>> -> memref<1x1x128xi32, #tpu.memory_space<vmem>>
        %dma_wait3A_472 = tpu.memref_squeeze %dma_wait3A_471 : memref<1x1x128xi32, #tpu.memory_space<vmem>> -> memref<128xi32, #tpu.memory_space<vmem>>
        %dma_wait3A_473 = arith.constant 0 : i32
        %dma_wait3A_474 = arith.constant 0 : i32
        %dma_wait3A_475 = tpu.memref_slice %arg9[%dma_wait3A_473, %dma_wait3A_474] : memref<10112x128xf32, #tpu.memory_space<vmem_shared>> -> memref<10112x128xf32, #tpu.memory_space<vmem_shared>>
        tpu.wait_indirect_dma semaphore(%run_scoped3A_463 : memref<!tpu.dma_semaphore, #tpu.memory_space<semaphore_mem>>) src(%arg8 : memref<128x128xf32, #tpu.memory_space<vmem>>) dst(%dma_wait3A_475 : memref<10112x128xf32, #tpu.memory_space<vmem_shared>>)
        tpu.yield
      }) : () -> ()
      %dma_wait3A_335 = arith.constant 2 : i32
      %dma_wait3A_336 = arith.constant 0 : i32
      %dma_wait3A_337 = arith.constant 0 : i32
      %dma_wait3A_338 = tpu.memref_slice %arg6[%dma_wait3A_335, %dma_wait3A_336, %dma_wait3A_337] : memref<4x2x128xi32, #tpu.memory_space<vmem>> -> memref<1x1x128xi32, #tpu.memory_space<vmem>>
      %dma_wait3A_339 = tpu.memref_squeeze %dma_wait3A_338 : memref<1x1x128xi32, #tpu.memory_space<vmem>> -> memref<128xi32, #tpu.memory_space<vmem>>
      %dma_wait3A_340 = arith.constant 0 : i32
      %dma_wait3A_341 = arith.constant 0 : i32
      %dma_wait3A_342 = tpu.memref_slice %arg2[%dma_wait3A_340, %dma_wait3A_341] : memref<10000x128xf32, #tpu.memory_space<hbm>> -> memref<10000x128xf32, #tpu.memory_space<hbm>>
      tpu.wait_indirect_dma semaphore(%arg14 : memref<!tpu.dma_semaphore, #tpu.memory_space<semaphore_mem>>) src(%dma_wait3A_342 : memref<10000x128xf32, #tpu.memory_space<hbm>>) dst(%arg7 : memref<128x128xf32, #tpu.memory_space<vmem>>)
      %mul3A_343 = arith.constant 4 : i32
      %mul3A_344 = arith.muli %scan3A_222, %mul3A_343 : i32
      %add3A_345 = arith.constant 2 : i32
      %add3A_346 = arith.addi %mul3A_344, %add3A_345 : i32
      %add3A_347 = arith.constant 2 : i32
      %add3A_348 = arith.addi %add3A_346, %add3A_347 : i32
      %dma_start3A_349 = arith.constant 0 : i32
      %dma_start3A_350 = arith.constant 0 : i32
      %dma_start3A_351 = arith.constant 0 : i32
      %dma_start3A_352 = tpu.memref_slice %arg6[%dma_start3A_349, %dma_start3A_350, %dma_start3A_351] : memref<4x2x128xi32, #tpu.memory_space<vmem>> -> memref<1x2x128xi32, #tpu.memory_space<vmem>>
      %dma_start3A_353 = tpu.memref_squeeze %dma_start3A_352 : memref<1x2x128xi32, #tpu.memory_space<vmem>> -> memref<2x128xi32, #tpu.memory_space<vmem>>
      %dma_start3A_354 = arith.constant 0 : i32
      %dma_start3A_355 = arith.constant 0 : i32
      %dma_start3A_356 = tpu.memref_slice %arg3[%add3A, %add3A_348, %dma_start3A_354, %dma_start3A_355] : memref<32x80x2x128xi32, #tpu.memory_space<hbm>> -> memref<1x1x2x128xi32, #tpu.memory_space<hbm>>
      %dma_start3A_357 = tpu.memref_squeeze %dma_start3A_356 : memref<1x1x2x128xi32, #tpu.memory_space<hbm>> -> memref<2x128xi32, #tpu.memory_space<hbm>>
      %dma_start3A_358 = arith.constant 0 : i32
      %dma_start3A_359 = arith.constant 0 : i32
      %dma_start3A_360 = tpu.memref_slice %arg6[%dma_start3A_349, %dma_start3A_358, %dma_start3A_359] : memref<4x2x128xi32, #tpu.memory_space<vmem>> -> memref<1x2x128xi32, #tpu.memory_space<vmem>>
      %dma_start3A_361 = tpu.memref_squeeze %dma_start3A_360 : memref<1x2x128xi32, #tpu.memory_space<vmem>> -> memref<2x128xi32, #tpu.memory_space<vmem>>
      %dma_start3A_362 = arith.constant 0 : i32
      %dma_start3A_363 = arith.constant 0 : i32
      %dma_start3A_364 = tpu.memref_slice %arg3[%add3A, %add3A_348, %dma_start3A_362, %dma_start3A_363] : memref<32x80x2x128xi32, #tpu.memory_space<hbm>> -> memref<1x1x2x128xi32, #tpu.memory_space<hbm>>
      %dma_start3A_365 = tpu.memref_squeeze %dma_start3A_364 : memref<1x1x2x128xi32, #tpu.memory_space<hbm>> -> memref<2x128xi32, #tpu.memory_space<hbm>>
      tpu.enqueue_dma source(%dma_start3A_365 : memref<2x128xi32, #tpu.memory_space<hbm>>) target(%dma_start3A_361 : memref<2x128xi32, #tpu.memory_space<vmem>>) target_semaphore(%arg10 : memref<!tpu.dma_semaphore, #tpu.memory_space<semaphore_mem>>)
      %add3A_366 = arith.constant 1 : i32
      %add3A_367 = arith.addi %add3A_346, %add3A_366 : i32
      %dma_wait3A_368 = arith.constant 3 : i32
      %dma_wait3A_369 = arith.constant 0 : i32
      %dma_wait3A_370 = arith.constant 0 : i32
      %dma_wait3A_371 = tpu.memref_slice %arg6[%dma_wait3A_368, %dma_wait3A_369, %dma_wait3A_370] : memref<4x2x128xi32, #tpu.memory_space<vmem>> -> memref<1x2x128xi32, #tpu.memory_space<vmem>>
      %dma_wait3A_372 = tpu.memref_squeeze %dma_wait3A_371 : memref<1x2x128xi32, #tpu.memory_space<vmem>> -> memref<2x128xi32, #tpu.memory_space<vmem>>
      %dma_wait3A_373 = arith.constant 0 : i32
      %dma_wait3A_374 = arith.constant 0 : i32
      %dma_wait3A_375 = tpu.memref_slice %arg3[%add3A, %add3A_367, %dma_wait3A_373, %dma_wait3A_374] : memref<32x80x2x128xi32, #tpu.memory_space<hbm>> -> memref<1x1x2x128xi32, #tpu.memory_space<hbm>>
      %dma_wait3A_376 = tpu.memref_squeeze %dma_wait3A_375 : memref<1x1x2x128xi32, #tpu.memory_space<hbm>> -> memref<2x128xi32, #tpu.memory_space<hbm>>
      %dma_wait3A_377 = arith.constant 0 : i32
      %dma_wait3A_378 = arith.constant 0 : i32
      %dma_wait3A_379 = tpu.memref_slice %arg6[%dma_wait3A_368, %dma_wait3A_377, %dma_wait3A_378] : memref<4x2x128xi32, #tpu.memory_space<vmem>> -> memref<1x2x128xi32, #tpu.memory_space<vmem>>
      %dma_wait3A_380 = tpu.memref_squeeze %dma_wait3A_379 : memref<1x2x128xi32, #tpu.memory_space<vmem>> -> memref<2x128xi32, #tpu.memory_space<vmem>>
      %dma_wait3A_381 = arith.constant 0 : i32
      %dma_wait3A_382 = arith.constant 0 : i32
      %dma_wait3A_383 = tpu.memref_slice %arg3[%add3A, %add3A_367, %dma_wait3A_381, %dma_wait3A_382] : memref<32x80x2x128xi32, #tpu.memory_space<hbm>> -> memref<1x1x2x128xi32, #tpu.memory_space<hbm>>
      %dma_wait3A_384 = tpu.memref_squeeze %dma_wait3A_383 : memref<1x1x2x128xi32, #tpu.memory_space<hbm>> -> memref<2x128xi32, #tpu.memory_space<hbm>>
      tpu.wait_dma2 semaphore(%arg13 : memref<!tpu.dma_semaphore, #tpu.memory_space<semaphore_mem>>) src(%dma_wait3A_384 : memref<2x128xi32, #tpu.memory_space<hbm>>) dst(%dma_wait3A_380 : memref<2x128xi32, #tpu.memory_space<vmem>>)
      %dma_start3A_385 = arith.constant 3 : i32
      %dma_start3A_386 = arith.constant 0 : i32
      %dma_start3A_387 = arith.constant 0 : i32
      %dma_start3A_388 = tpu.memref_slice %arg6[%dma_start3A_385, %dma_start3A_386, %dma_start3A_387] : memref<4x2x128xi32, #tpu.memory_space<vmem>> -> memref<1x1x128xi32, #tpu.memory_space<vmem>>
      %dma_start3A_389 = tpu.memref_squeeze %dma_start3A_388 : memref<1x1x128xi32, #tpu.memory_space<vmem>> -> memref<128xi32, #tpu.memory_space<vmem>>
      %dma_start3A_390 = arith.constant 0 : i32
      %dma_start3A_391 = arith.constant 0 : i32
      %dma_start3A_392 = tpu.memref_slice %arg2[%dma_start3A_390, %dma_start3A_391] : memref<10000x128xf32, #tpu.memory_space<hbm>> -> memref<10000x128xf32, #tpu.memory_space<hbm>>
      tpu.enqueue_indirect_dma source(%dma_start3A_392 : memref<10000x128xf32, #tpu.memory_space<hbm>>) target(%arg8 : memref<128x128xf32, #tpu.memory_space<vmem>>) offsets(%dma_start3A_389 : memref<128xi32, #tpu.memory_space<vmem>>) semaphore(%arg15 : memref<!tpu.dma_semaphore, #tpu.memory_space<semaphore_mem>>)
      %run_scoped3A_393 = arith.constant 2 : i32
      %run_scoped3A_394 = arith.constant 1 : i32
      "tpu.region"() ({
        %run_scoped3A_463 = tpu.sem_alloc : memref<!tpu.dma_semaphore, #tpu.memory_space<semaphore_mem>>
        %dma_start3A_464 = arith.constant 0 : i32
        %dma_start3A_465 = tpu.memref_slice %arg6[%run_scoped3A_393, %run_scoped3A_394, %dma_start3A_464] : memref<4x2x128xi32, #tpu.memory_space<vmem>> -> memref<1x1x128xi32, #tpu.memory_space<vmem>>
        %dma_start3A_466 = tpu.memref_squeeze %dma_start3A_465 : memref<1x1x128xi32, #tpu.memory_space<vmem>> -> memref<128xi32, #tpu.memory_space<vmem>>
        %dma_start3A_467 = arith.constant 0 : i32
        %dma_start3A_468 = arith.constant 0 : i32
        %dma_start3A_469 = tpu.memref_slice %arg9[%dma_start3A_467, %dma_start3A_468] : memref<10112x128xf32, #tpu.memory_space<vmem_shared>> -> memref<10112x128xf32, #tpu.memory_space<vmem_shared>>
        tpu.enqueue_indirect_dma source(%arg7 : memref<128x128xf32, #tpu.memory_space<vmem>>) target(%dma_start3A_469 : memref<10112x128xf32, #tpu.memory_space<vmem_shared>>) offsets(%dma_start3A_466 : memref<128xi32, #tpu.memory_space<vmem>>) semaphore(%run_scoped3A_463 : memref<!tpu.dma_semaphore, #tpu.memory_space<semaphore_mem>>) {add = true}
        %dma_wait3A_470 = arith.constant 0 : i32
        %dma_wait3A_471 = tpu.memref_slice %arg6[%run_scoped3A_393, %run_scoped3A_394, %dma_wait3A_470] : memref<4x2x128xi32, #tpu.memory_space<vmem>> -> memref<1x1x128xi32, #tpu.memory_space<vmem>>
        %dma_wait3A_472 = tpu.memref_squeeze %dma_wait3A_471 : memref<1x1x128xi32, #tpu.memory_space<vmem>> -> memref<128xi32, #tpu.memory_space<vmem>>
        %dma_wait3A_473 = arith.constant 0 : i32
        %dma_wait3A_474 = arith.constant 0 : i32
        %dma_wait3A_475 = tpu.memref_slice %arg9[%dma_wait3A_473, %dma_wait3A_474] : memref<10112x128xf32, #tpu.memory_space<vmem_shared>> -> memref<10112x128xf32, #tpu.memory_space<vmem_shared>>
        tpu.wait_indirect_dma semaphore(%run_scoped3A_463 : memref<!tpu.dma_semaphore, #tpu.memory_space<semaphore_mem>>) src(%arg7 : memref<128x128xf32, #tpu.memory_space<vmem>>) dst(%dma_wait3A_475 : memref<10112x128xf32, #tpu.memory_space<vmem_shared>>)
        tpu.yield
      }) : () -> ()
      %dma_wait3A_395 = arith.constant 3 : i32
      %dma_wait3A_396 = arith.constant 0 : i32
      %dma_wait3A_397 = arith.constant 0 : i32
      %dma_wait3A_398 = tpu.memref_slice %arg6[%dma_wait3A_395, %dma_wait3A_396, %dma_wait3A_397] : memref<4x2x128xi32, #tpu.memory_space<vmem>> -> memref<1x1x128xi32, #tpu.memory_space<vmem>>
      %dma_wait3A_399 = tpu.memref_squeeze %dma_wait3A_398 : memref<1x1x128xi32, #tpu.memory_space<vmem>> -> memref<128xi32, #tpu.memory_space<vmem>>
      %dma_wait3A_400 = arith.constant 0 : i32
      %dma_wait3A_401 = arith.constant 0 : i32
      %dma_wait3A_402 = tpu.memref_slice %arg2[%dma_wait3A_400, %dma_wait3A_401] : memref<10000x128xf32, #tpu.memory_space<hbm>> -> memref<10000x128xf32, #tpu.memory_space<hbm>>
      tpu.wait_indirect_dma semaphore(%arg15 : memref<!tpu.dma_semaphore, #tpu.memory_space<semaphore_mem>>) src(%dma_wait3A_402 : memref<10000x128xf32, #tpu.memory_space<hbm>>) dst(%arg8 : memref<128x128xf32, #tpu.memory_space<vmem>>)
      %mul3A_403 = arith.constant 4 : i32
      %mul3A_404 = arith.muli %scan3A_222, %mul3A_403 : i32
      %add3A_405 = arith.constant 3 : i32
      %add3A_406 = arith.addi %mul3A_404, %add3A_405 : i32
      %add3A_407 = arith.constant 2 : i32
      %add3A_408 = arith.addi %add3A_406, %add3A_407 : i32
      %dma_start3A_409 = arith.constant 1 : i32
      %dma_start3A_410 = arith.constant 0 : i32
      %dma_start3A_411 = arith.constant 0 : i32
      %dma_start3A_412 = tpu.memref_slice %arg6[%dma_start3A_409, %dma_start3A_410, %dma_start3A_411] : memref<4x2x128xi32, #tpu.memory_space<vmem>> -> memref<1x2x128xi32, #tpu.memory_space<vmem>>
      %dma_start3A_413 = tpu.memref_squeeze %dma_start3A_412 : memref<1x2x128xi32, #tpu.memory_space<vmem>> -> memref<2x128xi32, #tpu.memory_space<vmem>>
      %dma_start3A_414 = arith.constant 0 : i32
      %dma_start3A_415 = arith.constant 0 : i32
      %dma_start3A_416 = tpu.memref_slice %arg3[%add3A, %add3A_408, %dma_start3A_414, %dma_start3A_415] : memref<32x80x2x128xi32, #tpu.memory_space<hbm>> -> memref<1x1x2x128xi32, #tpu.memory_space<hbm>>
      %dma_start3A_417 = tpu.memref_squeeze %dma_start3A_416 : memref<1x1x2x128xi32, #tpu.memory_space<hbm>> -> memref<2x128xi32, #tpu.memory_space<hbm>>
      %dma_start3A_418 = arith.constant 0 : i32
      %dma_start3A_419 = arith.constant 0 : i32
      %dma_start3A_420 = tpu.memref_slice %arg6[%dma_start3A_409, %dma_start3A_418, %dma_start3A_419] : memref<4x2x128xi32, #tpu.memory_space<vmem>> -> memref<1x2x128xi32, #tpu.memory_space<vmem>>
      %dma_start3A_421 = tpu.memref_squeeze %dma_start3A_420 : memref<1x2x128xi32, #tpu.memory_space<vmem>> -> memref<2x128xi32, #tpu.memory_space<vmem>>
      %dma_start3A_422 = arith.constant 0 : i32
      %dma_start3A_423 = arith.constant 0 : i32
      %dma_start3A_424 = tpu.memref_slice %arg3[%add3A, %add3A_408, %dma_start3A_422, %dma_start3A_423] : memref<32x80x2x128xi32, #tpu.memory_space<hbm>> -> memref<1x1x2x128xi32, #tpu.memory_space<hbm>>
      %dma_start3A_425 = tpu.memref_squeeze %dma_start3A_424 : memref<1x1x2x128xi32, #tpu.memory_space<hbm>> -> memref<2x128xi32, #tpu.memory_space<hbm>>
      tpu.enqueue_dma source(%dma_start3A_425 : memref<2x128xi32, #tpu.memory_space<hbm>>) target(%dma_start3A_421 : memref<2x128xi32, #tpu.memory_space<vmem>>) target_semaphore(%arg11 : memref<!tpu.dma_semaphore, #tpu.memory_space<semaphore_mem>>)
      %add3A_426 = arith.constant 1 : i32
      %add3A_427 = arith.addi %add3A_406, %add3A_426 : i32
      %dma_wait3A_428 = arith.constant 0 : i32
      %dma_wait3A_429 = arith.constant 0 : i32
      %dma_wait3A_430 = arith.constant 0 : i32
      %dma_wait3A_431 = tpu.memref_slice %arg6[%dma_wait3A_428, %dma_wait3A_429, %dma_wait3A_430] : memref<4x2x128xi32, #tpu.memory_space<vmem>> -> memref<1x2x128xi32, #tpu.memory_space<vmem>>
      %dma_wait3A_432 = tpu.memref_squeeze %dma_wait3A_431 : memref<1x2x128xi32, #tpu.memory_space<vmem>> -> memref<2x128xi32, #tpu.memory_space<vmem>>
      %dma_wait3A_433 = arith.constant 0 : i32
      %dma_wait3A_434 = arith.constant 0 : i32
      %dma_wait3A_435 = tpu.memref_slice %arg3[%add3A, %add3A_427, %dma_wait3A_433, %dma_wait3A_434] : memref<32x80x2x128xi32, #tpu.memory_space<hbm>> -> memref<1x1x2x128xi32, #tpu.memory_space<hbm>>
      %dma_wait3A_436 = tpu.memref_squeeze %dma_wait3A_435 : memref<1x1x2x128xi32, #tpu.memory_space<hbm>> -> memref<2x128xi32, #tpu.memory_space<hbm>>
      %dma_wait3A_437 = arith.constant 0 : i32
      %dma_wait3A_438 = arith.constant 0 : i32
      %dma_wait3A_439 = tpu.memref_slice %arg6[%dma_wait3A_428, %dma_wait3A_437, %dma_wait3A_438] : memref<4x2x128xi32, #tpu.memory_space<vmem>> -> memref<1x2x128xi32, #tpu.memory_space<vmem>>
      %dma_wait3A_440 = tpu.memref_squeeze %dma_wait3A_439 : memref<1x2x128xi32, #tpu.memory_space<vmem>> -> memref<2x128xi32, #tpu.memory_space<vmem>>
      %dma_wait3A_441 = arith.constant 0 : i32
      %dma_wait3A_442 = arith.constant 0 : i32
      %dma_wait3A_443 = tpu.memref_slice %arg3[%add3A, %add3A_427, %dma_wait3A_441, %dma_wait3A_442] : memref<32x80x2x128xi32, #tpu.memory_space<hbm>> -> memref<1x1x2x128xi32, #tpu.memory_space<hbm>>
      %dma_wait3A_444 = tpu.memref_squeeze %dma_wait3A_443 : memref<1x1x2x128xi32, #tpu.memory_space<hbm>> -> memref<2x128xi32, #tpu.memory_space<hbm>>
      tpu.wait_dma2 semaphore(%arg10 : memref<!tpu.dma_semaphore, #tpu.memory_space<semaphore_mem>>) src(%dma_wait3A_444 : memref<2x128xi32, #tpu.memory_space<hbm>>) dst(%dma_wait3A_440 : memref<2x128xi32, #tpu.memory_space<vmem>>)
      %dma_start3A_445 = arith.constant 0 : i32
      %dma_start3A_446 = arith.constant 0 : i32
      %dma_start3A_447 = arith.constant 0 : i32
      %dma_start3A_448 = tpu.memref_slice %arg6[%dma_start3A_445, %dma_start3A_446, %dma_start3A_447] : memref<4x2x128xi32, #tpu.memory_space<vmem>> -> memref<1x1x128xi32, #tpu.memory_space<vmem>>
      %dma_start3A_449 = tpu.memref_squeeze %dma_start3A_448 : memref<1x1x128xi32, #tpu.memory_space<vmem>> -> memref<128xi32, #tpu.memory_space<vmem>>
      %dma_start3A_450 = arith.constant 0 : i32
      %dma_start3A_451 = arith.constant 0 : i32
      %dma_start3A_452 = tpu.memref_slice %arg2[%dma_start3A_450, %dma_start3A_451] : memref<10000x128xf32, #tpu.memory_space<hbm>> -> memref<10000x128xf32, #tpu.memory_space<hbm>>
      tpu.enqueue_indirect_dma source(%dma_start3A_452 : memref<10000x128xf32, #tpu.memory_space<hbm>>) target(%arg7 : memref<128x128xf32, #tpu.memory_space<vmem>>) offsets(%dma_start3A_449 : memref<128xi32, #tpu.memory_space<vmem>>) semaphore(%arg14 : memref<!tpu.dma_semaphore, #tpu.memory_space<semaphore_mem>>)
      %run_scoped3A_453 = arith.constant 3 : i32
      %run_scoped3A_454 = arith.constant 1 : i32
      "tpu.region"() ({
        %run_scoped3A_463 = tpu.sem_alloc : memref<!tpu.dma_semaphore, #tpu.memory_space<semaphore_mem>>
        %dma_start3A_464 = arith.constant 0 : i32
        %dma_start3A_465 = tpu.memref_slice %arg6[%run_scoped3A_453, %run_scoped3A_454, %dma_start3A_464] : memref<4x2x128xi32, #tpu.memory_space<vmem>> -> memref<1x1x128xi32, #tpu.memory_space<vmem>>
        %dma_start3A_466 = tpu.memref_squeeze %dma_start3A_465 : memref<1x1x128xi32, #tpu.memory_space<vmem>> -> memref<128xi32, #tpu.memory_space<vmem>>
        %dma_start3A_467 = arith.constant 0 : i32
        %dma_start3A_468 = arith.constant 0 : i32
        %dma_start3A_469 = tpu.memref_slice %arg9[%dma_start3A_467, %dma_start3A_468] : memref<10112x128xf32, #tpu.memory_space<vmem_shared>> -> memref<10112x128xf32, #tpu.memory_space<vmem_shared>>
        tpu.enqueue_indirect_dma source(%arg8 : memref<128x128xf32, #tpu.memory_space<vmem>>) target(%dma_start3A_469 : memref<10112x128xf32, #tpu.memory_space<vmem_shared>>) offsets(%dma_start3A_466 : memref<128xi32, #tpu.memory_space<vmem>>) semaphore(%run_scoped3A_463 : memref<!tpu.dma_semaphore, #tpu.memory_space<semaphore_mem>>) {add = true}
        %dma_wait3A_470 = arith.constant 0 : i32
        %dma_wait3A_471 = tpu.memref_slice %arg6[%run_scoped3A_453, %run_scoped3A_454, %dma_wait3A_470] : memref<4x2x128xi32, #tpu.memory_space<vmem>> -> memref<1x1x128xi32, #tpu.memory_space<vmem>>
        %dma_wait3A_472 = tpu.memref_squeeze %dma_wait3A_471 : memref<1x1x128xi32, #tpu.memory_space<vmem>> -> memref<128xi32, #tpu.memory_space<vmem>>
        %dma_wait3A_473 = arith.constant 0 : i32
        %dma_wait3A_474 = arith.constant 0 : i32
        %dma_wait3A_475 = tpu.memref_slice %arg9[%dma_wait3A_473, %dma_wait3A_474] : memref<10112x128xf32, #tpu.memory_space<vmem_shared>> -> memref<10112x128xf32, #tpu.memory_space<vmem_shared>>
        tpu.wait_indirect_dma semaphore(%run_scoped3A_463 : memref<!tpu.dma_semaphore, #tpu.memory_space<semaphore_mem>>) src(%arg8 : memref<128x128xf32, #tpu.memory_space<vmem>>) dst(%dma_wait3A_475 : memref<10112x128xf32, #tpu.memory_space<vmem_shared>>)
        tpu.yield
      }) : () -> ()
      %dma_wait3A_455 = arith.constant 0 : i32
      %dma_wait3A_456 = arith.constant 0 : i32
      %dma_wait3A_457 = arith.constant 0 : i32
      %dma_wait3A_458 = tpu.memref_slice %arg6[%dma_wait3A_455, %dma_wait3A_456, %dma_wait3A_457] : memref<4x2x128xi32, #tpu.memory_space<vmem>> -> memref<1x1x128xi32, #tpu.memory_space<vmem>>
      %dma_wait3A_459 = tpu.memref_squeeze %dma_wait3A_458 : memref<1x1x128xi32, #tpu.memory_space<vmem>> -> memref<128xi32, #tpu.memory_space<vmem>>
      %dma_wait3A_460 = arith.constant 0 : i32
      %dma_wait3A_461 = arith.constant 0 : i32
      %dma_wait3A_462 = tpu.memref_slice %arg2[%dma_wait3A_460, %dma_wait3A_461] : memref<10000x128xf32, #tpu.memory_space<hbm>> -> memref<10000x128xf32, #tpu.memory_space<hbm>>
      tpu.wait_indirect_dma semaphore(%arg14 : memref<!tpu.dma_semaphore, #tpu.memory_space<semaphore_mem>>) src(%dma_wait3A_462 : memref<10000x128xf32, #tpu.memory_space<hbm>>) dst(%arg7 : memref<128x128xf32, #tpu.memory_space<vmem>>)
    }
    %scan3A_75 = arith.constant 19 : i32
    %dma_start3A_76 = arith.constant 78 : i32
    %dma_start3A_77 = arith.constant 2 : i32
    %dma_start3A_78 = arith.constant 0 : i32
    %dma_start3A_79 = arith.constant 0 : i32
    %dma_start3A_80 = tpu.memref_slice %arg6[%dma_start3A_77, %dma_start3A_78, %dma_start3A_79] : memref<4x2x128xi32, #tpu.memory_space<vmem>> -> memref<1x2x128xi32, #tpu.memory_space<vmem>>
    %dma_start3A_81 = tpu.memref_squeeze %dma_start3A_80 : memref<1x2x128xi32, #tpu.memory_space<vmem>> -> memref<2x128xi32, #tpu.memory_space<vmem>>
    %dma_start3A_82 = arith.constant 0 : i32
    %dma_start3A_83 = arith.constant 0 : i32
    %dma_start3A_84 = tpu.memref_slice %arg3[%add3A, %dma_start3A_76, %dma_start3A_82, %dma_start3A_83] : memref<32x80x2x128xi32, #tpu.memory_space<hbm>> -> memref<1x1x2x128xi32, #tpu.memory_space<hbm>>
    %dma_start3A_85 = tpu.memref_squeeze %dma_start3A_84 : memref<1x1x2x128xi32, #tpu.memory_space<hbm>> -> memref<2x128xi32, #tpu.memory_space<hbm>>
    %dma_start3A_86 = arith.constant 0 : i32
    %dma_start3A_87 = arith.constant 0 : i32
    %dma_start3A_88 = tpu.memref_slice %arg6[%dma_start3A_77, %dma_start3A_86, %dma_start3A_87] : memref<4x2x128xi32, #tpu.memory_space<vmem>> -> memref<1x2x128xi32, #tpu.memory_space<vmem>>
    %dma_start3A_89 = tpu.memref_squeeze %dma_start3A_88 : memref<1x2x128xi32, #tpu.memory_space<vmem>> -> memref<2x128xi32, #tpu.memory_space<vmem>>
    %dma_start3A_90 = arith.constant 0 : i32
    %dma_start3A_91 = arith.constant 0 : i32
    %dma_start3A_92 = tpu.memref_slice %arg3[%add3A, %dma_start3A_76, %dma_start3A_90, %dma_start3A_91] : memref<32x80x2x128xi32, #tpu.memory_space<hbm>> -> memref<1x1x2x128xi32, #tpu.memory_space<hbm>>
    %dma_start3A_93 = tpu.memref_squeeze %dma_start3A_92 : memref<1x1x2x128xi32, #tpu.memory_space<hbm>> -> memref<2x128xi32, #tpu.memory_space<hbm>>
    tpu.enqueue_dma source(%dma_start3A_93 : memref<2x128xi32, #tpu.memory_space<hbm>>) target(%dma_start3A_89 : memref<2x128xi32, #tpu.memory_space<vmem>>) target_semaphore(%arg12 : memref<!tpu.dma_semaphore, #tpu.memory_space<semaphore_mem>>)
    %dma_wait3A_94 = arith.constant 77 : i32
    %dma_wait3A_95 = arith.constant 1 : i32
    %dma_wait3A_96 = arith.constant 0 : i32
    %dma_wait3A_97 = arith.constant 0 : i32
    %dma_wait3A_98 = tpu.memref_slice %arg6[%dma_wait3A_95, %dma_wait3A_96, %dma_wait3A_97] : memref<4x2x128xi32, #tpu.memory_space<vmem>> -> memref<1x2x128xi32, #tpu.memory_space<vmem>>
    %dma_wait3A_99 = tpu.memref_squeeze %dma_wait3A_98 : memref<1x2x128xi32, #tpu.memory_space<vmem>> -> memref<2x128xi32, #tpu.memory_space<vmem>>
    %dma_wait3A_100 = arith.constant 0 : i32
    %dma_wait3A_101 = arith.constant 0 : i32
    %dma_wait3A_102 = tpu.memref_slice %arg3[%add3A, %dma_wait3A_94, %dma_wait3A_100, %dma_wait3A_101] : memref<32x80x2x128xi32, #tpu.memory_space<hbm>> -> memref<1x1x2x128xi32, #tpu.memory_space<hbm>>
    %dma_wait3A_103 = tpu.memref_squeeze %dma_wait3A_102 : memref<1x1x2x128xi32, #tpu.memory_space<hbm>> -> memref<2x128xi32, #tpu.memory_space<hbm>>
    %dma_wait3A_104 = arith.constant 0 : i32
    %dma_wait3A_105 = arith.constant 0 : i32
    %dma_wait3A_106 = tpu.memref_slice %arg6[%dma_wait3A_95, %dma_wait3A_104, %dma_wait3A_105] : memref<4x2x128xi32, #tpu.memory_space<vmem>> -> memref<1x2x128xi32, #tpu.memory_space<vmem>>
    %dma_wait3A_107 = tpu.memref_squeeze %dma_wait3A_106 : memref<1x2x128xi32, #tpu.memory_space<vmem>> -> memref<2x128xi32, #tpu.memory_space<vmem>>
    %dma_wait3A_108 = arith.constant 0 : i32
    %dma_wait3A_109 = arith.constant 0 : i32
    %dma_wait3A_110 = tpu.memref_slice %arg3[%add3A, %dma_wait3A_94, %dma_wait3A_108, %dma_wait3A_109] : memref<32x80x2x128xi32, #tpu.memory_space<hbm>> -> memref<1x1x2x128xi32, #tpu.memory_space<hbm>>
    %dma_wait3A_111 = tpu.memref_squeeze %dma_wait3A_110 : memref<1x1x2x128xi32, #tpu.memory_space<hbm>> -> memref<2x128xi32, #tpu.memory_space<hbm>>
    tpu.wait_dma2 semaphore(%arg11 : memref<!tpu.dma_semaphore, #tpu.memory_space<semaphore_mem>>) src(%dma_wait3A_111 : memref<2x128xi32, #tpu.memory_space<hbm>>) dst(%dma_wait3A_107 : memref<2x128xi32, #tpu.memory_space<vmem>>)
    %dma_start3A_112 = arith.constant 1 : i32
    %dma_start3A_113 = arith.constant 0 : i32
    %dma_start3A_114 = arith.constant 0 : i32
    %dma_start3A_115 = tpu.memref_slice %arg6[%dma_start3A_112, %dma_start3A_113, %dma_start3A_114] : memref<4x2x128xi32, #tpu.memory_space<vmem>> -> memref<1x1x128xi32, #tpu.memory_space<vmem>>
    %dma_start3A_116 = tpu.memref_squeeze %dma_start3A_115 : memref<1x1x128xi32, #tpu.memory_space<vmem>> -> memref<128xi32, #tpu.memory_space<vmem>>
    %dma_start3A_117 = arith.constant 0 : i32
    %dma_start3A_118 = arith.constant 0 : i32
    %dma_start3A_119 = tpu.memref_slice %arg2[%dma_start3A_117, %dma_start3A_118] : memref<10000x128xf32, #tpu.memory_space<hbm>> -> memref<10000x128xf32, #tpu.memory_space<hbm>>
    tpu.enqueue_indirect_dma source(%dma_start3A_119 : memref<10000x128xf32, #tpu.memory_space<hbm>>) target(%arg8 : memref<128x128xf32, #tpu.memory_space<vmem>>) offsets(%dma_start3A_116 : memref<128xi32, #tpu.memory_space<vmem>>) semaphore(%arg15 : memref<!tpu.dma_semaphore, #tpu.memory_space<semaphore_mem>>)
    %run_scoped3A = arith.constant 0 : i32
    %run_scoped3A_120 = arith.constant 1 : i32
    "tpu.region"() ({
      %run_scoped3A_222 = tpu.sem_alloc : memref<!tpu.dma_semaphore, #tpu.memory_space<semaphore_mem>>
      %dma_start3A_223 = arith.constant 0 : i32
      %dma_start3A_224 = tpu.memref_slice %arg6[%run_scoped3A, %run_scoped3A_120, %dma_start3A_223] : memref<4x2x128xi32, #tpu.memory_space<vmem>> -> memref<1x1x128xi32, #tpu.memory_space<vmem>>
      %dma_start3A_225 = tpu.memref_squeeze %dma_start3A_224 : memref<1x1x128xi32, #tpu.memory_space<vmem>> -> memref<128xi32, #tpu.memory_space<vmem>>
      %dma_start3A_226 = arith.constant 0 : i32
      %dma_start3A_227 = arith.constant 0 : i32
      %dma_start3A_228 = tpu.memref_slice %arg9[%dma_start3A_226, %dma_start3A_227] : memref<10112x128xf32, #tpu.memory_space<vmem_shared>> -> memref<10112x128xf32, #tpu.memory_space<vmem_shared>>
      tpu.enqueue_indirect_dma source(%arg7 : memref<128x128xf32, #tpu.memory_space<vmem>>) target(%dma_start3A_228 : memref<10112x128xf32, #tpu.memory_space<vmem_shared>>) offsets(%dma_start3A_225 : memref<128xi32, #tpu.memory_space<vmem>>) semaphore(%run_scoped3A_222 : memref<!tpu.dma_semaphore, #tpu.memory_space<semaphore_mem>>) {add = true}
      %dma_wait3A_229 = arith.constant 0 : i32
      %dma_wait3A_230 = tpu.memref_slice %arg6[%run_scoped3A, %run_scoped3A_120, %dma_wait3A_229] : memref<4x2x128xi32, #tpu.memory_space<vmem>> -> memref<1x1x128xi32, #tpu.memory_space<vmem>>
      %dma_wait3A_231 = tpu.memref_squeeze %dma_wait3A_230 : memref<1x1x128xi32, #tpu.memory_space<vmem>> -> memref<128xi32, #tpu.memory_space<vmem>>
      %dma_wait3A_232 = arith.constant 0 : i32
      %dma_wait3A_233 = arith.constant 0 : i32
      %dma_wait3A_234 = tpu.memref_slice %arg9[%dma_wait3A_232, %dma_wait3A_233] : memref<10112x128xf32, #tpu.memory_space<vmem_shared>> -> memref<10112x128xf32, #tpu.memory_space<vmem_shared>>
      tpu.wait_indirect_dma semaphore(%run_scoped3A_222 : memref<!tpu.dma_semaphore, #tpu.memory_space<semaphore_mem>>) src(%arg7 : memref<128x128xf32, #tpu.memory_space<vmem>>) dst(%dma_wait3A_234 : memref<10112x128xf32, #tpu.memory_space<vmem_shared>>)
      tpu.yield
    }) : () -> ()
    %dma_wait3A_121 = arith.constant 1 : i32
    %dma_wait3A_122 = arith.constant 0 : i32
    %dma_wait3A_123 = arith.constant 0 : i32
    %dma_wait3A_124 = tpu.memref_slice %arg6[%dma_wait3A_121, %dma_wait3A_122, %dma_wait3A_123] : memref<4x2x128xi32, #tpu.memory_space<vmem>> -> memref<1x1x128xi32, #tpu.memory_space<vmem>>
    %dma_wait3A_125 = tpu.memref_squeeze %dma_wait3A_124 : memref<1x1x128xi32, #tpu.memory_space<vmem>> -> memref<128xi32, #tpu.memory_space<vmem>>
    %dma_wait3A_126 = arith.constant 0 : i32
    %dma_wait3A_127 = arith.constant 0 : i32
    %dma_wait3A_128 = tpu.memref_slice %arg2[%dma_wait3A_126, %dma_wait3A_127] : memref<10000x128xf32, #tpu.memory_space<hbm>> -> memref<10000x128xf32, #tpu.memory_space<hbm>>
    tpu.wait_indirect_dma semaphore(%arg15 : memref<!tpu.dma_semaphore, #tpu.memory_space<semaphore_mem>>) src(%dma_wait3A_128 : memref<10000x128xf32, #tpu.memory_space<hbm>>) dst(%arg8 : memref<128x128xf32, #tpu.memory_space<vmem>>)
    %dma_start3A_129 = arith.constant 79 : i32
    %dma_start3A_130 = arith.constant 3 : i32
    %dma_start3A_131 = arith.constant 0 : i32
    %dma_start3A_132 = arith.constant 0 : i32
    %dma_start3A_133 = tpu.memref_slice %arg6[%dma_start3A_130, %dma_start3A_131, %dma_start3A_132] : memref<4x2x128xi32, #tpu.memory_space<vmem>> -> memref<1x2x128xi32, #tpu.memory_space<vmem>>
    %dma_start3A_134 = tpu.memref_squeeze %dma_start3A_133 : memref<1x2x128xi32, #tpu.memory_space<vmem>> -> memref<2x128xi32, #tpu.memory_space<vmem>>
    %dma_start3A_135 = arith.constant 0 : i32
    %dma_start3A_136 = arith.constant 0 : i32
    %dma_start3A_137 = tpu.memref_slice %arg3[%add3A, %dma_start3A_129, %dma_start3A_135, %dma_start3A_136] : memref<32x80x2x128xi32, #tpu.memory_space<hbm>> -> memref<1x1x2x128xi32, #tpu.memory_space<hbm>>
    %dma_start3A_138 = tpu.memref_squeeze %dma_start3A_137 : memref<1x1x2x128xi32, #tpu.memory_space<hbm>> -> memref<2x128xi32, #tpu.memory_space<hbm>>
    %dma_start3A_139 = arith.constant 0 : i32
    %dma_start3A_140 = arith.constant 0 : i32
    %dma_start3A_141 = tpu.memref_slice %arg6[%dma_start3A_130, %dma_start3A_139, %dma_start3A_140] : memref<4x2x128xi32, #tpu.memory_space<vmem>> -> memref<1x2x128xi32, #tpu.memory_space<vmem>>
    %dma_start3A_142 = tpu.memref_squeeze %dma_start3A_141 : memref<1x2x128xi32, #tpu.memory_space<vmem>> -> memref<2x128xi32, #tpu.memory_space<vmem>>
    %dma_start3A_143 = arith.constant 0 : i32
    %dma_start3A_144 = arith.constant 0 : i32
    %dma_start3A_145 = tpu.memref_slice %arg3[%add3A, %dma_start3A_129, %dma_start3A_143, %dma_start3A_144] : memref<32x80x2x128xi32, #tpu.memory_space<hbm>> -> memref<1x1x2x128xi32, #tpu.memory_space<hbm>>
    %dma_start3A_146 = tpu.memref_squeeze %dma_start3A_145 : memref<1x1x2x128xi32, #tpu.memory_space<hbm>> -> memref<2x128xi32, #tpu.memory_space<hbm>>
    tpu.enqueue_dma source(%dma_start3A_146 : memref<2x128xi32, #tpu.memory_space<hbm>>) target(%dma_start3A_142 : memref<2x128xi32, #tpu.memory_space<vmem>>) target_semaphore(%arg13 : memref<!tpu.dma_semaphore, #tpu.memory_space<semaphore_mem>>)
    %dma_wait3A_147 = arith.constant 78 : i32
    %dma_wait3A_148 = arith.constant 2 : i32
    %dma_wait3A_149 = arith.constant 0 : i32
    %dma_wait3A_150 = arith.constant 0 : i32
    %dma_wait3A_151 = tpu.memref_slice %arg6[%dma_wait3A_148, %dma_wait3A_149, %dma_wait3A_150] : memref<4x2x128xi32, #tpu.memory_space<vmem>> -> memref<1x2x128xi32, #tpu.memory_space<vmem>>
    %dma_wait3A_152 = tpu.memref_squeeze %dma_wait3A_151 : memref<1x2x128xi32, #tpu.memory_space<vmem>> -> memref<2x128xi32, #tpu.memory_space<vmem>>
    %dma_wait3A_153 = arith.constant 0 : i32
    %dma_wait3A_154 = arith.constant 0 : i32
    %dma_wait3A_155 = tpu.memref_slice %arg3[%add3A, %dma_wait3A_147, %dma_wait3A_153, %dma_wait3A_154] : memref<32x80x2x128xi32, #tpu.memory_space<hbm>> -> memref<1x1x2x128xi32, #tpu.memory_space<hbm>>
    %dma_wait3A_156 = tpu.memref_squeeze %dma_wait3A_155 : memref<1x1x2x128xi32, #tpu.memory_space<hbm>> -> memref<2x128xi32, #tpu.memory_space<hbm>>
    %dma_wait3A_157 = arith.constant 0 : i32
    %dma_wait3A_158 = arith.constant 0 : i32
    %dma_wait3A_159 = tpu.memref_slice %arg6[%dma_wait3A_148, %dma_wait3A_157, %dma_wait3A_158] : memref<4x2x128xi32, #tpu.memory_space<vmem>> -> memref<1x2x128xi32, #tpu.memory_space<vmem>>
    %dma_wait3A_160 = tpu.memref_squeeze %dma_wait3A_159 : memref<1x2x128xi32, #tpu.memory_space<vmem>> -> memref<2x128xi32, #tpu.memory_space<vmem>>
    %dma_wait3A_161 = arith.constant 0 : i32
    %dma_wait3A_162 = arith.constant 0 : i32
    %dma_wait3A_163 = tpu.memref_slice %arg3[%add3A, %dma_wait3A_147, %dma_wait3A_161, %dma_wait3A_162] : memref<32x80x2x128xi32, #tpu.memory_space<hbm>> -> memref<1x1x2x128xi32, #tpu.memory_space<hbm>>
    %dma_wait3A_164 = tpu.memref_squeeze %dma_wait3A_163 : memref<1x1x2x128xi32, #tpu.memory_space<hbm>> -> memref<2x128xi32, #tpu.memory_space<hbm>>
    tpu.wait_dma2 semaphore(%arg12 : memref<!tpu.dma_semaphore, #tpu.memory_space<semaphore_mem>>) src(%dma_wait3A_164 : memref<2x128xi32, #tpu.memory_space<hbm>>) dst(%dma_wait3A_160 : memref<2x128xi32, #tpu.memory_space<vmem>>)
    %dma_start3A_165 = arith.constant 2 : i32
    %dma_start3A_166 = arith.constant 0 : i32
    %dma_start3A_167 = arith.constant 0 : i32
    %dma_start3A_168 = tpu.memref_slice %arg6[%dma_start3A_165, %dma_start3A_166, %dma_start3A_167] : memref<4x2x128xi32, #tpu.memory_space<vmem>> -> memref<1x1x128xi32, #tpu.memory_space<vmem>>
    %dma_start3A_169 = tpu.memref_squeeze %dma_start3A_168 : memref<1x1x128xi32, #tpu.memory_space<vmem>> -> memref<128xi32, #tpu.memory_space<vmem>>
    %dma_start3A_170 = arith.constant 0 : i32
    %dma_start3A_171 = arith.constant 0 : i32
    %dma_start3A_172 = tpu.memref_slice %arg2[%dma_start3A_170, %dma_start3A_171] : memref<10000x128xf32, #tpu.memory_space<hbm>> -> memref<10000x128xf32, #tpu.memory_space<hbm>>
    tpu.enqueue_indirect_dma source(%dma_start3A_172 : memref<10000x128xf32, #tpu.memory_space<hbm>>) target(%arg7 : memref<128x128xf32, #tpu.memory_space<vmem>>) offsets(%dma_start3A_169 : memref<128xi32, #tpu.memory_space<vmem>>) semaphore(%arg14 : memref<!tpu.dma_semaphore, #tpu.memory_space<semaphore_mem>>)
    %run_scoped3A_173 = arith.constant 1 : i32
    %run_scoped3A_174 = arith.constant 1 : i32
    "tpu.region"() ({
      %run_scoped3A_222 = tpu.sem_alloc : memref<!tpu.dma_semaphore, #tpu.memory_space<semaphore_mem>>
      %dma_start3A_223 = arith.constant 0 : i32
      %dma_start3A_224 = tpu.memref_slice %arg6[%run_scoped3A_173, %run_scoped3A_174, %dma_start3A_223] : memref<4x2x128xi32, #tpu.memory_space<vmem>> -> memref<1x1x128xi32, #tpu.memory_space<vmem>>
      %dma_start3A_225 = tpu.memref_squeeze %dma_start3A_224 : memref<1x1x128xi32, #tpu.memory_space<vmem>> -> memref<128xi32, #tpu.memory_space<vmem>>
      %dma_start3A_226 = arith.constant 0 : i32
      %dma_start3A_227 = arith.constant 0 : i32
      %dma_start3A_228 = tpu.memref_slice %arg9[%dma_start3A_226, %dma_start3A_227] : memref<10112x128xf32, #tpu.memory_space<vmem_shared>> -> memref<10112x128xf32, #tpu.memory_space<vmem_shared>>
      tpu.enqueue_indirect_dma source(%arg8 : memref<128x128xf32, #tpu.memory_space<vmem>>) target(%dma_start3A_228 : memref<10112x128xf32, #tpu.memory_space<vmem_shared>>) offsets(%dma_start3A_225 : memref<128xi32, #tpu.memory_space<vmem>>) semaphore(%run_scoped3A_222 : memref<!tpu.dma_semaphore, #tpu.memory_space<semaphore_mem>>) {add = true}
      %dma_wait3A_229 = arith.constant 0 : i32
      %dma_wait3A_230 = tpu.memref_slice %arg6[%run_scoped3A_173, %run_scoped3A_174, %dma_wait3A_229] : memref<4x2x128xi32, #tpu.memory_space<vmem>> -> memref<1x1x128xi32, #tpu.memory_space<vmem>>
      %dma_wait3A_231 = tpu.memref_squeeze %dma_wait3A_230 : memref<1x1x128xi32, #tpu.memory_space<vmem>> -> memref<128xi32, #tpu.memory_space<vmem>>
      %dma_wait3A_232 = arith.constant 0 : i32
      %dma_wait3A_233 = arith.constant 0 : i32
      %dma_wait3A_234 = tpu.memref_slice %arg9[%dma_wait3A_232, %dma_wait3A_233] : memref<10112x128xf32, #tpu.memory_space<vmem_shared>> -> memref<10112x128xf32, #tpu.memory_space<vmem_shared>>
      tpu.wait_indirect_dma semaphore(%run_scoped3A_222 : memref<!tpu.dma_semaphore, #tpu.memory_space<semaphore_mem>>) src(%arg8 : memref<128x128xf32, #tpu.memory_space<vmem>>) dst(%dma_wait3A_234 : memref<10112x128xf32, #tpu.memory_space<vmem_shared>>)
      tpu.yield
    }) : () -> ()
    %dma_wait3A_175 = arith.constant 2 : i32
    %dma_wait3A_176 = arith.constant 0 : i32
    %dma_wait3A_177 = arith.constant 0 : i32
    %dma_wait3A_178 = tpu.memref_slice %arg6[%dma_wait3A_175, %dma_wait3A_176, %dma_wait3A_177] : memref<4x2x128xi32, #tpu.memory_space<vmem>> -> memref<1x1x128xi32, #tpu.memory_space<vmem>>
    %dma_wait3A_179 = tpu.memref_squeeze %dma_wait3A_178 : memref<1x1x128xi32, #tpu.memory_space<vmem>> -> memref<128xi32, #tpu.memory_space<vmem>>
    %dma_wait3A_180 = arith.constant 0 : i32
    %dma_wait3A_181 = arith.constant 0 : i32
    %dma_wait3A_182 = tpu.memref_slice %arg2[%dma_wait3A_180, %dma_wait3A_181] : memref<10000x128xf32, #tpu.memory_space<hbm>> -> memref<10000x128xf32, #tpu.memory_space<hbm>>
    tpu.wait_indirect_dma semaphore(%arg14 : memref<!tpu.dma_semaphore, #tpu.memory_space<semaphore_mem>>) src(%dma_wait3A_182 : memref<10000x128xf32, #tpu.memory_space<hbm>>) dst(%arg7 : memref<128x128xf32, #tpu.memory_space<vmem>>)
    %dma_wait3A_183 = arith.constant 79 : i32
    %dma_wait3A_184 = arith.constant 3 : i32
    %dma_wait3A_185 = arith.constant 0 : i32
    %dma_wait3A_186 = arith.constant 0 : i32
    %dma_wait3A_187 = tpu.memref_slice %arg6[%dma_wait3A_184, %dma_wait3A_185, %dma_wait3A_186] : memref<4x2x128xi32, #tpu.memory_space<vmem>> -> memref<1x2x128xi32, #tpu.memory_space<vmem>>
    %dma_wait3A_188 = tpu.memref_squeeze %dma_wait3A_187 : memref<1x2x128xi32, #tpu.memory_space<vmem>> -> memref<2x128xi32, #tpu.memory_space<vmem>>
    %dma_wait3A_189 = arith.constant 0 : i32
    %dma_wait3A_190 = arith.constant 0 : i32
    %dma_wait3A_191 = tpu.memref_slice %arg3[%add3A, %dma_wait3A_183, %dma_wait3A_189, %dma_wait3A_190] : memref<32x80x2x128xi32, #tpu.memory_space<hbm>> -> memref<1x1x2x128xi32, #tpu.memory_space<hbm>>
    %dma_wait3A_192 = tpu.memref_squeeze %dma_wait3A_191 : memref<1x1x2x128xi32, #tpu.memory_space<hbm>> -> memref<2x128xi32, #tpu.memory_space<hbm>>
    %dma_wait3A_193 = arith.constant 0 : i32
    %dma_wait3A_194 = arith.constant 0 : i32
    %dma_wait3A_195 = tpu.memref_slice %arg6[%dma_wait3A_184, %dma_wait3A_193, %dma_wait3A_194] : memref<4x2x128xi32, #tpu.memory_space<vmem>> -> memref<1x2x128xi32, #tpu.memory_space<vmem>>
    %dma_wait3A_196 = tpu.memref_squeeze %dma_wait3A_195 : memref<1x2x128xi32, #tpu.memory_space<vmem>> -> memref<2x128xi32, #tpu.memory_space<vmem>>
    %dma_wait3A_197 = arith.constant 0 : i32
    %dma_wait3A_198 = arith.constant 0 : i32
    %dma_wait3A_199 = tpu.memref_slice %arg3[%add3A, %dma_wait3A_183, %dma_wait3A_197, %dma_wait3A_198] : memref<32x80x2x128xi32, #tpu.memory_space<hbm>> -> memref<1x1x2x128xi32, #tpu.memory_space<hbm>>
    %dma_wait3A_200 = tpu.memref_squeeze %dma_wait3A_199 : memref<1x1x2x128xi32, #tpu.memory_space<hbm>> -> memref<2x128xi32, #tpu.memory_space<hbm>>
    tpu.wait_dma2 semaphore(%arg13 : memref<!tpu.dma_semaphore, #tpu.memory_space<semaphore_mem>>) src(%dma_wait3A_200 : memref<2x128xi32, #tpu.memory_space<hbm>>) dst(%dma_wait3A_196 : memref<2x128xi32, #tpu.memory_space<vmem>>)
    %dma_start3A_201 = arith.constant 3 : i32
    %dma_start3A_202 = arith.constant 0 : i32
    %dma_start3A_203 = arith.constant 0 : i32
    %dma_start3A_204 = tpu.memref_slice %arg6[%dma_start3A_201, %dma_start3A_202, %dma_start3A_203] : memref<4x2x128xi32, #tpu.memory_space<vmem>> -> memref<1x1x128xi32, #tpu.memory_space<vmem>>
    %dma_start3A_205 = tpu.memref_squeeze %dma_start3A_204 : memref<1x1x128xi32, #tpu.memory_space<vmem>> -> memref<128xi32, #tpu.memory_space<vmem>>
    %dma_start3A_206 = arith.constant 0 : i32
    %dma_start3A_207 = arith.constant 0 : i32
    %dma_start3A_208 = tpu.memref_slice %arg2[%dma_start3A_206, %dma_start3A_207] : memref<10000x128xf32, #tpu.memory_space<hbm>> -> memref<10000x128xf32, #tpu.memory_space<hbm>>
    tpu.enqueue_indirect_dma source(%dma_start3A_208 : memref<10000x128xf32, #tpu.memory_space<hbm>>) target(%arg8 : memref<128x128xf32, #tpu.memory_space<vmem>>) offsets(%dma_start3A_205 : memref<128xi32, #tpu.memory_space<vmem>>) semaphore(%arg15 : memref<!tpu.dma_semaphore, #tpu.memory_space<semaphore_mem>>)
    %run_scoped3A_209 = arith.constant 2 : i32
    %run_scoped3A_210 = arith.constant 1 : i32
    "tpu.region"() ({
      %run_scoped3A_222 = tpu.sem_alloc : memref<!tpu.dma_semaphore, #tpu.memory_space<semaphore_mem>>
      %dma_start3A_223 = arith.constant 0 : i32
      %dma_start3A_224 = tpu.memref_slice %arg6[%run_scoped3A_209, %run_scoped3A_210, %dma_start3A_223] : memref<4x2x128xi32, #tpu.memory_space<vmem>> -> memref<1x1x128xi32, #tpu.memory_space<vmem>>
      %dma_start3A_225 = tpu.memref_squeeze %dma_start3A_224 : memref<1x1x128xi32, #tpu.memory_space<vmem>> -> memref<128xi32, #tpu.memory_space<vmem>>
      %dma_start3A_226 = arith.constant 0 : i32
      %dma_start3A_227 = arith.constant 0 : i32
      %dma_start3A_228 = tpu.memref_slice %arg9[%dma_start3A_226, %dma_start3A_227] : memref<10112x128xf32, #tpu.memory_space<vmem_shared>> -> memref<10112x128xf32, #tpu.memory_space<vmem_shared>>
      tpu.enqueue_indirect_dma source(%arg7 : memref<128x128xf32, #tpu.memory_space<vmem>>) target(%dma_start3A_228 : memref<10112x128xf32, #tpu.memory_space<vmem_shared>>) offsets(%dma_start3A_225 : memref<128xi32, #tpu.memory_space<vmem>>) semaphore(%run_scoped3A_222 : memref<!tpu.dma_semaphore, #tpu.memory_space<semaphore_mem>>) {add = true}
      %dma_wait3A_229 = arith.constant 0 : i32
      %dma_wait3A_230 = tpu.memref_slice %arg6[%run_scoped3A_209, %run_scoped3A_210, %dma_wait3A_229] : memref<4x2x128xi32, #tpu.memory_space<vmem>> -> memref<1x1x128xi32, #tpu.memory_space<vmem>>
      %dma_wait3A_231 = tpu.memref_squeeze %dma_wait3A_230 : memref<1x1x128xi32, #tpu.memory_space<vmem>> -> memref<128xi32, #tpu.memory_space<vmem>>
      %dma_wait3A_232 = arith.constant 0 : i32
      %dma_wait3A_233 = arith.constant 0 : i32
      %dma_wait3A_234 = tpu.memref_slice %arg9[%dma_wait3A_232, %dma_wait3A_233] : memref<10112x128xf32, #tpu.memory_space<vmem_shared>> -> memref<10112x128xf32, #tpu.memory_space<vmem_shared>>
      tpu.wait_indirect_dma semaphore(%run_scoped3A_222 : memref<!tpu.dma_semaphore, #tpu.memory_space<semaphore_mem>>) src(%arg7 : memref<128x128xf32, #tpu.memory_space<vmem>>) dst(%dma_wait3A_234 : memref<10112x128xf32, #tpu.memory_space<vmem_shared>>)
      tpu.yield
    }) : () -> ()
    %dma_wait3A_211 = arith.constant 3 : i32
    %dma_wait3A_212 = arith.constant 0 : i32
    %dma_wait3A_213 = arith.constant 0 : i32
    %dma_wait3A_214 = tpu.memref_slice %arg6[%dma_wait3A_211, %dma_wait3A_212, %dma_wait3A_213] : memref<4x2x128xi32, #tpu.memory_space<vmem>> -> memref<1x1x128xi32, #tpu.memory_space<vmem>>
    %dma_wait3A_215 = tpu.memref_squeeze %dma_wait3A_214 : memref<1x1x128xi32, #tpu.memory_space<vmem>> -> memref<128xi32, #tpu.memory_space<vmem>>
    %dma_wait3A_216 = arith.constant 0 : i32
    %dma_wait3A_217 = arith.constant 0 : i32
    %dma_wait3A_218 = tpu.memref_slice %arg2[%dma_wait3A_216, %dma_wait3A_217] : memref<10000x128xf32, #tpu.memory_space<hbm>> -> memref<10000x128xf32, #tpu.memory_space<hbm>>
    tpu.wait_indirect_dma semaphore(%arg15 : memref<!tpu.dma_semaphore, #tpu.memory_space<semaphore_mem>>) src(%dma_wait3A_218 : memref<10000x128xf32, #tpu.memory_space<hbm>>) dst(%arg8 : memref<128x128xf32, #tpu.memory_space<vmem>>)
    %run_scoped3A_219 = arith.constant 3 : i32
    %run_scoped3A_220 = arith.constant 1 : i32
    "tpu.region"() ({
      %run_scoped3A_222 = tpu.sem_alloc : memref<!tpu.dma_semaphore, #tpu.memory_space<semaphore_mem>>
      %dma_start3A_223 = arith.constant 0 : i32
      %dma_start3A_224 = tpu.memref_slice %arg6[%run_scoped3A_219, %run_scoped3A_220, %dma_start3A_223] : memref<4x2x128xi32, #tpu.memory_space<vmem>> -> memref<1x1x128xi32, #tpu.memory_space<vmem>>
      %dma_start3A_225 = tpu.memref_squeeze %dma_start3A_224 : memref<1x1x128xi32, #tpu.memory_space<vmem>> -> memref<128xi32, #tpu.memory_space<vmem>>
      %dma_start3A_226 = arith.constant 0 : i32
      %dma_start3A_227 = arith.constant 0 : i32
      %dma_start3A_228 = tpu.memref_slice %arg9[%dma_start3A_226, %dma_start3A_227] : memref<10112x128xf32, #tpu.memory_space<vmem_shared>> -> memref<10112x128xf32, #tpu.memory_space<vmem_shared>>
      tpu.enqueue_indirect_dma source(%arg8 : memref<128x128xf32, #tpu.memory_space<vmem>>) target(%dma_start3A_228 : memref<10112x128xf32, #tpu.memory_space<vmem_shared>>) offsets(%dma_start3A_225 : memref<128xi32, #tpu.memory_space<vmem>>) semaphore(%run_scoped3A_222 : memref<!tpu.dma_semaphore, #tpu.memory_space<semaphore_mem>>) {add = true}
      %dma_wait3A_229 = arith.constant 0 : i32
      %dma_wait3A_230 = tpu.memref_slice %arg6[%run_scoped3A_219, %run_scoped3A_220, %dma_wait3A_229] : memref<4x2x128xi32, #tpu.memory_space<vmem>> -> memref<1x1x128xi32, #tpu.memory_space<vmem>>
      %dma_wait3A_231 = tpu.memref_squeeze %dma_wait3A_230 : memref<1x1x128xi32, #tpu.memory_space<vmem>> -> memref<128xi32, #tpu.memory_space<vmem>>
      %dma_wait3A_232 = arith.constant 0 : i32
      %dma_wait3A_233 = arith.constant 0 : i32
      %dma_wait3A_234 = tpu.memref_slice %arg9[%dma_wait3A_232, %dma_wait3A_233] : memref<10112x128xf32, #tpu.memory_space<vmem_shared>> -> memref<10112x128xf32, #tpu.memory_space<vmem_shared>>
      tpu.wait_indirect_dma semaphore(%run_scoped3A_222 : memref<!tpu.dma_semaphore, #tpu.memory_space<semaphore_mem>>) src(%arg8 : memref<128x128xf32, #tpu.memory_space<vmem>>) dst(%dma_wait3A_234 : memref<10112x128xf32, #tpu.memory_space<vmem_shared>>)
      tpu.yield
    }) : () -> ()
    %barrier3A_221 = arith.constant 0 : index
    tpu.barrier barrier_id(%barrier3A_221)
    "tpu.region"() ({
      %run_scoped3A_222 = tpu.sem_alloc : memref<!tpu.dma_semaphore, #tpu.memory_space<semaphore_mem>>
      %dma_start3A_223 = arith.constant 0 : i32
      %dma_start3A_224 = tpu.memref_slice %arg5[%arg0, %mul3A_2, %dma_start3A_223] : memref<2x10112x128xf32, #tpu.memory_space<hbm>> -> memref<1x632x128xf32, #tpu.memory_space<hbm>>
      %dma_start3A_225 = tpu.memref_squeeze %dma_start3A_224 : memref<1x632x128xf32, #tpu.memory_space<hbm>> -> memref<632x128xf32, #tpu.memory_space<hbm>>
      %dma_start3A_226 = arith.constant 0 : i32
      %dma_start3A_227 = tpu.memref_slice %arg9[%mul3A_2, %dma_start3A_226] : memref<10112x128xf32, #tpu.memory_space<vmem_shared>> -> memref<632x128xf32, #tpu.memory_space<vmem_shared>>
      tpu.enqueue_dma source(%dma_start3A_227 : memref<632x128xf32, #tpu.memory_space<vmem_shared>>) target(%dma_start3A_225 : memref<632x128xf32, #tpu.memory_space<hbm>>) target_semaphore(%run_scoped3A_222 : memref<!tpu.dma_semaphore, #tpu.memory_space<semaphore_mem>>)
      %dma_wait3A_228 = arith.constant 0 : i32
      %dma_wait3A_229 = tpu.memref_slice %arg5[%arg0, %mul3A_2, %dma_wait3A_228] : memref<2x10112x128xf32, #tpu.memory_space<hbm>> -> memref<1x632x128xf32, #tpu.memory_space<hbm>>
      %dma_wait3A_230 = tpu.memref_squeeze %dma_wait3A_229 : memref<1x632x128xf32, #tpu.memory_space<hbm>> -> memref<632x128xf32, #tpu.memory_space<hbm>>
      %dma_wait3A_231 = arith.constant 0 : i32
      %dma_wait3A_232 = tpu.memref_slice %arg9[%mul3A_2, %dma_wait3A_231] : memref<10112x128xf32, #tpu.memory_space<vmem_shared>> -> memref<632x128xf32, #tpu.memory_space<vmem_shared>>
      tpu.wait_dma2 semaphore(%run_scoped3A_222 : memref<!tpu.dma_semaphore, #tpu.memory_space<semaphore_mem>>) src(%dma_wait3A_232 : memref<632x128xf32, #tpu.memory_space<vmem_shared>>) dst(%dma_wait3A_230 : memref<632x128xf32, #tpu.memory_space<hbm>>)
      tpu.yield
    }) : () -> ()
    return
  }
}

#map = affine_map<(d0, d1) -> (0)>
#map1 = affine_map<(d0, d1) -> (0, 0)>
module attributes {stable_mosaic.version = 14 : i64} {
  func.func @k(%arg0: i32, %arg1: i32, %arg2: memref<320000xi32, #tpu.memory_space<hbm>>, %arg3: memref<32x10112xf32, #tpu.memory_space<hbm>>, %arg4: memref<10000xi32, #tpu.memory_space<vmem>>, %arg5: memref<10112xf32, #tpu.memory_space<vmem>>) attributes {dimension_semantics = [#tpu.dimension_semantics<core_parallel>, #tpu.dimension_semantics<subcore_parallel>], iteration_bounds = array<i64: 2, 16>, scalar_prefetch = 0 : i64, scratch_operands = 2 : i64, tpu.core_type = #tpu.core_type<sc_vector_subcore>, window_params = [{transform_indices = #map}, {transform_indices = #map1}]} {
    %mul3A = arith.constant 16 : i32
    %mul3A_0 = arith.muli %arg0, %mul3A : i32
    %add3A = arith.addi %mul3A_0, %arg1 : i32
    %scan3A = arith.constant 0 : i32
    %scan3A_1 = arith.constant 0 : i32
    %scan3A_2 = arith.constant 632 : i32
    %scan3A_3 = arith.addi %scan3A_1, %scan3A_2 : i32
    %scan3A_4 = arith.constant 1 : i32
    scf.for %scan3A_15 = %scan3A_1 to %scan3A_3 step %scan3A_4  : i32 {
      %broadcast_in_dim3A_16 = arith.constant 0.000000e+00 : f32
      %broadcast_in_dim3A_17 = vector.broadcast %broadcast_in_dim3A_16 : f32 to vector<16xf32>
      %mul3A_18 = arith.constant 16 : i32
      %mul3A_19 = arith.muli %scan3A_15, %mul3A_18 : i32
      %swap3A = arith.index_cast %mul3A_19 : i32 to index
      %swap3A_20 = tpu.vector_load %arg5[%swap3A] {strides = array<i32>} : memref<10112xf32, #tpu.memory_space<vmem>>, vector<16xf32>,
      tpu.vector_store %arg5[%swap3A], %broadcast_in_dim3A_17 {strides = array<i32>} : memref<10112xf32, #tpu.memory_space<vmem>>, vector<16xf32>,
    }
    %scan3A_5 = arith.constant 632 : i32
    %mul3A_6 = arith.constant 10000 : i32
    %mul3A_7 = arith.muli %add3A, %mul3A_6 : i32
    "tpu.region"() ({
      %run_scoped3A_15 = tpu.sem_alloc : memref<!tpu.dma_semaphore, #tpu.memory_space<semaphore_mem>>
      %dma_start3A = tpu.memref_slice %arg2[%mul3A_7] : memref<320000xi32, #tpu.memory_space<hbm>> -> memref<10000xi32, #tpu.memory_space<hbm>>
      %dma_start3A_16 = tpu.memref_slice %arg2[%mul3A_7] : memref<320000xi32, #tpu.memory_space<hbm>> -> memref<10000xi32, #tpu.memory_space<hbm>>
      tpu.enqueue_dma source(%dma_start3A_16 : memref<10000xi32, #tpu.memory_space<hbm>>) target(%arg4 : memref<10000xi32, #tpu.memory_space<vmem>>) target_semaphore(%run_scoped3A_15 : memref<!tpu.dma_semaphore, #tpu.memory_space<semaphore_mem>>)
      %dma_wait3A = tpu.memref_slice %arg2[%mul3A_7] : memref<320000xi32, #tpu.memory_space<hbm>> -> memref<10000xi32, #tpu.memory_space<hbm>>
      %dma_wait3A_17 = tpu.memref_slice %arg2[%mul3A_7] : memref<320000xi32, #tpu.memory_space<hbm>> -> memref<10000xi32, #tpu.memory_space<hbm>>
      tpu.wait_dma2 semaphore(%run_scoped3A_15 : memref<!tpu.dma_semaphore, #tpu.memory_space<semaphore_mem>>) src(%dma_wait3A_17 : memref<10000xi32, #tpu.memory_space<hbm>>) dst(%arg4 : memref<10000xi32, #tpu.memory_space<vmem>>)
      tpu.yield
    }) : () -> ()
    %broadcast_in_dim3A = arith.constant 1.000000e+00 : f32
    %broadcast_in_dim3A_8 = vector.broadcast %broadcast_in_dim3A : f32 to vector<16xf32>
    %scan3A_9 = arith.constant 0 : i32
    %scan3A_10 = arith.constant 0 : i32
    %scan3A_11 = arith.constant 625 : i32
    %scan3A_12 = arith.addi %scan3A_10, %scan3A_11 : i32
    %scan3A_13 = arith.constant 1 : i32
    scf.for %scan3A_15 = %scan3A_10 to %scan3A_12 step %scan3A_13  : i32 {
      %mul3A_16 = arith.constant 16 : i32
      %mul3A_17 = arith.muli %scan3A_15, %mul3A_16 : i32
      %get3A = arith.index_cast %mul3A_17 : i32 to index
      %get3A_18 = tpu.vector_load %arg4[%get3A] {strides = array<i32>} : memref<10000xi32, #tpu.memory_space<vmem>>, vector<16xi32>,
      tpu.vector_store_idx %arg5[%get3A_18], %broadcast_in_dim3A_8 {add = true} : memref<10112xf32, #tpu.memory_space<vmem>>[vector<16xi32>], vector<16xf32>,
    }
    %scan3A_14 = arith.constant 625 : i32
    %run_scoped3A = arith.constant 0 : i32
    "tpu.region"() ({
      %run_scoped3A_15 = tpu.sem_alloc : memref<!tpu.dma_semaphore, #tpu.memory_space<semaphore_mem>>
      %dma_start3A = arith.constant 0 : i32
      %dma_start3A_16 = tpu.memref_slice %arg3[%add3A, %dma_start3A] : memref<32x10112xf32, #tpu.memory_space<hbm>> -> memref<1x10112xf32, #tpu.memory_space<hbm>>
      %dma_start3A_17 = arith.constant 0 : i32
      %dma_start3A_18 = tpu.memref_slice %dma_start3A_16[%run_scoped3A, %dma_start3A_17] : memref<1x10112xf32, #tpu.memory_space<hbm>> -> memref<1x10112xf32, #tpu.memory_space<hbm>>
      %dma_start3A_19 = tpu.memref_squeeze %dma_start3A_18 : memref<1x10112xf32, #tpu.memory_space<hbm>> -> memref<10112xf32, #tpu.memory_space<hbm>>
      %dma_start3A_20 = arith.constant 0 : i32
      %dma_start3A_21 = tpu.memref_slice %arg3[%add3A, %dma_start3A_20] : memref<32x10112xf32, #tpu.memory_space<hbm>> -> memref<1x10112xf32, #tpu.memory_space<hbm>>
      %dma_start3A_22 = arith.constant 0 : i32
      %dma_start3A_23 = tpu.memref_slice %dma_start3A_21[%run_scoped3A, %dma_start3A_22] : memref<1x10112xf32, #tpu.memory_space<hbm>> -> memref<1x10112xf32, #tpu.memory_space<hbm>>
      %dma_start3A_24 = tpu.memref_squeeze %dma_start3A_23 : memref<1x10112xf32, #tpu.memory_space<hbm>> -> memref<10112xf32, #tpu.memory_space<hbm>>
      tpu.enqueue_dma source(%arg5 : memref<10112xf32, #tpu.memory_space<vmem>>) target(%dma_start3A_24 : memref<10112xf32, #tpu.memory_space<hbm>>) target_semaphore(%run_scoped3A_15 : memref<!tpu.dma_semaphore, #tpu.memory_space<semaphore_mem>>)
      %dma_wait3A = arith.constant 0 : i32
      %dma_wait3A_25 = tpu.memref_slice %arg3[%add3A, %dma_wait3A] : memref<32x10112xf32, #tpu.memory_space<hbm>> -> memref<1x10112xf32, #tpu.memory_space<hbm>>
      %dma_wait3A_26 = arith.constant 0 : i32
      %dma_wait3A_27 = tpu.memref_slice %dma_wait3A_25[%run_scoped3A, %dma_wait3A_26] : memref<1x10112xf32, #tpu.memory_space<hbm>> -> memref<1x10112xf32, #tpu.memory_space<hbm>>
      %dma_wait3A_28 = tpu.memref_squeeze %dma_wait3A_27 : memref<1x10112xf32, #tpu.memory_space<hbm>> -> memref<10112xf32, #tpu.memory_space<hbm>>
      %dma_wait3A_29 = arith.constant 0 : i32
      %dma_wait3A_30 = tpu.memref_slice %arg3[%add3A, %dma_wait3A_29] : memref<32x10112xf32, #tpu.memory_space<hbm>> -> memref<1x10112xf32, #tpu.memory_space<hbm>>
      %dma_wait3A_31 = arith.constant 0 : i32
      %dma_wait3A_32 = tpu.memref_slice %dma_wait3A_30[%run_scoped3A, %dma_wait3A_31] : memref<1x10112xf32, #tpu.memory_space<hbm>> -> memref<1x10112xf32, #tpu.memory_space<hbm>>
      %dma_wait3A_33 = tpu.memref_squeeze %dma_wait3A_32 : memref<1x10112xf32, #tpu.memory_space<hbm>> -> memref<10112xf32, #tpu.memory_space<hbm>>
      tpu.wait_dma2 semaphore(%run_scoped3A_15 : memref<!tpu.dma_semaphore, #tpu.memory_space<semaphore_mem>>) src(%arg5 : memref<10112xf32, #tpu.memory_space<vmem>>) dst(%dma_wait3A_33 : memref<10112xf32, #tpu.memory_space<hbm>>)
      tpu.yield
    }) : () -> ()
    return
  }
}

#map = affine_map<(d0, d1) -> (0, 0)>
#map1 = affine_map<(d0, d1) -> (0, 0, 0, 0)>
#map2 = affine_map<(d0, d1) -> (0, 0, 0)>
module attributes {stable_mosaic.version = 14 : i64} {
  func.func @k(%arg0: i32, %arg1: i32, %arg2: memref<10000x128xf32, #tpu.memory_space<hbm>>, %arg3: memref<32x80x2x128xi32, #tpu.memory_space<hbm>>, %arg4: memref<632x128xf32, #tpu.memory_space<hbm>>, %arg5: memref<2x10112x128xf32, #tpu.memory_space<hbm>>, %arg6: memref<4x2x128xi32, #tpu.memory_space<vmem>>, %arg7: memref<128x128xf32, #tpu.memory_space<vmem>>, %arg8: memref<128x128xf32, #tpu.memory_space<vmem>>, %arg9: memref<10112x128xf32, #tpu.memory_space<vmem_shared>>, %arg10: memref<!tpu.dma_semaphore, #tpu.memory_space<semaphore_mem>>, %arg11: memref<!tpu.dma_semaphore, #tpu.memory_space<semaphore_mem>>, %arg12: memref<!tpu.dma_semaphore, #tpu.memory_space<semaphore_mem>>, %arg13: memref<!tpu.dma_semaphore, #tpu.memory_space<semaphore_mem>>, %arg14: memref<!tpu.dma_semaphore, #tpu.memory_space<semaphore_mem>>, %arg15: memref<!tpu.dma_semaphore, #tpu.memory_space<semaphore_mem>>) attributes {dimension_semantics = [#tpu.dimension_semantics<core_parallel>, #tpu.dimension_semantics<subcore_parallel>], iteration_bounds = array<i64: 2, 16>, scalar_prefetch = 0 : i64, scratch_operands = 10 : i64, tpu.core_type = #tpu.core_type<sc_vector_subcore>, window_params = [{transform_indices = #map}, {transform_indices = #map1}, {transform_indices = #map}, {transform_indices = #map2}]} {
    %mul3A = arith.constant 16 : i32
    %mul3A_0 = arith.muli %arg0, %mul3A : i32
    %add3A = arith.addi %mul3A_0, %arg1 : i32
    %mul3A_1 = arith.constant 632 : i32
    %mul3A_2 = arith.muli %arg1, %mul3A_1 : i32
    "tpu.region"() ({
      %run_scoped3A_222 = tpu.sem_alloc : memref<!tpu.dma_semaphore, #tpu.memory_space<semaphore_mem>>
      %dma_start3A_223 = arith.constant 0 : i32
      %dma_start3A_224 = tpu.memref_slice %arg9[%mul3A_2, %dma_start3A_223] : memref<10112x128xf32, #tpu.memory_space<vmem_shared>> -> memref<632x128xf32, #tpu.memory_space<vmem_shared>>
      tpu.enqueue_dma source(%arg4 : memref<632x128xf32, #tpu.memory_space<hbm>>) target(%dma_start3A_224 : memref<632x128xf32, #tpu.memory_space<vmem_shared>>) target_semaphore(%run_scoped3A_222 : memref<!tpu.dma_semaphore, #tpu.memory_space<semaphore_mem>>)
      %dma_wait3A_225 = arith.constant 0 : i32
      %dma_wait3A_226 = tpu.memref_slice %arg9[%mul3A_2, %dma_wait3A_225] : memref<10112x128xf32, #tpu.memory_space<vmem_shared>> -> memref<632x128xf32, #tpu.memory_space<vmem_shared>>
      tpu.wait_dma2 semaphore(%run_scoped3A_222 : memref<!tpu.dma_semaphore, #tpu.memory_space<semaphore_mem>>) src(%arg4 : memref<632x128xf32, #tpu.memory_space<hbm>>) dst(%dma_wait3A_226 : memref<632x128xf32, #tpu.memory_space<vmem_shared>>)
      tpu.yield
    }) : () -> ()
    %barrier3A = arith.constant 0 : index
    tpu.barrier barrier_id(%barrier3A)
    %dma_start3A = arith.constant 0 : i32
    %dma_start3A_3 = arith.constant 0 : i32
    %dma_start3A_4 = arith.constant 0 : i32
    %dma_start3A_5 = arith.constant 0 : i32
    %dma_start3A_6 = tpu.memref_slice %arg6[%dma_start3A_3, %dma_start3A_4, %dma_start3A_5] : memref<4x2x128xi32, #tpu.memory_space<vmem>> -> memref<1x2x128xi32, #tpu.memory_space<vmem>>
    %dma_start3A_7 = tpu.memref_squeeze %dma_start3A_6 : memref<1x2x128xi32, #tpu.memory_space<vmem>> -> memref<2x128xi32, #tpu.memory_space<vmem>>
    %dma_start3A_8 = arith.constant 0 : i32
    %dma_start3A_9 = arith.constant 0 : i32
    %dma_start3A_10 = tpu.memref_slice %arg3[%add3A, %dma_start3A, %dma_start3A_8, %dma_start3A_9] : memref<32x80x2x128xi32, #tpu.memory_space<hbm>> -> memref<1x1x2x128xi32, #tpu.memory_space<hbm>>
    %dma_start3A_11 = tpu.memref_squeeze %dma_start3A_10 : memref<1x1x2x128xi32, #tpu.memory_space<hbm>> -> memref<2x128xi32, #tpu.memory_space<hbm>>
    %dma_start3A_12 = arith.constant 0 : i32
    %dma_start3A_13 = arith.constant 0 : i32
    %dma_start3A_14 = tpu.memref_slice %arg6[%dma_start3A_3, %dma_start3A_12, %dma_start3A_13] : memref<4x2x128xi32, #tpu.memory_space<vmem>> -> memref<1x2x128xi32, #tpu.memory_space<vmem>>
    %dma_start3A_15 = tpu.memref_squeeze %dma_start3A_14 : memref<1x2x128xi32, #tpu.memory_space<vmem>> -> memref<2x128xi32, #tpu.memory_space<vmem>>
    %dma_start3A_16 = arith.constant 0 : i32
    %dma_start3A_17 = arith.constant 0 : i32
    %dma_start3A_18 = tpu.memref_slice %arg3[%add3A, %dma_start3A, %dma_start3A_16, %dma_start3A_17] : memref<32x80x2x128xi32, #tpu.memory_space<hbm>> -> memref<1x1x2x128xi32, #tpu.memory_space<hbm>>
    %dma_start3A_19 = tpu.memref_squeeze %dma_start3A_18 : memref<1x1x2x128xi32, #tpu.memory_space<hbm>> -> memref<2x128xi32, #tpu.memory_space<hbm>>
    tpu.enqueue_dma source(%dma_start3A_19 : memref<2x128xi32, #tpu.memory_space<hbm>>) target(%dma_start3A_15 : memref<2x128xi32, #tpu.memory_space<vmem>>) target_semaphore(%arg10 : memref<!tpu.dma_semaphore, #tpu.memory_space<semaphore_mem>>)
    %dma_start3A_20 = arith.constant 1 : i32
    %dma_start3A_21 = arith.constant 1 : i32
    %dma_start3A_22 = arith.constant 0 : i32
    %dma_start3A_23 = arith.constant 0 : i32
    %dma_start3A_24 = tpu.memref_slice %arg6[%dma_start3A_21, %dma_start3A_22, %dma_start3A_23] : memref<4x2x128xi32, #tpu.memory_space<vmem>> -> memref<1x2x128xi32, #tpu.memory_space<vmem>>
    %dma_start3A_25 = tpu.memref_squeeze %dma_start3A_24 : memref<1x2x128xi32, #tpu.memory_space<vmem>> -> memref<2x128xi32, #tpu.memory_space<vmem>>
    %dma_start3A_26 = arith.constant 0 : i32
    %dma_start3A_27 = arith.constant 0 : i32
    %dma_start3A_28 = tpu.memref_slice %arg3[%add3A, %dma_start3A_20, %dma_start3A_26, %dma_start3A_27] : memref<32x80x2x128xi32, #tpu.memory_space<hbm>> -> memref<1x1x2x128xi32, #tpu.memory_space<hbm>>
    %dma_start3A_29 = tpu.memref_squeeze %dma_start3A_28 : memref<1x1x2x128xi32, #tpu.memory_space<hbm>> -> memref<2x128xi32, #tpu.memory_space<hbm>>
    %dma_start3A_30 = arith.constant 0 : i32
    %dma_start3A_31 = arith.constant 0 : i32
    %dma_start3A_32 = tpu.memref_slice %arg6[%dma_start3A_21, %dma_start3A_30, %dma_start3A_31] : memref<4x2x128xi32, #tpu.memory_space<vmem>> -> memref<1x2x128xi32, #tpu.memory_space<vmem>>
    %dma_start3A_33 = tpu.memref_squeeze %dma_start3A_32 : memref<1x2x128xi32, #tpu.memory_space<vmem>> -> memref<2x128xi32, #tpu.memory_space<vmem>>
    %dma_start3A_34 = arith.constant 0 : i32
    %dma_start3A_35 = arith.constant 0 : i32
    %dma_start3A_36 = tpu.memref_slice %arg3[%add3A, %dma_start3A_20, %dma_start3A_34, %dma_start3A_35] : memref<32x80x2x128xi32, #tpu.memory_space<hbm>> -> memref<1x1x2x128xi32, #tpu.memory_space<hbm>>
    %dma_start3A_37 = tpu.memref_squeeze %dma_start3A_36 : memref<1x1x2x128xi32, #tpu.memory_space<hbm>> -> memref<2x128xi32, #tpu.memory_space<hbm>>
    tpu.enqueue_dma source(%dma_start3A_37 : memref<2x128xi32, #tpu.memory_space<hbm>>) target(%dma_start3A_33 : memref<2x128xi32, #tpu.memory_space<vmem>>) target_semaphore(%arg11 : memref<!tpu.dma_semaphore, #tpu.memory_space<semaphore_mem>>)
    %dma_wait3A = arith.constant 0 : i32
    %dma_wait3A_38 = arith.constant 0 : i32
    %dma_wait3A_39 = arith.constant 0 : i32
    %dma_wait3A_40 = arith.constant 0 : i32
    %dma_wait3A_41 = tpu.memref_slice %arg6[%dma_wait3A_38, %dma_wait3A_39, %dma_wait3A_40] : memref<4x2x128xi32, #tpu.memory_space<vmem>> -> memref<1x2x128xi32, #tpu.memory_space<vmem>>
    %dma_wait3A_42 = tpu.memref_squeeze %dma_wait3A_41 : memref<1x2x128xi32, #tpu.memory_space<vmem>> -> memref<2x128xi32, #tpu.memory_space<vmem>>
    %dma_wait3A_43 = arith.constant 0 : i32
    %dma_wait3A_44 = arith.constant 0 : i32
    %dma_wait3A_45 = tpu.memref_slice %arg3[%add3A, %dma_wait3A, %dma_wait3A_43, %dma_wait3A_44] : memref<32x80x2x128xi32, #tpu.memory_space<hbm>> -> memref<1x1x2x128xi32, #tpu.memory_space<hbm>>
    %dma_wait3A_46 = tpu.memref_squeeze %dma_wait3A_45 : memref<1x1x2x128xi32, #tpu.memory_space<hbm>> -> memref<2x128xi32, #tpu.memory_space<hbm>>
    %dma_wait3A_47 = arith.constant 0 : i32
    %dma_wait3A_48 = arith.constant 0 : i32
    %dma_wait3A_49 = tpu.memref_slice %arg6[%dma_wait3A_38, %dma_wait3A_47, %dma_wait3A_48] : memref<4x2x128xi32, #tpu.memory_space<vmem>> -> memref<1x2x128xi32, #tpu.memory_space<vmem>>
    %dma_wait3A_50 = tpu.memref_squeeze %dma_wait3A_49 : memref<1x2x128xi32, #tpu.memory_space<vmem>> -> memref<2x128xi32, #tpu.memory_space<vmem>>
    %dma_wait3A_51 = arith.constant 0 : i32
    %dma_wait3A_52 = arith.constant 0 : i32
    %dma_wait3A_53 = tpu.memref_slice %arg3[%add3A, %dma_wait3A, %dma_wait3A_51, %dma_wait3A_52] : memref<32x80x2x128xi32, #tpu.memory_space<hbm>> -> memref<1x1x2x128xi32, #tpu.memory_space<hbm>>
    %dma_wait3A_54 = tpu.memref_squeeze %dma_wait3A_53 : memref<1x1x2x128xi32, #tpu.memory_space<hbm>> -> memref<2x128xi32, #tpu.memory_space<hbm>>
    tpu.wait_dma2 semaphore(%arg10 : memref<!tpu.dma_semaphore, #tpu.memory_space<semaphore_mem>>) src(%dma_wait3A_54 : memref<2x128xi32, #tpu.memory_space<hbm>>) dst(%dma_wait3A_50 : memref<2x128xi32, #tpu.memory_space<vmem>>)
    %dma_start3A_55 = arith.constant 0 : i32
    %dma_start3A_56 = arith.constant 0 : i32
    %dma_start3A_57 = arith.constant 0 : i32
    %dma_start3A_58 = tpu.memref_slice %arg6[%dma_start3A_55, %dma_start3A_56, %dma_start3A_57] : memref<4x2x128xi32, #tpu.memory_space<vmem>> -> memref<1x1x128xi32, #tpu.memory_space<vmem>>
    %dma_start3A_59 = tpu.memref_squeeze %dma_start3A_58 : memref<1x1x128xi32, #tpu.memory_space<vmem>> -> memref<128xi32, #tpu.memory_space<vmem>>
    %dma_start3A_60 = arith.constant 0 : i32
    %dma_start3A_61 = arith.constant 0 : i32
    %dma_start3A_62 = tpu.memref_slice %arg2[%dma_start3A_60, %dma_start3A_61] : memref<10000x128xf32, #tpu.memory_space<hbm>> -> memref<10000x128xf32, #tpu.memory_space<hbm>>
    tpu.enqueue_indirect_dma source(%dma_start3A_62 : memref<10000x128xf32, #tpu.memory_space<hbm>>) target(%arg7 : memref<128x128xf32, #tpu.memory_space<vmem>>) offsets(%dma_start3A_59 : memref<128xi32, #tpu.memory_space<vmem>>) semaphore(%arg14 : memref<!tpu.dma_semaphore, #tpu.memory_space<semaphore_mem>>)
    %dma_wait3A_63 = arith.constant 0 : i32
    %dma_wait3A_64 = arith.constant 0 : i32
    %dma_wait3A_65 = arith.constant 0 : i32
    %dma_wait3A_66 = tpu.memref_slice %arg6[%dma_wait3A_63, %dma_wait3A_64, %dma_wait3A_65] : memref<4x2x128xi32, #tpu.memory_space<vmem>> -> memref<1x1x128xi32, #tpu.memory_space<vmem>>
    %dma_wait3A_67 = tpu.memref_squeeze %dma_wait3A_66 : memref<1x1x128xi32, #tpu.memory_space<vmem>> -> memref<128xi32, #tpu.memory_space<vmem>>
    %dma_wait3A_68 = arith.constant 0 : i32
    %dma_wait3A_69 = arith.constant 0 : i32
    %dma_wait3A_70 = tpu.memref_slice %arg2[%dma_wait3A_68, %dma_wait3A_69] : memref<10000x128xf32, #tpu.memory_space<hbm>> -> memref<10000x128xf32, #tpu.memory_space<hbm>>
    tpu.wait_indirect_dma semaphore(%arg14 : memref<!tpu.dma_semaphore, #tpu.memory_space<semaphore_mem>>) src(%dma_wait3A_70 : memref<10000x128xf32, #tpu.memory_space<hbm>>) dst(%arg7 : memref<128x128xf32, #tpu.memory_space<vmem>>)
    %scan3A = arith.constant 0 : i32
    %scan3A_71 = arith.constant 0 : i32
    %scan3A_72 = arith.constant 19 : i32
    %scan3A_73 = arith.addi %scan3A_71, %scan3A_72 : i32
    %scan3A_74 = arith.constant 1 : i32
    scf.for %scan3A_222 = %scan3A_71 to %scan3A_73 step %scan3A_74  : i32 {
      %mul3A_223 = arith.constant 4 : i32
      %mul3A_224 = arith.muli %scan3A_222, %mul3A_223 : i32
      %add3A_225 = arith.constant 0 : i32
      %add3A_226 = arith.addi %mul3A_224, %add3A_225 : i32
      %add3A_227 = arith.constant 2 : i32
      %add3A_228 = arith.addi %add3A_226, %add3A_227 : i32
      %dma_start3A_229 = arith.constant 2 : i32
      %dma_start3A_230 = arith.constant 0 : i32
      %dma_start3A_231 = arith.constant 0 : i32
      %dma_start3A_232 = tpu.memref_slice %arg6[%dma_start3A_229, %dma_start3A_230, %dma_start3A_231] : memref<4x2x128xi32, #tpu.memory_space<vmem>> -> memref<1x2x128xi32, #tpu.memory_space<vmem>>
      %dma_start3A_233 = tpu.memref_squeeze %dma_start3A_232 : memref<1x2x128xi32, #tpu.memory_space<vmem>> -> memref<2x128xi32, #tpu.memory_space<vmem>>
      %dma_start3A_234 = arith.constant 0 : i32
      %dma_start3A_235 = arith.constant 0 : i32
      %dma_start3A_236 = tpu.memref_slice %arg3[%add3A, %add3A_228, %dma_start3A_234, %dma_start3A_235] : memref<32x80x2x128xi32, #tpu.memory_space<hbm>> -> memref<1x1x2x128xi32, #tpu.memory_space<hbm>>
      %dma_start3A_237 = tpu.memref_squeeze %dma_start3A_236 : memref<1x1x2x128xi32, #tpu.memory_space<hbm>> -> memref<2x128xi32, #tpu.memory_space<hbm>>
      %dma_start3A_238 = arith.constant 0 : i32
      %dma_start3A_239 = arith.constant 0 : i32
      %dma_start3A_240 = tpu.memref_slice %arg6[%dma_start3A_229, %dma_start3A_238, %dma_start3A_239] : memref<4x2x128xi32, #tpu.memory_space<vmem>> -> memref<1x2x128xi32, #tpu.memory_space<vmem>>
      %dma_start3A_241 = tpu.memref_squeeze %dma_start3A_240 : memref<1x2x128xi32, #tpu.memory_space<vmem>> -> memref<2x128xi32, #tpu.memory_space<vmem>>
      %dma_start3A_242 = arith.constant 0 : i32
      %dma_start3A_243 = arith.constant 0 : i32
      %dma_start3A_244 = tpu.memref_slice %arg3[%add3A, %add3A_228, %dma_start3A_242, %dma_start3A_243] : memref<32x80x2x128xi32, #tpu.memory_space<hbm>> -> memref<1x1x2x128xi32, #tpu.memory_space<hbm>>
      %dma_start3A_245 = tpu.memref_squeeze %dma_start3A_244 : memref<1x1x2x128xi32, #tpu.memory_space<hbm>> -> memref<2x128xi32, #tpu.memory_space<hbm>>
      tpu.enqueue_dma source(%dma_start3A_245 : memref<2x128xi32, #tpu.memory_space<hbm>>) target(%dma_start3A_241 : memref<2x128xi32, #tpu.memory_space<vmem>>) target_semaphore(%arg12 : memref<!tpu.dma_semaphore, #tpu.memory_space<semaphore_mem>>)
      %add3A_246 = arith.constant 1 : i32
      %add3A_247 = arith.addi %add3A_226, %add3A_246 : i32
      %dma_wait3A_248 = arith.constant 1 : i32
      %dma_wait3A_249 = arith.constant 0 : i32
      %dma_wait3A_250 = arith.constant 0 : i32
      %dma_wait3A_251 = tpu.memref_slice %arg6[%dma_wait3A_248, %dma_wait3A_249, %dma_wait3A_250] : memref<4x2x128xi32, #tpu.memory_space<vmem>> -> memref<1x2x128xi32, #tpu.memory_space<vmem>>
      %dma_wait3A_252 = tpu.memref_squeeze %dma_wait3A_251 : memref<1x2x128xi32, #tpu.memory_space<vmem>> -> memref<2x128xi32, #tpu.memory_space<vmem>>
      %dma_wait3A_253 = arith.constant 0 : i32
      %dma_wait3A_254 = arith.constant 0 : i32
      %dma_wait3A_255 = tpu.memref_slice %arg3[%add3A, %add3A_247, %dma_wait3A_253, %dma_wait3A_254] : memref<32x80x2x128xi32, #tpu.memory_space<hbm>> -> memref<1x1x2x128xi32, #tpu.memory_space<hbm>>
      %dma_wait3A_256 = tpu.memref_squeeze %dma_wait3A_255 : memref<1x1x2x128xi32, #tpu.memory_space<hbm>> -> memref<2x128xi32, #tpu.memory_space<hbm>>
      %dma_wait3A_257 = arith.constant 0 : i32
      %dma_wait3A_258 = arith.constant 0 : i32
      %dma_wait3A_259 = tpu.memref_slice %arg6[%dma_wait3A_248, %dma_wait3A_257, %dma_wait3A_258] : memref<4x2x128xi32, #tpu.memory_space<vmem>> -> memref<1x2x128xi32, #tpu.memory_space<vmem>>
      %dma_wait3A_260 = tpu.memref_squeeze %dma_wait3A_259 : memref<1x2x128xi32, #tpu.memory_space<vmem>> -> memref<2x128xi32, #tpu.memory_space<vmem>>
      %dma_wait3A_261 = arith.constant 0 : i32
      %dma_wait3A_262 = arith.constant 0 : i32
      %dma_wait3A_263 = tpu.memref_slice %arg3[%add3A, %add3A_247, %dma_wait3A_261, %dma_wait3A_262] : memref<32x80x2x128xi32, #tpu.memory_space<hbm>> -> memref<1x1x2x128xi32, #tpu.memory_space<hbm>>
      %dma_wait3A_264 = tpu.memref_squeeze %dma_wait3A_263 : memref<1x1x2x128xi32, #tpu.memory_space<hbm>> -> memref<2x128xi32, #tpu.memory_space<hbm>>
      tpu.wait_dma2 semaphore(%arg11 : memref<!tpu.dma_semaphore, #tpu.memory_space<semaphore_mem>>) src(%dma_wait3A_264 : memref<2x128xi32, #tpu.memory_space<hbm>>) dst(%dma_wait3A_260 : memref<2x128xi32, #tpu.memory_space<vmem>>)
      %dma_start3A_265 = arith.constant 1 : i32
      %dma_start3A_266 = arith.constant 0 : i32
      %dma_start3A_267 = arith.constant 0 : i32
      %dma_start3A_268 = tpu.memref_slice %arg6[%dma_start3A_265, %dma_start3A_266, %dma_start3A_267] : memref<4x2x128xi32, #tpu.memory_space<vmem>> -> memref<1x1x128xi32, #tpu.memory_space<vmem>>
      %dma_start3A_269 = tpu.memref_squeeze %dma_start3A_268 : memref<1x1x128xi32, #tpu.memory_space<vmem>> -> memref<128xi32, #tpu.memory_space<vmem>>
      %dma_start3A_270 = arith.constant 0 : i32
      %dma_start3A_271 = arith.constant 0 : i32
      %dma_start3A_272 = tpu.memref_slice %arg2[%dma_start3A_270, %dma_start3A_271] : memref<10000x128xf32, #tpu.memory_space<hbm>> -> memref<10000x128xf32, #tpu.memory_space<hbm>>
      tpu.enqueue_indirect_dma source(%dma_start3A_272 : memref<10000x128xf32, #tpu.memory_space<hbm>>) target(%arg8 : memref<128x128xf32, #tpu.memory_space<vmem>>) offsets(%dma_start3A_269 : memref<128xi32, #tpu.memory_space<vmem>>) semaphore(%arg15 : memref<!tpu.dma_semaphore, #tpu.memory_space<semaphore_mem>>)
      %run_scoped3A_273 = arith.constant 0 : i32
      %run_scoped3A_274 = arith.constant 1 : i32
      "tpu.region"() ({
        %run_scoped3A_463 = tpu.sem_alloc : memref<!tpu.dma_semaphore, #tpu.memory_space<semaphore_mem>>
        %dma_start3A_464 = arith.constant 0 : i32
        %dma_start3A_465 = tpu.memref_slice %arg6[%run_scoped3A_273, %run_scoped3A_274, %dma_start3A_464] : memref<4x2x128xi32, #tpu.memory_space<vmem>> -> memref<1x1x128xi32, #tpu.memory_space<vmem>>
        %dma_start3A_466 = tpu.memref_squeeze %dma_start3A_465 : memref<1x1x128xi32, #tpu.memory_space<vmem>> -> memref<128xi32, #tpu.memory_space<vmem>>
        %dma_start3A_467 = arith.constant 0 : i32
        %dma_start3A_468 = arith.constant 0 : i32
        %dma_start3A_469 = tpu.memref_slice %arg9[%dma_start3A_467, %dma_start3A_468] : memref<10112x128xf32, #tpu.memory_space<vmem_shared>> -> memref<10112x128xf32, #tpu.memory_space<vmem_shared>>
        tpu.enqueue_indirect_dma source(%arg7 : memref<128x128xf32, #tpu.memory_space<vmem>>) target(%dma_start3A_469 : memref<10112x128xf32, #tpu.memory_space<vmem_shared>>) offsets(%dma_start3A_466 : memref<128xi32, #tpu.memory_space<vmem>>) semaphore(%run_scoped3A_463 : memref<!tpu.dma_semaphore, #tpu.memory_space<semaphore_mem>>) {add = true}
        %dma_wait3A_470 = arith.constant 0 : i32
        %dma_wait3A_471 = tpu.memref_slice %arg6[%run_scoped3A_273, %run_scoped3A_274, %dma_wait3A_470] : memref<4x2x128xi32, #tpu.memory_space<vmem>> -> memref<1x1x128xi32, #tpu.memory_space<vmem>>
        %dma_wait3A_472 = tpu.memref_squeeze %dma_wait3A_471 : memref<1x1x128xi32, #tpu.memory_space<vmem>> -> memref<128xi32, #tpu.memory_space<vmem>>
        %dma_wait3A_473 = arith.constant 0 : i32
        %dma_wait3A_474 = arith.constant 0 : i32
        %dma_wait3A_475 = tpu.memref_slice %arg9[%dma_wait3A_473, %dma_wait3A_474] : memref<10112x128xf32, #tpu.memory_space<vmem_shared>> -> memref<10112x128xf32, #tpu.memory_space<vmem_shared>>
        tpu.wait_indirect_dma semaphore(%run_scoped3A_463 : memref<!tpu.dma_semaphore, #tpu.memory_space<semaphore_mem>>) src(%arg7 : memref<128x128xf32, #tpu.memory_space<vmem>>) dst(%dma_wait3A_475 : memref<10112x128xf32, #tpu.memory_space<vmem_shared>>)
        tpu.yield
      }) : () -> ()
      %dma_wait3A_275 = arith.constant 1 : i32
      %dma_wait3A_276 = arith.constant 0 : i32
      %dma_wait3A_277 = arith.constant 0 : i32
      %dma_wait3A_278 = tpu.memref_slice %arg6[%dma_wait3A_275, %dma_wait3A_276, %dma_wait3A_277] : memref<4x2x128xi32, #tpu.memory_space<vmem>> -> memref<1x1x128xi32, #tpu.memory_space<vmem>>
      %dma_wait3A_279 = tpu.memref_squeeze %dma_wait3A_278 : memref<1x1x128xi32, #tpu.memory_space<vmem>> -> memref<128xi32, #tpu.memory_space<vmem>>
      %dma_wait3A_280 = arith.constant 0 : i32
      %dma_wait3A_281 = arith.constant 0 : i32
      %dma_wait3A_282 = tpu.memref_slice %arg2[%dma_wait3A_280, %dma_wait3A_281] : memref<10000x128xf32, #tpu.memory_space<hbm>> -> memref<10000x128xf32, #tpu.memory_space<hbm>>
      tpu.wait_indirect_dma semaphore(%arg15 : memref<!tpu.dma_semaphore, #tpu.memory_space<semaphore_mem>>) src(%dma_wait3A_282 : memref<10000x128xf32, #tpu.memory_space<hbm>>) dst(%arg8 : memref<128x128xf32, #tpu.memory_space<vmem>>)
      %mul3A_283 = arith.constant 4 : i32
      %mul3A_284 = arith.muli %scan3A_222, %mul3A_283 : i32
      %add3A_285 = arith.constant 1 : i32
      %add3A_286 = arith.addi %mul3A_284, %add3A_285 : i32
      %add3A_287 = arith.constant 2 : i32
      %add3A_288 = arith.addi %add3A_286, %add3A_287 : i32
      %dma_start3A_289 = arith.constant 3 : i32
      %dma_start3A_290 = arith.constant 0 : i32
      %dma_start3A_291 = arith.constant 0 : i32
      %dma_start3A_292 = tpu.memref_slice %arg6[%dma_start3A_289, %dma_start3A_290, %dma_start3A_291] : memref<4x2x128xi32, #tpu.memory_space<vmem>> -> memref<1x2x128xi32, #tpu.memory_space<vmem>>
      %dma_start3A_293 = tpu.memref_squeeze %dma_start3A_292 : memref<1x2x128xi32, #tpu.memory_space<vmem>> -> memref<2x128xi32, #tpu.memory_space<vmem>>
      %dma_start3A_294 = arith.constant 0 : i32
      %dma_start3A_295 = arith.constant 0 : i32
      %dma_start3A_296 = tpu.memref_slice %arg3[%add3A, %add3A_288, %dma_start3A_294, %dma_start3A_295] : memref<32x80x2x128xi32, #tpu.memory_space<hbm>> -> memref<1x1x2x128xi32, #tpu.memory_space<hbm>>
      %dma_start3A_297 = tpu.memref_squeeze %dma_start3A_296 : memref<1x1x2x128xi32, #tpu.memory_space<hbm>> -> memref<2x128xi32, #tpu.memory_space<hbm>>
      %dma_start3A_298 = arith.constant 0 : i32
      %dma_start3A_299 = arith.constant 0 : i32
      %dma_start3A_300 = tpu.memref_slice %arg6[%dma_start3A_289, %dma_start3A_298, %dma_start3A_299] : memref<4x2x128xi32, #tpu.memory_space<vmem>> -> memref<1x2x128xi32, #tpu.memory_space<vmem>>
      %dma_start3A_301 = tpu.memref_squeeze %dma_start3A_300 : memref<1x2x128xi32, #tpu.memory_space<vmem>> -> memref<2x128xi32, #tpu.memory_space<vmem>>
      %dma_start3A_302 = arith.constant 0 : i32
      %dma_start3A_303 = arith.constant 0 : i32
      %dma_start3A_304 = tpu.memref_slice %arg3[%add3A, %add3A_288, %dma_start3A_302, %dma_start3A_303] : memref<32x80x2x128xi32, #tpu.memory_space<hbm>> -> memref<1x1x2x128xi32, #tpu.memory_space<hbm>>
      %dma_start3A_305 = tpu.memref_squeeze %dma_start3A_304 : memref<1x1x2x128xi32, #tpu.memory_space<hbm>> -> memref<2x128xi32, #tpu.memory_space<hbm>>
      tpu.enqueue_dma source(%dma_start3A_305 : memref<2x128xi32, #tpu.memory_space<hbm>>) target(%dma_start3A_301 : memref<2x128xi32, #tpu.memory_space<vmem>>) target_semaphore(%arg13 : memref<!tpu.dma_semaphore, #tpu.memory_space<semaphore_mem>>)
      %add3A_306 = arith.constant 1 : i32
      %add3A_307 = arith.addi %add3A_286, %add3A_306 : i32
      %dma_wait3A_308 = arith.constant 2 : i32
      %dma_wait3A_309 = arith.constant 0 : i32
      %dma_wait3A_310 = arith.constant 0 : i32
      %dma_wait3A_311 = tpu.memref_slice %arg6[%dma_wait3A_308, %dma_wait3A_309, %dma_wait3A_310] : memref<4x2x128xi32, #tpu.memory_space<vmem>> -> memref<1x2x128xi32, #tpu.memory_space<vmem>>
      %dma_wait3A_312 = tpu.memref_squeeze %dma_wait3A_311 : memref<1x2x128xi32, #tpu.memory_space<vmem>> -> memref<2x128xi32, #tpu.memory_space<vmem>>
      %dma_wait3A_313 = arith.constant 0 : i32
      %dma_wait3A_314 = arith.constant 0 : i32
      %dma_wait3A_315 = tpu.memref_slice %arg3[%add3A, %add3A_307, %dma_wait3A_313, %dma_wait3A_314] : memref<32x80x2x128xi32, #tpu.memory_space<hbm>> -> memref<1x1x2x128xi32, #tpu.memory_space<hbm>>
      %dma_wait3A_316 = tpu.memref_squeeze %dma_wait3A_315 : memref<1x1x2x128xi32, #tpu.memory_space<hbm>> -> memref<2x128xi32, #tpu.memory_space<hbm>>
      %dma_wait3A_317 = arith.constant 0 : i32
      %dma_wait3A_318 = arith.constant 0 : i32
      %dma_wait3A_319 = tpu.memref_slice %arg6[%dma_wait3A_308, %dma_wait3A_317, %dma_wait3A_318] : memref<4x2x128xi32, #tpu.memory_space<vmem>> -> memref<1x2x128xi32, #tpu.memory_space<vmem>>
      %dma_wait3A_320 = tpu.memref_squeeze %dma_wait3A_319 : memref<1x2x128xi32, #tpu.memory_space<vmem>> -> memref<2x128xi32, #tpu.memory_space<vmem>>
      %dma_wait3A_321 = arith.constant 0 : i32
      %dma_wait3A_322 = arith.constant 0 : i32
      %dma_wait3A_323 = tpu.memref_slice %arg3[%add3A, %add3A_307, %dma_wait3A_321, %dma_wait3A_322] : memref<32x80x2x128xi32, #tpu.memory_space<hbm>> -> memref<1x1x2x128xi32, #tpu.memory_space<hbm>>
      %dma_wait3A_324 = tpu.memref_squeeze %dma_wait3A_323 : memref<1x1x2x128xi32, #tpu.memory_space<hbm>> -> memref<2x128xi32, #tpu.memory_space<hbm>>
      tpu.wait_dma2 semaphore(%arg12 : memref<!tpu.dma_semaphore, #tpu.memory_space<semaphore_mem>>) src(%dma_wait3A_324 : memref<2x128xi32, #tpu.memory_space<hbm>>) dst(%dma_wait3A_320 : memref<2x128xi32, #tpu.memory_space<vmem>>)
      %dma_start3A_325 = arith.constant 2 : i32
      %dma_start3A_326 = arith.constant 0 : i32
      %dma_start3A_327 = arith.constant 0 : i32
      %dma_start3A_328 = tpu.memref_slice %arg6[%dma_start3A_325, %dma_start3A_326, %dma_start3A_327] : memref<4x2x128xi32, #tpu.memory_space<vmem>> -> memref<1x1x128xi32, #tpu.memory_space<vmem>>
      %dma_start3A_329 = tpu.memref_squeeze %dma_start3A_328 : memref<1x1x128xi32, #tpu.memory_space<vmem>> -> memref<128xi32, #tpu.memory_space<vmem>>
      %dma_start3A_330 = arith.constant 0 : i32
      %dma_start3A_331 = arith.constant 0 : i32
      %dma_start3A_332 = tpu.memref_slice %arg2[%dma_start3A_330, %dma_start3A_331] : memref<10000x128xf32, #tpu.memory_space<hbm>> -> memref<10000x128xf32, #tpu.memory_space<hbm>>
      tpu.enqueue_indirect_dma source(%dma_start3A_332 : memref<10000x128xf32, #tpu.memory_space<hbm>>) target(%arg7 : memref<128x128xf32, #tpu.memory_space<vmem>>) offsets(%dma_start3A_329 : memref<128xi32, #tpu.memory_space<vmem>>) semaphore(%arg14 : memref<!tpu.dma_semaphore, #tpu.memory_space<semaphore_mem>>)
      %run_scoped3A_333 = arith.constant 1 : i32
      %run_scoped3A_334 = arith.constant 1 : i32
      "tpu.region"() ({
        %run_scoped3A_463 = tpu.sem_alloc : memref<!tpu.dma_semaphore, #tpu.memory_space<semaphore_mem>>
        %dma_start3A_464 = arith.constant 0 : i32
        %dma_start3A_465 = tpu.memref_slice %arg6[%run_scoped3A_333, %run_scoped3A_334, %dma_start3A_464] : memref<4x2x128xi32, #tpu.memory_space<vmem>> -> memref<1x1x128xi32, #tpu.memory_space<vmem>>
        %dma_start3A_466 = tpu.memref_squeeze %dma_start3A_465 : memref<1x1x128xi32, #tpu.memory_space<vmem>> -> memref<128xi32, #tpu.memory_space<vmem>>
        %dma_start3A_467 = arith.constant 0 : i32
        %dma_start3A_468 = arith.constant 0 : i32
        %dma_start3A_469 = tpu.memref_slice %arg9[%dma_start3A_467, %dma_start3A_468] : memref<10112x128xf32, #tpu.memory_space<vmem_shared>> -> memref<10112x128xf32, #tpu.memory_space<vmem_shared>>
        tpu.enqueue_indirect_dma source(%arg8 : memref<128x128xf32, #tpu.memory_space<vmem>>) target(%dma_start3A_469 : memref<10112x128xf32, #tpu.memory_space<vmem_shared>>) offsets(%dma_start3A_466 : memref<128xi32, #tpu.memory_space<vmem>>) semaphore(%run_scoped3A_463 : memref<!tpu.dma_semaphore, #tpu.memory_space<semaphore_mem>>) {add = true}
        %dma_wait3A_470 = arith.constant 0 : i32
        %dma_wait3A_471 = tpu.memref_slice %arg6[%run_scoped3A_333, %run_scoped3A_334, %dma_wait3A_470] : memref<4x2x128xi32, #tpu.memory_space<vmem>> -> memref<1x1x128xi32, #tpu.memory_space<vmem>>
        %dma_wait3A_472 = tpu.memref_squeeze %dma_wait3A_471 : memref<1x1x128xi32, #tpu.memory_space<vmem>> -> memref<128xi32, #tpu.memory_space<vmem>>
        %dma_wait3A_473 = arith.constant 0 : i32
        %dma_wait3A_474 = arith.constant 0 : i32
        %dma_wait3A_475 = tpu.memref_slice %arg9[%dma_wait3A_473, %dma_wait3A_474] : memref<10112x128xf32, #tpu.memory_space<vmem_shared>> -> memref<10112x128xf32, #tpu.memory_space<vmem_shared>>
        tpu.wait_indirect_dma semaphore(%run_scoped3A_463 : memref<!tpu.dma_semaphore, #tpu.memory_space<semaphore_mem>>) src(%arg8 : memref<128x128xf32, #tpu.memory_space<vmem>>) dst(%dma_wait3A_475 : memref<10112x128xf32, #tpu.memory_space<vmem_shared>>)
        tpu.yield
      }) : () -> ()
      %dma_wait3A_335 = arith.constant 2 : i32
      %dma_wait3A_336 = arith.constant 0 : i32
      %dma_wait3A_337 = arith.constant 0 : i32
      %dma_wait3A_338 = tpu.memref_slice %arg6[%dma_wait3A_335, %dma_wait3A_336, %dma_wait3A_337] : memref<4x2x128xi32, #tpu.memory_space<vmem>> -> memref<1x1x128xi32, #tpu.memory_space<vmem>>
      %dma_wait3A_339 = tpu.memref_squeeze %dma_wait3A_338 : memref<1x1x128xi32, #tpu.memory_space<vmem>> -> memref<128xi32, #tpu.memory_space<vmem>>
      %dma_wait3A_340 = arith.constant 0 : i32
      %dma_wait3A_341 = arith.constant 0 : i32
      %dma_wait3A_342 = tpu.memref_slice %arg2[%dma_wait3A_340, %dma_wait3A_341] : memref<10000x128xf32, #tpu.memory_space<hbm>> -> memref<10000x128xf32, #tpu.memory_space<hbm>>
      tpu.wait_indirect_dma semaphore(%arg14 : memref<!tpu.dma_semaphore, #tpu.memory_space<semaphore_mem>>) src(%dma_wait3A_342 : memref<10000x128xf32, #tpu.memory_space<hbm>>) dst(%arg7 : memref<128x128xf32, #tpu.memory_space<vmem>>)
      %mul3A_343 = arith.constant 4 : i32
      %mul3A_344 = arith.muli %scan3A_222, %mul3A_343 : i32
      %add3A_345 = arith.constant 2 : i32
      %add3A_346 = arith.addi %mul3A_344, %add3A_345 : i32
      %add3A_347 = arith.constant 2 : i32
      %add3A_348 = arith.addi %add3A_346, %add3A_347 : i32
      %dma_start3A_349 = arith.constant 0 : i32
      %dma_start3A_350 = arith.constant 0 : i32
      %dma_start3A_351 = arith.constant 0 : i32
      %dma_start3A_352 = tpu.memref_slice %arg6[%dma_start3A_349, %dma_start3A_350, %dma_start3A_351] : memref<4x2x128xi32, #tpu.memory_space<vmem>> -> memref<1x2x128xi32, #tpu.memory_space<vmem>>
      %dma_start3A_353 = tpu.memref_squeeze %dma_start3A_352 : memref<1x2x128xi32, #tpu.memory_space<vmem>> -> memref<2x128xi32, #tpu.memory_space<vmem>>
      %dma_start3A_354 = arith.constant 0 : i32
      %dma_start3A_355 = arith.constant 0 : i32
      %dma_start3A_356 = tpu.memref_slice %arg3[%add3A, %add3A_348, %dma_start3A_354, %dma_start3A_355] : memref<32x80x2x128xi32, #tpu.memory_space<hbm>> -> memref<1x1x2x128xi32, #tpu.memory_space<hbm>>
      %dma_start3A_357 = tpu.memref_squeeze %dma_start3A_356 : memref<1x1x2x128xi32, #tpu.memory_space<hbm>> -> memref<2x128xi32, #tpu.memory_space<hbm>>
      %dma_start3A_358 = arith.constant 0 : i32
      %dma_start3A_359 = arith.constant 0 : i32
      %dma_start3A_360 = tpu.memref_slice %arg6[%dma_start3A_349, %dma_start3A_358, %dma_start3A_359] : memref<4x2x128xi32, #tpu.memory_space<vmem>> -> memref<1x2x128xi32, #tpu.memory_space<vmem>>
      %dma_start3A_361 = tpu.memref_squeeze %dma_start3A_360 : memref<1x2x128xi32, #tpu.memory_space<vmem>> -> memref<2x128xi32, #tpu.memory_space<vmem>>
      %dma_start3A_362 = arith.constant 0 : i32
      %dma_start3A_363 = arith.constant 0 : i32
      %dma_start3A_364 = tpu.memref_slice %arg3[%add3A, %add3A_348, %dma_start3A_362, %dma_start3A_363] : memref<32x80x2x128xi32, #tpu.memory_space<hbm>> -> memref<1x1x2x128xi32, #tpu.memory_space<hbm>>
      %dma_start3A_365 = tpu.memref_squeeze %dma_start3A_364 : memref<1x1x2x128xi32, #tpu.memory_space<hbm>> -> memref<2x128xi32, #tpu.memory_space<hbm>>
      tpu.enqueue_dma source(%dma_start3A_365 : memref<2x128xi32, #tpu.memory_space<hbm>>) target(%dma_start3A_361 : memref<2x128xi32, #tpu.memory_space<vmem>>) target_semaphore(%arg10 : memref<!tpu.dma_semaphore, #tpu.memory_space<semaphore_mem>>)
      %add3A_366 = arith.constant 1 : i32
      %add3A_367 = arith.addi %add3A_346, %add3A_366 : i32
      %dma_wait3A_368 = arith.constant 3 : i32
      %dma_wait3A_369 = arith.constant 0 : i32
      %dma_wait3A_370 = arith.constant 0 : i32
      %dma_wait3A_371 = tpu.memref_slice %arg6[%dma_wait3A_368, %dma_wait3A_369, %dma_wait3A_370] : memref<4x2x128xi32, #tpu.memory_space<vmem>> -> memref<1x2x128xi32, #tpu.memory_space<vmem>>
      %dma_wait3A_372 = tpu.memref_squeeze %dma_wait3A_371 : memref<1x2x128xi32, #tpu.memory_space<vmem>> -> memref<2x128xi32, #tpu.memory_space<vmem>>
      %dma_wait3A_373 = arith.constant 0 : i32
      %dma_wait3A_374 = arith.constant 0 : i32
      %dma_wait3A_375 = tpu.memref_slice %arg3[%add3A, %add3A_367, %dma_wait3A_373, %dma_wait3A_374] : memref<32x80x2x128xi32, #tpu.memory_space<hbm>> -> memref<1x1x2x128xi32, #tpu.memory_space<hbm>>
      %dma_wait3A_376 = tpu.memref_squeeze %dma_wait3A_375 : memref<1x1x2x128xi32, #tpu.memory_space<hbm>> -> memref<2x128xi32, #tpu.memory_space<hbm>>
      %dma_wait3A_377 = arith.constant 0 : i32
      %dma_wait3A_378 = arith.constant 0 : i32
      %dma_wait3A_379 = tpu.memref_slice %arg6[%dma_wait3A_368, %dma_wait3A_377, %dma_wait3A_378] : memref<4x2x128xi32, #tpu.memory_space<vmem>> -> memref<1x2x128xi32, #tpu.memory_space<vmem>>
      %dma_wait3A_380 = tpu.memref_squeeze %dma_wait3A_379 : memref<1x2x128xi32, #tpu.memory_space<vmem>> -> memref<2x128xi32, #tpu.memory_space<vmem>>
      %dma_wait3A_381 = arith.constant 0 : i32
      %dma_wait3A_382 = arith.constant 0 : i32
      %dma_wait3A_383 = tpu.memref_slice %arg3[%add3A, %add3A_367, %dma_wait3A_381, %dma_wait3A_382] : memref<32x80x2x128xi32, #tpu.memory_space<hbm>> -> memref<1x1x2x128xi32, #tpu.memory_space<hbm>>
      %dma_wait3A_384 = tpu.memref_squeeze %dma_wait3A_383 : memref<1x1x2x128xi32, #tpu.memory_space<hbm>> -> memref<2x128xi32, #tpu.memory_space<hbm>>
      tpu.wait_dma2 semaphore(%arg13 : memref<!tpu.dma_semaphore, #tpu.memory_space<semaphore_mem>>) src(%dma_wait3A_384 : memref<2x128xi32, #tpu.memory_space<hbm>>) dst(%dma_wait3A_380 : memref<2x128xi32, #tpu.memory_space<vmem>>)
      %dma_start3A_385 = arith.constant 3 : i32
      %dma_start3A_386 = arith.constant 0 : i32
      %dma_start3A_387 = arith.constant 0 : i32
      %dma_start3A_388 = tpu.memref_slice %arg6[%dma_start3A_385, %dma_start3A_386, %dma_start3A_387] : memref<4x2x128xi32, #tpu.memory_space<vmem>> -> memref<1x1x128xi32, #tpu.memory_space<vmem>>
      %dma_start3A_389 = tpu.memref_squeeze %dma_start3A_388 : memref<1x1x128xi32, #tpu.memory_space<vmem>> -> memref<128xi32, #tpu.memory_space<vmem>>
      %dma_start3A_390 = arith.constant 0 : i32
      %dma_start3A_391 = arith.constant 0 : i32
      %dma_start3A_392 = tpu.memref_slice %arg2[%dma_start3A_390, %dma_start3A_391] : memref<10000x128xf32, #tpu.memory_space<hbm>> -> memref<10000x128xf32, #tpu.memory_space<hbm>>
      tpu.enqueue_indirect_dma source(%dma_start3A_392 : memref<10000x128xf32, #tpu.memory_space<hbm>>) target(%arg8 : memref<128x128xf32, #tpu.memory_space<vmem>>) offsets(%dma_start3A_389 : memref<128xi32, #tpu.memory_space<vmem>>) semaphore(%arg15 : memref<!tpu.dma_semaphore, #tpu.memory_space<semaphore_mem>>)
      %run_scoped3A_393 = arith.constant 2 : i32
      %run_scoped3A_394 = arith.constant 1 : i32
      "tpu.region"() ({
        %run_scoped3A_463 = tpu.sem_alloc : memref<!tpu.dma_semaphore, #tpu.memory_space<semaphore_mem>>
        %dma_start3A_464 = arith.constant 0 : i32
        %dma_start3A_465 = tpu.memref_slice %arg6[%run_scoped3A_393, %run_scoped3A_394, %dma_start3A_464] : memref<4x2x128xi32, #tpu.memory_space<vmem>> -> memref<1x1x128xi32, #tpu.memory_space<vmem>>
        %dma_start3A_466 = tpu.memref_squeeze %dma_start3A_465 : memref<1x1x128xi32, #tpu.memory_space<vmem>> -> memref<128xi32, #tpu.memory_space<vmem>>
        %dma_start3A_467 = arith.constant 0 : i32
        %dma_start3A_468 = arith.constant 0 : i32
        %dma_start3A_469 = tpu.memref_slice %arg9[%dma_start3A_467, %dma_start3A_468] : memref<10112x128xf32, #tpu.memory_space<vmem_shared>> -> memref<10112x128xf32, #tpu.memory_space<vmem_shared>>
        tpu.enqueue_indirect_dma source(%arg7 : memref<128x128xf32, #tpu.memory_space<vmem>>) target(%dma_start3A_469 : memref<10112x128xf32, #tpu.memory_space<vmem_shared>>) offsets(%dma_start3A_466 : memref<128xi32, #tpu.memory_space<vmem>>) semaphore(%run_scoped3A_463 : memref<!tpu.dma_semaphore, #tpu.memory_space<semaphore_mem>>) {add = true}
        %dma_wait3A_470 = arith.constant 0 : i32
        %dma_wait3A_471 = tpu.memref_slice %arg6[%run_scoped3A_393, %run_scoped3A_394, %dma_wait3A_470] : memref<4x2x128xi32, #tpu.memory_space<vmem>> -> memref<1x1x128xi32, #tpu.memory_space<vmem>>
        %dma_wait3A_472 = tpu.memref_squeeze %dma_wait3A_471 : memref<1x1x128xi32, #tpu.memory_space<vmem>> -> memref<128xi32, #tpu.memory_space<vmem>>
        %dma_wait3A_473 = arith.constant 0 : i32
        %dma_wait3A_474 = arith.constant 0 : i32
        %dma_wait3A_475 = tpu.memref_slice %arg9[%dma_wait3A_473, %dma_wait3A_474] : memref<10112x128xf32, #tpu.memory_space<vmem_shared>> -> memref<10112x128xf32, #tpu.memory_space<vmem_shared>>
        tpu.wait_indirect_dma semaphore(%run_scoped3A_463 : memref<!tpu.dma_semaphore, #tpu.memory_space<semaphore_mem>>) src(%arg7 : memref<128x128xf32, #tpu.memory_space<vmem>>) dst(%dma_wait3A_475 : memref<10112x128xf32, #tpu.memory_space<vmem_shared>>)
        tpu.yield
      }) : () -> ()
      %dma_wait3A_395 = arith.constant 3 : i32
      %dma_wait3A_396 = arith.constant 0 : i32
      %dma_wait3A_397 = arith.constant 0 : i32
      %dma_wait3A_398 = tpu.memref_slice %arg6[%dma_wait3A_395, %dma_wait3A_396, %dma_wait3A_397] : memref<4x2x128xi32, #tpu.memory_space<vmem>> -> memref<1x1x128xi32, #tpu.memory_space<vmem>>
      %dma_wait3A_399 = tpu.memref_squeeze %dma_wait3A_398 : memref<1x1x128xi32, #tpu.memory_space<vmem>> -> memref<128xi32, #tpu.memory_space<vmem>>
      %dma_wait3A_400 = arith.constant 0 : i32
      %dma_wait3A_401 = arith.constant 0 : i32
      %dma_wait3A_402 = tpu.memref_slice %arg2[%dma_wait3A_400, %dma_wait3A_401] : memref<10000x128xf32, #tpu.memory_space<hbm>> -> memref<10000x128xf32, #tpu.memory_space<hbm>>
      tpu.wait_indirect_dma semaphore(%arg15 : memref<!tpu.dma_semaphore, #tpu.memory_space<semaphore_mem>>) src(%dma_wait3A_402 : memref<10000x128xf32, #tpu.memory_space<hbm>>) dst(%arg8 : memref<128x128xf32, #tpu.memory_space<vmem>>)
      %mul3A_403 = arith.constant 4 : i32
      %mul3A_404 = arith.muli %scan3A_222, %mul3A_403 : i32
      %add3A_405 = arith.constant 3 : i32
      %add3A_406 = arith.addi %mul3A_404, %add3A_405 : i32
      %add3A_407 = arith.constant 2 : i32
      %add3A_408 = arith.addi %add3A_406, %add3A_407 : i32
      %dma_start3A_409 = arith.constant 1 : i32
      %dma_start3A_410 = arith.constant 0 : i32
      %dma_start3A_411 = arith.constant 0 : i32
      %dma_start3A_412 = tpu.memref_slice %arg6[%dma_start3A_409, %dma_start3A_410, %dma_start3A_411] : memref<4x2x128xi32, #tpu.memory_space<vmem>> -> memref<1x2x128xi32, #tpu.memory_space<vmem>>
      %dma_start3A_413 = tpu.memref_squeeze %dma_start3A_412 : memref<1x2x128xi32, #tpu.memory_space<vmem>> -> memref<2x128xi32, #tpu.memory_space<vmem>>
      %dma_start3A_414 = arith.constant 0 : i32
      %dma_start3A_415 = arith.constant 0 : i32
      %dma_start3A_416 = tpu.memref_slice %arg3[%add3A, %add3A_408, %dma_start3A_414, %dma_start3A_415] : memref<32x80x2x128xi32, #tpu.memory_space<hbm>> -> memref<1x1x2x128xi32, #tpu.memory_space<hbm>>
      %dma_start3A_417 = tpu.memref_squeeze %dma_start3A_416 : memref<1x1x2x128xi32, #tpu.memory_space<hbm>> -> memref<2x128xi32, #tpu.memory_space<hbm>>
      %dma_start3A_418 = arith.constant 0 : i32
      %dma_start3A_419 = arith.constant 0 : i32
      %dma_start3A_420 = tpu.memref_slice %arg6[%dma_start3A_409, %dma_start3A_418, %dma_start3A_419] : memref<4x2x128xi32, #tpu.memory_space<vmem>> -> memref<1x2x128xi32, #tpu.memory_space<vmem>>
      %dma_start3A_421 = tpu.memref_squeeze %dma_start3A_420 : memref<1x2x128xi32, #tpu.memory_space<vmem>> -> memref<2x128xi32, #tpu.memory_space<vmem>>
      %dma_start3A_422 = arith.constant 0 : i32
      %dma_start3A_423 = arith.constant 0 : i32
      %dma_start3A_424 = tpu.memref_slice %arg3[%add3A, %add3A_408, %dma_start3A_422, %dma_start3A_423] : memref<32x80x2x128xi32, #tpu.memory_space<hbm>> -> memref<1x1x2x128xi32, #tpu.memory_space<hbm>>
      %dma_start3A_425 = tpu.memref_squeeze %dma_start3A_424 : memref<1x1x2x128xi32, #tpu.memory_space<hbm>> -> memref<2x128xi32, #tpu.memory_space<hbm>>
      tpu.enqueue_dma source(%dma_start3A_425 : memref<2x128xi32, #tpu.memory_space<hbm>>) target(%dma_start3A_421 : memref<2x128xi32, #tpu.memory_space<vmem>>) target_semaphore(%arg11 : memref<!tpu.dma_semaphore, #tpu.memory_space<semaphore_mem>>)
      %add3A_426 = arith.constant 1 : i32
      %add3A_427 = arith.addi %add3A_406, %add3A_426 : i32
      %dma_wait3A_428 = arith.constant 0 : i32
      %dma_wait3A_429 = arith.constant 0 : i32
      %dma_wait3A_430 = arith.constant 0 : i32
      %dma_wait3A_431 = tpu.memref_slice %arg6[%dma_wait3A_428, %dma_wait3A_429, %dma_wait3A_430] : memref<4x2x128xi32, #tpu.memory_space<vmem>> -> memref<1x2x128xi32, #tpu.memory_space<vmem>>
      %dma_wait3A_432 = tpu.memref_squeeze %dma_wait3A_431 : memref<1x2x128xi32, #tpu.memory_space<vmem>> -> memref<2x128xi32, #tpu.memory_space<vmem>>
      %dma_wait3A_433 = arith.constant 0 : i32
      %dma_wait3A_434 = arith.constant 0 : i32
      %dma_wait3A_435 = tpu.memref_slice %arg3[%add3A, %add3A_427, %dma_wait3A_433, %dma_wait3A_434] : memref<32x80x2x128xi32, #tpu.memory_space<hbm>> -> memref<1x1x2x128xi32, #tpu.memory_space<hbm>>
      %dma_wait3A_436 = tpu.memref_squeeze %dma_wait3A_435 : memref<1x1x2x128xi32, #tpu.memory_space<hbm>> -> memref<2x128xi32, #tpu.memory_space<hbm>>
      %dma_wait3A_437 = arith.constant 0 : i32
      %dma_wait3A_438 = arith.constant 0 : i32
      %dma_wait3A_439 = tpu.memref_slice %arg6[%dma_wait3A_428, %dma_wait3A_437, %dma_wait3A_438] : memref<4x2x128xi32, #tpu.memory_space<vmem>> -> memref<1x2x128xi32, #tpu.memory_space<vmem>>
      %dma_wait3A_440 = tpu.memref_squeeze %dma_wait3A_439 : memref<1x2x128xi32, #tpu.memory_space<vmem>> -> memref<2x128xi32, #tpu.memory_space<vmem>>
      %dma_wait3A_441 = arith.constant 0 : i32
      %dma_wait3A_442 = arith.constant 0 : i32
      %dma_wait3A_443 = tpu.memref_slice %arg3[%add3A, %add3A_427, %dma_wait3A_441, %dma_wait3A_442] : memref<32x80x2x128xi32, #tpu.memory_space<hbm>> -> memref<1x1x2x128xi32, #tpu.memory_space<hbm>>
      %dma_wait3A_444 = tpu.memref_squeeze %dma_wait3A_443 : memref<1x1x2x128xi32, #tpu.memory_space<hbm>> -> memref<2x128xi32, #tpu.memory_space<hbm>>
      tpu.wait_dma2 semaphore(%arg10 : memref<!tpu.dma_semaphore, #tpu.memory_space<semaphore_mem>>) src(%dma_wait3A_444 : memref<2x128xi32, #tpu.memory_space<hbm>>) dst(%dma_wait3A_440 : memref<2x128xi32, #tpu.memory_space<vmem>>)
      %dma_start3A_445 = arith.constant 0 : i32
      %dma_start3A_446 = arith.constant 0 : i32
      %dma_start3A_447 = arith.constant 0 : i32
      %dma_start3A_448 = tpu.memref_slice %arg6[%dma_start3A_445, %dma_start3A_446, %dma_start3A_447] : memref<4x2x128xi32, #tpu.memory_space<vmem>> -> memref<1x1x128xi32, #tpu.memory_space<vmem>>
      %dma_start3A_449 = tpu.memref_squeeze %dma_start3A_448 : memref<1x1x128xi32, #tpu.memory_space<vmem>> -> memref<128xi32, #tpu.memory_space<vmem>>
      %dma_start3A_450 = arith.constant 0 : i32
      %dma_start3A_451 = arith.constant 0 : i32
      %dma_start3A_452 = tpu.memref_slice %arg2[%dma_start3A_450, %dma_start3A_451] : memref<10000x128xf32, #tpu.memory_space<hbm>> -> memref<10000x128xf32, #tpu.memory_space<hbm>>
      tpu.enqueue_indirect_dma source(%dma_start3A_452 : memref<10000x128xf32, #tpu.memory_space<hbm>>) target(%arg7 : memref<128x128xf32, #tpu.memory_space<vmem>>) offsets(%dma_start3A_449 : memref<128xi32, #tpu.memory_space<vmem>>) semaphore(%arg14 : memref<!tpu.dma_semaphore, #tpu.memory_space<semaphore_mem>>)
      %run_scoped3A_453 = arith.constant 3 : i32
      %run_scoped3A_454 = arith.constant 1 : i32
      "tpu.region"() ({
        %run_scoped3A_463 = tpu.sem_alloc : memref<!tpu.dma_semaphore, #tpu.memory_space<semaphore_mem>>
        %dma_start3A_464 = arith.constant 0 : i32
        %dma_start3A_465 = tpu.memref_slice %arg6[%run_scoped3A_453, %run_scoped3A_454, %dma_start3A_464] : memref<4x2x128xi32, #tpu.memory_space<vmem>> -> memref<1x1x128xi32, #tpu.memory_space<vmem>>
        %dma_start3A_466 = tpu.memref_squeeze %dma_start3A_465 : memref<1x1x128xi32, #tpu.memory_space<vmem>> -> memref<128xi32, #tpu.memory_space<vmem>>
        %dma_start3A_467 = arith.constant 0 : i32
        %dma_start3A_468 = arith.constant 0 : i32
        %dma_start3A_469 = tpu.memref_slice %arg9[%dma_start3A_467, %dma_start3A_468] : memref<10112x128xf32, #tpu.memory_space<vmem_shared>> -> memref<10112x128xf32, #tpu.memory_space<vmem_shared>>
        tpu.enqueue_indirect_dma source(%arg8 : memref<128x128xf32, #tpu.memory_space<vmem>>) target(%dma_start3A_469 : memref<10112x128xf32, #tpu.memory_space<vmem_shared>>) offsets(%dma_start3A_466 : memref<128xi32, #tpu.memory_space<vmem>>) semaphore(%run_scoped3A_463 : memref<!tpu.dma_semaphore, #tpu.memory_space<semaphore_mem>>) {add = true}
        %dma_wait3A_470 = arith.constant 0 : i32
        %dma_wait3A_471 = tpu.memref_slice %arg6[%run_scoped3A_453, %run_scoped3A_454, %dma_wait3A_470] : memref<4x2x128xi32, #tpu.memory_space<vmem>> -> memref<1x1x128xi32, #tpu.memory_space<vmem>>
        %dma_wait3A_472 = tpu.memref_squeeze %dma_wait3A_471 : memref<1x1x128xi32, #tpu.memory_space<vmem>> -> memref<128xi32, #tpu.memory_space<vmem>>
        %dma_wait3A_473 = arith.constant 0 : i32
        %dma_wait3A_474 = arith.constant 0 : i32
        %dma_wait3A_475 = tpu.memref_slice %arg9[%dma_wait3A_473, %dma_wait3A_474] : memref<10112x128xf32, #tpu.memory_space<vmem_shared>> -> memref<10112x128xf32, #tpu.memory_space<vmem_shared>>
        tpu.wait_indirect_dma semaphore(%run_scoped3A_463 : memref<!tpu.dma_semaphore, #tpu.memory_space<semaphore_mem>>) src(%arg8 : memref<128x128xf32, #tpu.memory_space<vmem>>) dst(%dma_wait3A_475 : memref<10112x128xf32, #tpu.memory_space<vmem_shared>>)
        tpu.yield
      }) : () -> ()
      %dma_wait3A_455 = arith.constant 0 : i32
      %dma_wait3A_456 = arith.constant 0 : i32
      %dma_wait3A_457 = arith.constant 0 : i32
      %dma_wait3A_458 = tpu.memref_slice %arg6[%dma_wait3A_455, %dma_wait3A_456, %dma_wait3A_457] : memref<4x2x128xi32, #tpu.memory_space<vmem>> -> memref<1x1x128xi32, #tpu.memory_space<vmem>>
      %dma_wait3A_459 = tpu.memref_squeeze %dma_wait3A_458 : memref<1x1x128xi32, #tpu.memory_space<vmem>> -> memref<128xi32, #tpu.memory_space<vmem>>
      %dma_wait3A_460 = arith.constant 0 : i32
      %dma_wait3A_461 = arith.constant 0 : i32
      %dma_wait3A_462 = tpu.memref_slice %arg2[%dma_wait3A_460, %dma_wait3A_461] : memref<10000x128xf32, #tpu.memory_space<hbm>> -> memref<10000x128xf32, #tpu.memory_space<hbm>>
      tpu.wait_indirect_dma semaphore(%arg14 : memref<!tpu.dma_semaphore, #tpu.memory_space<semaphore_mem>>) src(%dma_wait3A_462 : memref<10000x128xf32, #tpu.memory_space<hbm>>) dst(%arg7 : memref<128x128xf32, #tpu.memory_space<vmem>>)
    }
    %scan3A_75 = arith.constant 19 : i32
    %dma_start3A_76 = arith.constant 78 : i32
    %dma_start3A_77 = arith.constant 2 : i32
    %dma_start3A_78 = arith.constant 0 : i32
    %dma_start3A_79 = arith.constant 0 : i32
    %dma_start3A_80 = tpu.memref_slice %arg6[%dma_start3A_77, %dma_start3A_78, %dma_start3A_79] : memref<4x2x128xi32, #tpu.memory_space<vmem>> -> memref<1x2x128xi32, #tpu.memory_space<vmem>>
    %dma_start3A_81 = tpu.memref_squeeze %dma_start3A_80 : memref<1x2x128xi32, #tpu.memory_space<vmem>> -> memref<2x128xi32, #tpu.memory_space<vmem>>
    %dma_start3A_82 = arith.constant 0 : i32
    %dma_start3A_83 = arith.constant 0 : i32
    %dma_start3A_84 = tpu.memref_slice %arg3[%add3A, %dma_start3A_76, %dma_start3A_82, %dma_start3A_83] : memref<32x80x2x128xi32, #tpu.memory_space<hbm>> -> memref<1x1x2x128xi32, #tpu.memory_space<hbm>>
    %dma_start3A_85 = tpu.memref_squeeze %dma_start3A_84 : memref<1x1x2x128xi32, #tpu.memory_space<hbm>> -> memref<2x128xi32, #tpu.memory_space<hbm>>
    %dma_start3A_86 = arith.constant 0 : i32
    %dma_start3A_87 = arith.constant 0 : i32
    %dma_start3A_88 = tpu.memref_slice %arg6[%dma_start3A_77, %dma_start3A_86, %dma_start3A_87] : memref<4x2x128xi32, #tpu.memory_space<vmem>> -> memref<1x2x128xi32, #tpu.memory_space<vmem>>
    %dma_start3A_89 = tpu.memref_squeeze %dma_start3A_88 : memref<1x2x128xi32, #tpu.memory_space<vmem>> -> memref<2x128xi32, #tpu.memory_space<vmem>>
    %dma_start3A_90 = arith.constant 0 : i32
    %dma_start3A_91 = arith.constant 0 : i32
    %dma_start3A_92 = tpu.memref_slice %arg3[%add3A, %dma_start3A_76, %dma_start3A_90, %dma_start3A_91] : memref<32x80x2x128xi32, #tpu.memory_space<hbm>> -> memref<1x1x2x128xi32, #tpu.memory_space<hbm>>
    %dma_start3A_93 = tpu.memref_squeeze %dma_start3A_92 : memref<1x1x2x128xi32, #tpu.memory_space<hbm>> -> memref<2x128xi32, #tpu.memory_space<hbm>>
    tpu.enqueue_dma source(%dma_start3A_93 : memref<2x128xi32, #tpu.memory_space<hbm>>) target(%dma_start3A_89 : memref<2x128xi32, #tpu.memory_space<vmem>>) target_semaphore(%arg12 : memref<!tpu.dma_semaphore, #tpu.memory_space<semaphore_mem>>)
    %dma_wait3A_94 = arith.constant 77 : i32
    %dma_wait3A_95 = arith.constant 1 : i32
    %dma_wait3A_96 = arith.constant 0 : i32
    %dma_wait3A_97 = arith.constant 0 : i32
    %dma_wait3A_98 = tpu.memref_slice %arg6[%dma_wait3A_95, %dma_wait3A_96, %dma_wait3A_97] : memref<4x2x128xi32, #tpu.memory_space<vmem>> -> memref<1x2x128xi32, #tpu.memory_space<vmem>>
    %dma_wait3A_99 = tpu.memref_squeeze %dma_wait3A_98 : memref<1x2x128xi32, #tpu.memory_space<vmem>> -> memref<2x128xi32, #tpu.memory_space<vmem>>
    %dma_wait3A_100 = arith.constant 0 : i32
    %dma_wait3A_101 = arith.constant 0 : i32
    %dma_wait3A_102 = tpu.memref_slice %arg3[%add3A, %dma_wait3A_94, %dma_wait3A_100, %dma_wait3A_101] : memref<32x80x2x128xi32, #tpu.memory_space<hbm>> -> memref<1x1x2x128xi32, #tpu.memory_space<hbm>>
    %dma_wait3A_103 = tpu.memref_squeeze %dma_wait3A_102 : memref<1x1x2x128xi32, #tpu.memory_space<hbm>> -> memref<2x128xi32, #tpu.memory_space<hbm>>
    %dma_wait3A_104 = arith.constant 0 : i32
    %dma_wait3A_105 = arith.constant 0 : i32
    %dma_wait3A_106 = tpu.memref_slice %arg6[%dma_wait3A_95, %dma_wait3A_104, %dma_wait3A_105] : memref<4x2x128xi32, #tpu.memory_space<vmem>> -> memref<1x2x128xi32, #tpu.memory_space<vmem>>
    %dma_wait3A_107 = tpu.memref_squeeze %dma_wait3A_106 : memref<1x2x128xi32, #tpu.memory_space<vmem>> -> memref<2x128xi32, #tpu.memory_space<vmem>>
    %dma_wait3A_108 = arith.constant 0 : i32
    %dma_wait3A_109 = arith.constant 0 : i32
    %dma_wait3A_110 = tpu.memref_slice %arg3[%add3A, %dma_wait3A_94, %dma_wait3A_108, %dma_wait3A_109] : memref<32x80x2x128xi32, #tpu.memory_space<hbm>> -> memref<1x1x2x128xi32, #tpu.memory_space<hbm>>
    %dma_wait3A_111 = tpu.memref_squeeze %dma_wait3A_110 : memref<1x1x2x128xi32, #tpu.memory_space<hbm>> -> memref<2x128xi32, #tpu.memory_space<hbm>>
    tpu.wait_dma2 semaphore(%arg11 : memref<!tpu.dma_semaphore, #tpu.memory_space<semaphore_mem>>) src(%dma_wait3A_111 : memref<2x128xi32, #tpu.memory_space<hbm>>) dst(%dma_wait3A_107 : memref<2x128xi32, #tpu.memory_space<vmem>>)
    %dma_start3A_112 = arith.constant 1 : i32
    %dma_start3A_113 = arith.constant 0 : i32
    %dma_start3A_114 = arith.constant 0 : i32
    %dma_start3A_115 = tpu.memref_slice %arg6[%dma_start3A_112, %dma_start3A_113, %dma_start3A_114] : memref<4x2x128xi32, #tpu.memory_space<vmem>> -> memref<1x1x128xi32, #tpu.memory_space<vmem>>
    %dma_start3A_116 = tpu.memref_squeeze %dma_start3A_115 : memref<1x1x128xi32, #tpu.memory_space<vmem>> -> memref<128xi32, #tpu.memory_space<vmem>>
    %dma_start3A_117 = arith.constant 0 : i32
    %dma_start3A_118 = arith.constant 0 : i32
    %dma_start3A_119 = tpu.memref_slice %arg2[%dma_start3A_117, %dma_start3A_118] : memref<10000x128xf32, #tpu.memory_space<hbm>> -> memref<10000x128xf32, #tpu.memory_space<hbm>>
    tpu.enqueue_indirect_dma source(%dma_start3A_119 : memref<10000x128xf32, #tpu.memory_space<hbm>>) target(%arg8 : memref<128x128xf32, #tpu.memory_space<vmem>>) offsets(%dma_start3A_116 : memref<128xi32, #tpu.memory_space<vmem>>) semaphore(%arg15 : memref<!tpu.dma_semaphore, #tpu.memory_space<semaphore_mem>>)
    %run_scoped3A = arith.constant 0 : i32
    %run_scoped3A_120 = arith.constant 1 : i32
    "tpu.region"() ({
      %run_scoped3A_222 = tpu.sem_alloc : memref<!tpu.dma_semaphore, #tpu.memory_space<semaphore_mem>>
      %dma_start3A_223 = arith.constant 0 : i32
      %dma_start3A_224 = tpu.memref_slice %arg6[%run_scoped3A, %run_scoped3A_120, %dma_start3A_223] : memref<4x2x128xi32, #tpu.memory_space<vmem>> -> memref<1x1x128xi32, #tpu.memory_space<vmem>>
      %dma_start3A_225 = tpu.memref_squeeze %dma_start3A_224 : memref<1x1x128xi32, #tpu.memory_space<vmem>> -> memref<128xi32, #tpu.memory_space<vmem>>
      %dma_start3A_226 = arith.constant 0 : i32
      %dma_start3A_227 = arith.constant 0 : i32
      %dma_start3A_228 = tpu.memref_slice %arg9[%dma_start3A_226, %dma_start3A_227] : memref<10112x128xf32, #tpu.memory_space<vmem_shared>> -> memref<10112x128xf32, #tpu.memory_space<vmem_shared>>
      tpu.enqueue_indirect_dma source(%arg7 : memref<128x128xf32, #tpu.memory_space<vmem>>) target(%dma_start3A_228 : memref<10112x128xf32, #tpu.memory_space<vmem_shared>>) offsets(%dma_start3A_225 : memref<128xi32, #tpu.memory_space<vmem>>) semaphore(%run_scoped3A_222 : memref<!tpu.dma_semaphore, #tpu.memory_space<semaphore_mem>>) {add = true}
      %dma_wait3A_229 = arith.constant 0 : i32
      %dma_wait3A_230 = tpu.memref_slice %arg6[%run_scoped3A, %run_scoped3A_120, %dma_wait3A_229] : memref<4x2x128xi32, #tpu.memory_space<vmem>> -> memref<1x1x128xi32, #tpu.memory_space<vmem>>
      %dma_wait3A_231 = tpu.memref_squeeze %dma_wait3A_230 : memref<1x1x128xi32, #tpu.memory_space<vmem>> -> memref<128xi32, #tpu.memory_space<vmem>>
      %dma_wait3A_232 = arith.constant 0 : i32
      %dma_wait3A_233 = arith.constant 0 : i32
      %dma_wait3A_234 = tpu.memref_slice %arg9[%dma_wait3A_232, %dma_wait3A_233] : memref<10112x128xf32, #tpu.memory_space<vmem_shared>> -> memref<10112x128xf32, #tpu.memory_space<vmem_shared>>
      tpu.wait_indirect_dma semaphore(%run_scoped3A_222 : memref<!tpu.dma_semaphore, #tpu.memory_space<semaphore_mem>>) src(%arg7 : memref<128x128xf32, #tpu.memory_space<vmem>>) dst(%dma_wait3A_234 : memref<10112x128xf32, #tpu.memory_space<vmem_shared>>)
      tpu.yield
    }) : () -> ()
    %dma_wait3A_121 = arith.constant 1 : i32
    %dma_wait3A_122 = arith.constant 0 : i32
    %dma_wait3A_123 = arith.constant 0 : i32
    %dma_wait3A_124 = tpu.memref_slice %arg6[%dma_wait3A_121, %dma_wait3A_122, %dma_wait3A_123] : memref<4x2x128xi32, #tpu.memory_space<vmem>> -> memref<1x1x128xi32, #tpu.memory_space<vmem>>
    %dma_wait3A_125 = tpu.memref_squeeze %dma_wait3A_124 : memref<1x1x128xi32, #tpu.memory_space<vmem>> -> memref<128xi32, #tpu.memory_space<vmem>>
    %dma_wait3A_126 = arith.constant 0 : i32
    %dma_wait3A_127 = arith.constant 0 : i32
    %dma_wait3A_128 = tpu.memref_slice %arg2[%dma_wait3A_126, %dma_wait3A_127] : memref<10000x128xf32, #tpu.memory_space<hbm>> -> memref<10000x128xf32, #tpu.memory_space<hbm>>
    tpu.wait_indirect_dma semaphore(%arg15 : memref<!tpu.dma_semaphore, #tpu.memory_space<semaphore_mem>>) src(%dma_wait3A_128 : memref<10000x128xf32, #tpu.memory_space<hbm>>) dst(%arg8 : memref<128x128xf32, #tpu.memory_space<vmem>>)
    %dma_start3A_129 = arith.constant 79 : i32
    %dma_start3A_130 = arith.constant 3 : i32
    %dma_start3A_131 = arith.constant 0 : i32
    %dma_start3A_132 = arith.constant 0 : i32
    %dma_start3A_133 = tpu.memref_slice %arg6[%dma_start3A_130, %dma_start3A_131, %dma_start3A_132] : memref<4x2x128xi32, #tpu.memory_space<vmem>> -> memref<1x2x128xi32, #tpu.memory_space<vmem>>
    %dma_start3A_134 = tpu.memref_squeeze %dma_start3A_133 : memref<1x2x128xi32, #tpu.memory_space<vmem>> -> memref<2x128xi32, #tpu.memory_space<vmem>>
    %dma_start3A_135 = arith.constant 0 : i32
    %dma_start3A_136 = arith.constant 0 : i32
    %dma_start3A_137 = tpu.memref_slice %arg3[%add3A, %dma_start3A_129, %dma_start3A_135, %dma_start3A_136] : memref<32x80x2x128xi32, #tpu.memory_space<hbm>> -> memref<1x1x2x128xi32, #tpu.memory_space<hbm>>
    %dma_start3A_138 = tpu.memref_squeeze %dma_start3A_137 : memref<1x1x2x128xi32, #tpu.memory_space<hbm>> -> memref<2x128xi32, #tpu.memory_space<hbm>>
    %dma_start3A_139 = arith.constant 0 : i32
    %dma_start3A_140 = arith.constant 0 : i32
    %dma_start3A_141 = tpu.memref_slice %arg6[%dma_start3A_130, %dma_start3A_139, %dma_start3A_140] : memref<4x2x128xi32, #tpu.memory_space<vmem>> -> memref<1x2x128xi32, #tpu.memory_space<vmem>>
    %dma_start3A_142 = tpu.memref_squeeze %dma_start3A_141 : memref<1x2x128xi32, #tpu.memory_space<vmem>> -> memref<2x128xi32, #tpu.memory_space<vmem>>
    %dma_start3A_143 = arith.constant 0 : i32
    %dma_start3A_144 = arith.constant 0 : i32
    %dma_start3A_145 = tpu.memref_slice %arg3[%add3A, %dma_start3A_129, %dma_start3A_143, %dma_start3A_144] : memref<32x80x2x128xi32, #tpu.memory_space<hbm>> -> memref<1x1x2x128xi32, #tpu.memory_space<hbm>>
    %dma_start3A_146 = tpu.memref_squeeze %dma_start3A_145 : memref<1x1x2x128xi32, #tpu.memory_space<hbm>> -> memref<2x128xi32, #tpu.memory_space<hbm>>
    tpu.enqueue_dma source(%dma_start3A_146 : memref<2x128xi32, #tpu.memory_space<hbm>>) target(%dma_start3A_142 : memref<2x128xi32, #tpu.memory_space<vmem>>) target_semaphore(%arg13 : memref<!tpu.dma_semaphore, #tpu.memory_space<semaphore_mem>>)
    %dma_wait3A_147 = arith.constant 78 : i32
    %dma_wait3A_148 = arith.constant 2 : i32
    %dma_wait3A_149 = arith.constant 0 : i32
    %dma_wait3A_150 = arith.constant 0 : i32
    %dma_wait3A_151 = tpu.memref_slice %arg6[%dma_wait3A_148, %dma_wait3A_149, %dma_wait3A_150] : memref<4x2x128xi32, #tpu.memory_space<vmem>> -> memref<1x2x128xi32, #tpu.memory_space<vmem>>
    %dma_wait3A_152 = tpu.memref_squeeze %dma_wait3A_151 : memref<1x2x128xi32, #tpu.memory_space<vmem>> -> memref<2x128xi32, #tpu.memory_space<vmem>>
    %dma_wait3A_153 = arith.constant 0 : i32
    %dma_wait3A_154 = arith.constant 0 : i32
    %dma_wait3A_155 = tpu.memref_slice %arg3[%add3A, %dma_wait3A_147, %dma_wait3A_153, %dma_wait3A_154] : memref<32x80x2x128xi32, #tpu.memory_space<hbm>> -> memref<1x1x2x128xi32, #tpu.memory_space<hbm>>
    %dma_wait3A_156 = tpu.memref_squeeze %dma_wait3A_155 : memref<1x1x2x128xi32, #tpu.memory_space<hbm>> -> memref<2x128xi32, #tpu.memory_space<hbm>>
    %dma_wait3A_157 = arith.constant 0 : i32
    %dma_wait3A_158 = arith.constant 0 : i32
    %dma_wait3A_159 = tpu.memref_slice %arg6[%dma_wait3A_148, %dma_wait3A_157, %dma_wait3A_158] : memref<4x2x128xi32, #tpu.memory_space<vmem>> -> memref<1x2x128xi32, #tpu.memory_space<vmem>>
    %dma_wait3A_160 = tpu.memref_squeeze %dma_wait3A_159 : memref<1x2x128xi32, #tpu.memory_space<vmem>> -> memref<2x128xi32, #tpu.memory_space<vmem>>
    %dma_wait3A_161 = arith.constant 0 : i32
    %dma_wait3A_162 = arith.constant 0 : i32
    %dma_wait3A_163 = tpu.memref_slice %arg3[%add3A, %dma_wait3A_147, %dma_wait3A_161, %dma_wait3A_162] : memref<32x80x2x128xi32, #tpu.memory_space<hbm>> -> memref<1x1x2x128xi32, #tpu.memory_space<hbm>>
    %dma_wait3A_164 = tpu.memref_squeeze %dma_wait3A_163 : memref<1x1x2x128xi32, #tpu.memory_space<hbm>> -> memref<2x128xi32, #tpu.memory_space<hbm>>
    tpu.wait_dma2 semaphore(%arg12 : memref<!tpu.dma_semaphore, #tpu.memory_space<semaphore_mem>>) src(%dma_wait3A_164 : memref<2x128xi32, #tpu.memory_space<hbm>>) dst(%dma_wait3A_160 : memref<2x128xi32, #tpu.memory_space<vmem>>)
    %dma_start3A_165 = arith.constant 2 : i32
    %dma_start3A_166 = arith.constant 0 : i32
    %dma_start3A_167 = arith.constant 0 : i32
    %dma_start3A_168 = tpu.memref_slice %arg6[%dma_start3A_165, %dma_start3A_166, %dma_start3A_167] : memref<4x2x128xi32, #tpu.memory_space<vmem>> -> memref<1x1x128xi32, #tpu.memory_space<vmem>>
    %dma_start3A_169 = tpu.memref_squeeze %dma_start3A_168 : memref<1x1x128xi32, #tpu.memory_space<vmem>> -> memref<128xi32, #tpu.memory_space<vmem>>
    %dma_start3A_170 = arith.constant 0 : i32
    %dma_start3A_171 = arith.constant 0 : i32
    %dma_start3A_172 = tpu.memref_slice %arg2[%dma_start3A_170, %dma_start3A_171] : memref<10000x128xf32, #tpu.memory_space<hbm>> -> memref<10000x128xf32, #tpu.memory_space<hbm>>
    tpu.enqueue_indirect_dma source(%dma_start3A_172 : memref<10000x128xf32, #tpu.memory_space<hbm>>) target(%arg7 : memref<128x128xf32, #tpu.memory_space<vmem>>) offsets(%dma_start3A_169 : memref<128xi32, #tpu.memory_space<vmem>>) semaphore(%arg14 : memref<!tpu.dma_semaphore, #tpu.memory_space<semaphore_mem>>)
    %run_scoped3A_173 = arith.constant 1 : i32
    %run_scoped3A_174 = arith.constant 1 : i32
    "tpu.region"() ({
      %run_scoped3A_222 = tpu.sem_alloc : memref<!tpu.dma_semaphore, #tpu.memory_space<semaphore_mem>>
      %dma_start3A_223 = arith.constant 0 : i32
      %dma_start3A_224 = tpu.memref_slice %arg6[%run_scoped3A_173, %run_scoped3A_174, %dma_start3A_223] : memref<4x2x128xi32, #tpu.memory_space<vmem>> -> memref<1x1x128xi32, #tpu.memory_space<vmem>>
      %dma_start3A_225 = tpu.memref_squeeze %dma_start3A_224 : memref<1x1x128xi32, #tpu.memory_space<vmem>> -> memref<128xi32, #tpu.memory_space<vmem>>
      %dma_start3A_226 = arith.constant 0 : i32
      %dma_start3A_227 = arith.constant 0 : i32
      %dma_start3A_228 = tpu.memref_slice %arg9[%dma_start3A_226, %dma_start3A_227] : memref<10112x128xf32, #tpu.memory_space<vmem_shared>> -> memref<10112x128xf32, #tpu.memory_space<vmem_shared>>
      tpu.enqueue_indirect_dma source(%arg8 : memref<128x128xf32, #tpu.memory_space<vmem>>) target(%dma_start3A_228 : memref<10112x128xf32, #tpu.memory_space<vmem_shared>>) offsets(%dma_start3A_225 : memref<128xi32, #tpu.memory_space<vmem>>) semaphore(%run_scoped3A_222 : memref<!tpu.dma_semaphore, #tpu.memory_space<semaphore_mem>>) {add = true}
      %dma_wait3A_229 = arith.constant 0 : i32
      %dma_wait3A_230 = tpu.memref_slice %arg6[%run_scoped3A_173, %run_scoped3A_174, %dma_wait3A_229] : memref<4x2x128xi32, #tpu.memory_space<vmem>> -> memref<1x1x128xi32, #tpu.memory_space<vmem>>
      %dma_wait3A_231 = tpu.memref_squeeze %dma_wait3A_230 : memref<1x1x128xi32, #tpu.memory_space<vmem>> -> memref<128xi32, #tpu.memory_space<vmem>>
      %dma_wait3A_232 = arith.constant 0 : i32
      %dma_wait3A_233 = arith.constant 0 : i32
      %dma_wait3A_234 = tpu.memref_slice %arg9[%dma_wait3A_232, %dma_wait3A_233] : memref<10112x128xf32, #tpu.memory_space<vmem_shared>> -> memref<10112x128xf32, #tpu.memory_space<vmem_shared>>
      tpu.wait_indirect_dma semaphore(%run_scoped3A_222 : memref<!tpu.dma_semaphore, #tpu.memory_space<semaphore_mem>>) src(%arg8 : memref<128x128xf32, #tpu.memory_space<vmem>>) dst(%dma_wait3A_234 : memref<10112x128xf32, #tpu.memory_space<vmem_shared>>)
      tpu.yield
    }) : () -> ()
    %dma_wait3A_175 = arith.constant 2 : i32
    %dma_wait3A_176 = arith.constant 0 : i32
    %dma_wait3A_177 = arith.constant 0 : i32
    %dma_wait3A_178 = tpu.memref_slice %arg6[%dma_wait3A_175, %dma_wait3A_176, %dma_wait3A_177] : memref<4x2x128xi32, #tpu.memory_space<vmem>> -> memref<1x1x128xi32, #tpu.memory_space<vmem>>
    %dma_wait3A_179 = tpu.memref_squeeze %dma_wait3A_178 : memref<1x1x128xi32, #tpu.memory_space<vmem>> -> memref<128xi32, #tpu.memory_space<vmem>>
    %dma_wait3A_180 = arith.constant 0 : i32
    %dma_wait3A_181 = arith.constant 0 : i32
    %dma_wait3A_182 = tpu.memref_slice %arg2[%dma_wait3A_180, %dma_wait3A_181] : memref<10000x128xf32, #tpu.memory_space<hbm>> -> memref<10000x128xf32, #tpu.memory_space<hbm>>
    tpu.wait_indirect_dma semaphore(%arg14 : memref<!tpu.dma_semaphore, #tpu.memory_space<semaphore_mem>>) src(%dma_wait3A_182 : memref<10000x128xf32, #tpu.memory_space<hbm>>) dst(%arg7 : memref<128x128xf32, #tpu.memory_space<vmem>>)
    %dma_wait3A_183 = arith.constant 79 : i32
    %dma_wait3A_184 = arith.constant 3 : i32
    %dma_wait3A_185 = arith.constant 0 : i32
    %dma_wait3A_186 = arith.constant 0 : i32
    %dma_wait3A_187 = tpu.memref_slice %arg6[%dma_wait3A_184, %dma_wait3A_185, %dma_wait3A_186] : memref<4x2x128xi32, #tpu.memory_space<vmem>> -> memref<1x2x128xi32, #tpu.memory_space<vmem>>
    %dma_wait3A_188 = tpu.memref_squeeze %dma_wait3A_187 : memref<1x2x128xi32, #tpu.memory_space<vmem>> -> memref<2x128xi32, #tpu.memory_space<vmem>>
    %dma_wait3A_189 = arith.constant 0 : i32
    %dma_wait3A_190 = arith.constant 0 : i32
    %dma_wait3A_191 = tpu.memref_slice %arg3[%add3A, %dma_wait3A_183, %dma_wait3A_189, %dma_wait3A_190] : memref<32x80x2x128xi32, #tpu.memory_space<hbm>> -> memref<1x1x2x128xi32, #tpu.memory_space<hbm>>
    %dma_wait3A_192 = tpu.memref_squeeze %dma_wait3A_191 : memref<1x1x2x128xi32, #tpu.memory_space<hbm>> -> memref<2x128xi32, #tpu.memory_space<hbm>>
    %dma_wait3A_193 = arith.constant 0 : i32
    %dma_wait3A_194 = arith.constant 0 : i32
    %dma_wait3A_195 = tpu.memref_slice %arg6[%dma_wait3A_184, %dma_wait3A_193, %dma_wait3A_194] : memref<4x2x128xi32, #tpu.memory_space<vmem>> -> memref<1x2x128xi32, #tpu.memory_space<vmem>>
    %dma_wait3A_196 = tpu.memref_squeeze %dma_wait3A_195 : memref<1x2x128xi32, #tpu.memory_space<vmem>> -> memref<2x128xi32, #tpu.memory_space<vmem>>
    %dma_wait3A_197 = arith.constant 0 : i32
    %dma_wait3A_198 = arith.constant 0 : i32
    %dma_wait3A_199 = tpu.memref_slice %arg3[%add3A, %dma_wait3A_183, %dma_wait3A_197, %dma_wait3A_198] : memref<32x80x2x128xi32, #tpu.memory_space<hbm>> -> memref<1x1x2x128xi32, #tpu.memory_space<hbm>>
    %dma_wait3A_200 = tpu.memref_squeeze %dma_wait3A_199 : memref<1x1x2x128xi32, #tpu.memory_space<hbm>> -> memref<2x128xi32, #tpu.memory_space<hbm>>
    tpu.wait_dma2 semaphore(%arg13 : memref<!tpu.dma_semaphore, #tpu.memory_space<semaphore_mem>>) src(%dma_wait3A_200 : memref<2x128xi32, #tpu.memory_space<hbm>>) dst(%dma_wait3A_196 : memref<2x128xi32, #tpu.memory_space<vmem>>)
    %dma_start3A_201 = arith.constant 3 : i32
    %dma_start3A_202 = arith.constant 0 : i32
    %dma_start3A_203 = arith.constant 0 : i32
    %dma_start3A_204 = tpu.memref_slice %arg6[%dma_start3A_201, %dma_start3A_202, %dma_start3A_203] : memref<4x2x128xi32, #tpu.memory_space<vmem>> -> memref<1x1x128xi32, #tpu.memory_space<vmem>>
    %dma_start3A_205 = tpu.memref_squeeze %dma_start3A_204 : memref<1x1x128xi32, #tpu.memory_space<vmem>> -> memref<128xi32, #tpu.memory_space<vmem>>
    %dma_start3A_206 = arith.constant 0 : i32
    %dma_start3A_207 = arith.constant 0 : i32
    %dma_start3A_208 = tpu.memref_slice %arg2[%dma_start3A_206, %dma_start3A_207] : memref<10000x128xf32, #tpu.memory_space<hbm>> -> memref<10000x128xf32, #tpu.memory_space<hbm>>
    tpu.enqueue_indirect_dma source(%dma_start3A_208 : memref<10000x128xf32, #tpu.memory_space<hbm>>) target(%arg8 : memref<128x128xf32, #tpu.memory_space<vmem>>) offsets(%dma_start3A_205 : memref<128xi32, #tpu.memory_space<vmem>>) semaphore(%arg15 : memref<!tpu.dma_semaphore, #tpu.memory_space<semaphore_mem>>)
    %run_scoped3A_209 = arith.constant 2 : i32
    %run_scoped3A_210 = arith.constant 1 : i32
    "tpu.region"() ({
      %run_scoped3A_222 = tpu.sem_alloc : memref<!tpu.dma_semaphore, #tpu.memory_space<semaphore_mem>>
      %dma_start3A_223 = arith.constant 0 : i32
      %dma_start3A_224 = tpu.memref_slice %arg6[%run_scoped3A_209, %run_scoped3A_210, %dma_start3A_223] : memref<4x2x128xi32, #tpu.memory_space<vmem>> -> memref<1x1x128xi32, #tpu.memory_space<vmem>>
      %dma_start3A_225 = tpu.memref_squeeze %dma_start3A_224 : memref<1x1x128xi32, #tpu.memory_space<vmem>> -> memref<128xi32, #tpu.memory_space<vmem>>
      %dma_start3A_226 = arith.constant 0 : i32
      %dma_start3A_227 = arith.constant 0 : i32
      %dma_start3A_228 = tpu.memref_slice %arg9[%dma_start3A_226, %dma_start3A_227] : memref<10112x128xf32, #tpu.memory_space<vmem_shared>> -> memref<10112x128xf32, #tpu.memory_space<vmem_shared>>
      tpu.enqueue_indirect_dma source(%arg7 : memref<128x128xf32, #tpu.memory_space<vmem>>) target(%dma_start3A_228 : memref<10112x128xf32, #tpu.memory_space<vmem_shared>>) offsets(%dma_start3A_225 : memref<128xi32, #tpu.memory_space<vmem>>) semaphore(%run_scoped3A_222 : memref<!tpu.dma_semaphore, #tpu.memory_space<semaphore_mem>>) {add = true}
      %dma_wait3A_229 = arith.constant 0 : i32
      %dma_wait3A_230 = tpu.memref_slice %arg6[%run_scoped3A_209, %run_scoped3A_210, %dma_wait3A_229] : memref<4x2x128xi32, #tpu.memory_space<vmem>> -> memref<1x1x128xi32, #tpu.memory_space<vmem>>
      %dma_wait3A_231 = tpu.memref_squeeze %dma_wait3A_230 : memref<1x1x128xi32, #tpu.memory_space<vmem>> -> memref<128xi32, #tpu.memory_space<vmem>>
      %dma_wait3A_232 = arith.constant 0 : i32
      %dma_wait3A_233 = arith.constant 0 : i32
      %dma_wait3A_234 = tpu.memref_slice %arg9[%dma_wait3A_232, %dma_wait3A_233] : memref<10112x128xf32, #tpu.memory_space<vmem_shared>> -> memref<10112x128xf32, #tpu.memory_space<vmem_shared>>
      tpu.wait_indirect_dma semaphore(%run_scoped3A_222 : memref<!tpu.dma_semaphore, #tpu.memory_space<semaphore_mem>>) src(%arg7 : memref<128x128xf32, #tpu.memory_space<vmem>>) dst(%dma_wait3A_234 : memref<10112x128xf32, #tpu.memory_space<vmem_shared>>)
      tpu.yield
    }) : () -> ()
    %dma_wait3A_211 = arith.constant 3 : i32
    %dma_wait3A_212 = arith.constant 0 : i32
    %dma_wait3A_213 = arith.constant 0 : i32
    %dma_wait3A_214 = tpu.memref_slice %arg6[%dma_wait3A_211, %dma_wait3A_212, %dma_wait3A_213] : memref<4x2x128xi32, #tpu.memory_space<vmem>> -> memref<1x1x128xi32, #tpu.memory_space<vmem>>
    %dma_wait3A_215 = tpu.memref_squeeze %dma_wait3A_214 : memref<1x1x128xi32, #tpu.memory_space<vmem>> -> memref<128xi32, #tpu.memory_space<vmem>>
    %dma_wait3A_216 = arith.constant 0 : i32
    %dma_wait3A_217 = arith.constant 0 : i32
    %dma_wait3A_218 = tpu.memref_slice %arg2[%dma_wait3A_216, %dma_wait3A_217] : memref<10000x128xf32, #tpu.memory_space<hbm>> -> memref<10000x128xf32, #tpu.memory_space<hbm>>
    tpu.wait_indirect_dma semaphore(%arg15 : memref<!tpu.dma_semaphore, #tpu.memory_space<semaphore_mem>>) src(%dma_wait3A_218 : memref<10000x128xf32, #tpu.memory_space<hbm>>) dst(%arg8 : memref<128x128xf32, #tpu.memory_space<vmem>>)
    %run_scoped3A_219 = arith.constant 3 : i32
    %run_scoped3A_220 = arith.constant 1 : i32
    "tpu.region"() ({
      %run_scoped3A_222 = tpu.sem_alloc : memref<!tpu.dma_semaphore, #tpu.memory_space<semaphore_mem>>
      %dma_start3A_223 = arith.constant 0 : i32
      %dma_start3A_224 = tpu.memref_slice %arg6[%run_scoped3A_219, %run_scoped3A_220, %dma_start3A_223] : memref<4x2x128xi32, #tpu.memory_space<vmem>> -> memref<1x1x128xi32, #tpu.memory_space<vmem>>
      %dma_start3A_225 = tpu.memref_squeeze %dma_start3A_224 : memref<1x1x128xi32, #tpu.memory_space<vmem>> -> memref<128xi32, #tpu.memory_space<vmem>>
      %dma_start3A_226 = arith.constant 0 : i32
      %dma_start3A_227 = arith.constant 0 : i32
      %dma_start3A_228 = tpu.memref_slice %arg9[%dma_start3A_226, %dma_start3A_227] : memref<10112x128xf32, #tpu.memory_space<vmem_shared>> -> memref<10112x128xf32, #tpu.memory_space<vmem_shared>>
      tpu.enqueue_indirect_dma source(%arg8 : memref<128x128xf32, #tpu.memory_space<vmem>>) target(%dma_start3A_228 : memref<10112x128xf32, #tpu.memory_space<vmem_shared>>) offsets(%dma_start3A_225 : memref<128xi32, #tpu.memory_space<vmem>>) semaphore(%run_scoped3A_222 : memref<!tpu.dma_semaphore, #tpu.memory_space<semaphore_mem>>) {add = true}
      %dma_wait3A_229 = arith.constant 0 : i32
      %dma_wait3A_230 = tpu.memref_slice %arg6[%run_scoped3A_219, %run_scoped3A_220, %dma_wait3A_229] : memref<4x2x128xi32, #tpu.memory_space<vmem>> -> memref<1x1x128xi32, #tpu.memory_space<vmem>>
      %dma_wait3A_231 = tpu.memref_squeeze %dma_wait3A_230 : memref<1x1x128xi32, #tpu.memory_space<vmem>> -> memref<128xi32, #tpu.memory_space<vmem>>
      %dma_wait3A_232 = arith.constant 0 : i32
      %dma_wait3A_233 = arith.constant 0 : i32
      %dma_wait3A_234 = tpu.memref_slice %arg9[%dma_wait3A_232, %dma_wait3A_233] : memref<10112x128xf32, #tpu.memory_space<vmem_shared>> -> memref<10112x128xf32, #tpu.memory_space<vmem_shared>>
      tpu.wait_indirect_dma semaphore(%run_scoped3A_222 : memref<!tpu.dma_semaphore, #tpu.memory_space<semaphore_mem>>) src(%arg8 : memref<128x128xf32, #tpu.memory_space<vmem>>) dst(%dma_wait3A_234 : memref<10112x128xf32, #tpu.memory_space<vmem_shared>>)
      tpu.yield
    }) : () -> ()
    %barrier3A_221 = arith.constant 0 : index
    tpu.barrier barrier_id(%barrier3A_221)
    "tpu.region"() ({
      %run_scoped3A_222 = tpu.sem_alloc : memref<!tpu.dma_semaphore, #tpu.memory_space<semaphore_mem>>
      %dma_start3A_223 = arith.constant 0 : i32
      %dma_start3A_224 = tpu.memref_slice %arg5[%arg0, %mul3A_2, %dma_start3A_223] : memref<2x10112x128xf32, #tpu.memory_space<hbm>> -> memref<1x632x128xf32, #tpu.memory_space<hbm>>
      %dma_start3A_225 = tpu.memref_squeeze %dma_start3A_224 : memref<1x632x128xf32, #tpu.memory_space<hbm>> -> memref<632x128xf32, #tpu.memory_space<hbm>>
      %dma_start3A_226 = arith.constant 0 : i32
      %dma_start3A_227 = tpu.memref_slice %arg9[%mul3A_2, %dma_start3A_226] : memref<10112x128xf32, #tpu.memory_space<vmem_shared>> -> memref<632x128xf32, #tpu.memory_space<vmem_shared>>
      tpu.enqueue_dma source(%dma_start3A_227 : memref<632x128xf32, #tpu.memory_space<vmem_shared>>) target(%dma_start3A_225 : memref<632x128xf32, #tpu.memory_space<hbm>>) target_semaphore(%run_scoped3A_222 : memref<!tpu.dma_semaphore, #tpu.memory_space<semaphore_mem>>)
      %dma_wait3A_228 = arith.constant 0 : i32
      %dma_wait3A_229 = tpu.memref_slice %arg5[%arg0, %mul3A_2, %dma_wait3A_228] : memref<2x10112x128xf32, #tpu.memory_space<hbm>> -> memref<1x632x128xf32, #tpu.memory_space<hbm>>
      %dma_wait3A_230 = tpu.memref_squeeze %dma_wait3A_229 : memref<1x632x128xf32, #tpu.memory_space<hbm>> -> memref<632x128xf32, #tpu.memory_space<hbm>>
      %dma_wait3A_231 = arith.constant 0 : i32
      %dma_wait3A_232 = tpu.memref_slice %arg9[%mul3A_2, %dma_wait3A_231] : memref<10112x128xf32, #tpu.memory_space<vmem_shared>> -> memref<632x128xf32, #tpu.memory_space<vmem_shared>>
      tpu.wait_dma2 semaphore(%run_scoped3A_222 : memref<!tpu.dma_semaphore, #tpu.memory_space<semaphore_mem>>) src(%dma_wait3A_232 : memref<632x128xf32, #tpu.memory_space<vmem_shared>>) dst(%dma_wait3A_230 : memref<632x128xf32, #tpu.memory_space<hbm>>)
      tpu.yield
    }) : () -> ()
    return
  }
}

module attributes {stable_mosaic.version = 14 : i64} {
  func.func @body(%arg0: i32, %arg1: memref<1024x128xf32, #tpu.memory_space<vmem>>, %arg2: memref<128x128xf32, #tpu.memory_space<vmem>>, %arg3: memref<32x1024xf32, #tpu.memory_space<vmem>>, %arg4: memref<1024x128xf32, #tpu.memory_space<vmem>>, %arg5: memref<1024x1xf32, #tpu.memory_space<vmem>>) attributes {dimension_semantics = [#tpu.dimension_semantics<arbitrary>], iteration_bounds = array<i64: 10>, scalar_prefetch = 0 : i64, scratch_operands = 0 : i64, tpu.core_type = #tpu.core_type<tc>, window_params = [{transform_indices = @transform_0, window_bounds = array<i64: 1024, 128>}, {pipeline_mode = #tpu.pipeline_mode<synchronous>, transform_indices = @transform_1, window_bounds = array<i64: 128, 128>}, {transform_indices = @transform_2, window_bounds = array<i64: 32, 1024>}, {transform_indices = @transform_3, window_bounds = array<i64: 1024, 128>}, {transform_indices = @transform_4, window_bounds = array<i64: 1024, 1>}]} {
    %get3A = arith.constant 0 : index
    %get3A_0 = arith.constant 0 : index
    %get3A_1 = vector.load %arg3[%get3A, %get3A_0] : memref<32x1024xf32, #tpu.memory_space<vmem>>, vector<32x1024xf32>
    %reduce_sum3A = arith.constant dense<0.000000e+00> : vector<1024xf32>
    %reduce_sum3A_2 = vector.multi_reduction <add>, %get3A_1, %reduce_sum3A [0] : vector<32x1024xf32> to vector<1024xf32>
    %add3A = arith.constant 1.000000e+00 : f32
    %add3A_3 = vector.broadcast %add3A : f32 to vector<1024xf32>
    %add3A_4 = arith.addf %add3A_3, %reduce_sum3A_2 : vector<1024xf32>
    %rsqrt3A = math.rsqrt %add3A_4 : vector<1024xf32>
    %get3A_5 = arith.constant 0 : index
    %get3A_6 = arith.constant 0 : index
    %get3A_7 = vector.load %arg1[%get3A_5, %get3A_6] : memref<1024x128xf32, #tpu.memory_space<vmem>>, vector<1024x128xf32>
    %get3A_8 = arith.constant 0 : index
    %get3A_9 = arith.constant 0 : index
    %get3A_10 = vector.load %arg2[%get3A_8, %get3A_9] : memref<128x128xf32, #tpu.memory_space<vmem>>, vector<128x128xf32>
    %dot_general3A = arith.constant dense<0.000000e+00> : vector<1024x128xf32>
    %dot_general3A_11 = tpu.matmul %get3A_7, %get3A_10, %dot_general3A {dimension_numbers = #tpu.dot_dimension_numbers<[1], [0], [0], [1], [0, 0, 1, 1], [], []>, transpose_lhs_hint = false} : vector<1024x128xf32>, vector<128x128xf32>, vector<1024x128xf32> -> vector<1024x128xf32>
    %broadcast_in_dim3A = vector.shape_cast %rsqrt3A : vector<1024xf32> to vector<1024x1xf32>
    %mul3A = vector.broadcast %broadcast_in_dim3A : vector<1024x1xf32> to vector<1024x128xf32>
    %mul3A_12 = arith.mulf %dot_general3A_11, %mul3A : vector<1024x128xf32>
    %swap3A = arith.constant 0 : index
    %swap3A_13 = arith.constant 0 : index
    %swap3A_14 = vector.load %arg4[%swap3A, %swap3A_13] : memref<1024x128xf32, #tpu.memory_space<vmem>>, vector<1024x128xf32>
    tpu.vector_store %arg4[%swap3A, %swap3A_13], %mul3A_12 {strides = array<i32>} : memref<1024x128xf32, #tpu.memory_space<vmem>>, vector<1024x128xf32>,
    %broadcast_in_dim3A_15 = vector.shape_cast %rsqrt3A : vector<1024xf32> to vector<1024x1xf32>
    %swap3A_16 = arith.constant 0 : index
    %swap3A_17 = arith.constant 0 : index
    %swap3A_18 = vector.load %arg5[%swap3A_16, %swap3A_17] : memref<1024x1xf32, #tpu.memory_space<vmem>>, vector<1024x1xf32>
    tpu.vector_store %arg5[%swap3A_16, %swap3A_17], %broadcast_in_dim3A_15 {strides = array<i32>} : memref<1024x1xf32, #tpu.memory_space<vmem>>, vector<1024x1xf32>,
    return
  }
  func.func @transform_0(%arg0: i32) -> (i32, i32) {
    %c0_i32 = arith.constant 0 : i32
    %c0_i32_0 = arith.constant 0 : i32
    return %arg0, %c0_i32 : i32, i32
  }
  func.func @transform_1(%arg0: i32) -> (i32, i32) {
    %c0_i32 = arith.constant 0 : i32
    %c0_i32_0 = arith.constant 0 : i32
    %c0_i32_1 = arith.constant 0 : i32
    return %c0_i32, %c0_i32_0 : i32, i32
  }
  func.func @transform_2(%arg0: i32) -> (i32, i32) {
    %c0_i32 = arith.constant 0 : i32
    %c0_i32_0 = arith.constant 0 : i32
    return %c0_i32, %arg0 : i32, i32
  }
  func.func @transform_3(%arg0: i32) -> (i32, i32) {
    %c0_i32 = arith.constant 0 : i32
    %c0_i32_0 = arith.constant 0 : i32
    return %arg0, %c0_i32 : i32, i32
  }
  func.func @transform_4(%arg0: i32) -> (i32, i32) {
    %c0_i32 = arith.constant 0 : i32
    %c0_i32_0 = arith.constant 0 : i32
    return %arg0, %c0_i32 : i32, i32
  }
}

module attributes {stable_mosaic.version = 14 : i64} {
  func.func @body(%arg0: i32, %arg1: memref<2x1024x128xf32, #tpu.memory_space<vmem>>, %arg2: memref<1024x128xf32, #tpu.memory_space<vmem>>, %arg3: memref<1024x1xf32, #tpu.memory_space<vmem>>, %arg4: memref<1x128xf32, #tpu.memory_space<vmem>>, %arg5: memref<128x128xf32, #tpu.memory_space<vmem>>, %arg6: memref<1024x128xf32, #tpu.memory_space<vmem>>) attributes {dimension_semantics = [#tpu.dimension_semantics<arbitrary>], iteration_bounds = array<i64: 10>, scalar_prefetch = 0 : i64, scratch_operands = 0 : i64, tpu.core_type = #tpu.core_type<tc>, window_params = [{transform_indices = @transform_0, window_bounds = array<i64: 2, 1024, 128>}, {transform_indices = @transform_1, window_bounds = array<i64: 1024, 128>}, {transform_indices = @transform_2, window_bounds = array<i64: 1024, 1>}, {pipeline_mode = #tpu.pipeline_mode<synchronous>, transform_indices = @transform_3, window_bounds = array<i64: 1, 128>}, {pipeline_mode = #tpu.pipeline_mode<synchronous>, transform_indices = @transform_4, window_bounds = array<i64: 128, 128>}, {transform_indices = @transform_5, window_bounds = array<i64: 1024, 128>}]} {
    %get3A = arith.constant 0 : index
    %get3A_0 = arith.constant 0 : index
    %get3A_1 = arith.constant 0 : index
    %get3A_2 = vector.load %arg1[%get3A, %get3A_0, %get3A_1] : memref<2x1024x128xf32, #tpu.memory_space<vmem>>, vector<1x1024x128xf32>
    %get3A_3 = vector.shape_cast %get3A_2 : vector<1x1024x128xf32> to vector<1024x128xf32>
    %get3A_4 = arith.constant 1 : index
    %get3A_5 = arith.constant 0 : index
    %get3A_6 = arith.constant 0 : index
    %get3A_7 = vector.load %arg1[%get3A_4, %get3A_5, %get3A_6] : memref<2x1024x128xf32, #tpu.memory_space<vmem>>, vector<1x1024x128xf32>
    %get3A_8 = vector.shape_cast %get3A_7 : vector<1x1024x128xf32> to vector<1024x128xf32>
    %add3A = arith.addf %get3A_3, %get3A_8 : vector<1024x128xf32>
    %get3A_9 = arith.constant 0 : index
    %get3A_10 = arith.constant 0 : index
    %get3A_11 = vector.load %arg2[%get3A_9, %get3A_10] : memref<1024x128xf32, #tpu.memory_space<vmem>>, vector<1024x128xf32>
    %add3A_12 = arith.addf %add3A, %get3A_11 : vector<1024x128xf32>
    %get3A_13 = arith.constant 0 : index
    %get3A_14 = arith.constant 0 : index
    %get3A_15 = vector.load %arg3[%get3A_13, %get3A_14] : memref<1024x1xf32, #tpu.memory_space<vmem>>, vector<1024x1xf32>
    %mul3A = vector.broadcast %get3A_15 : vector<1024x1xf32> to vector<1024x128xf32>
    %mul3A_16 = arith.mulf %add3A_12, %mul3A : vector<1024x128xf32>
    %get3A_17 = arith.constant 0 : index
    %get3A_18 = arith.constant 0 : index
    %get3A_19 = vector.load %arg4[%get3A_17, %get3A_18] : memref<1x128xf32, #tpu.memory_space<vmem>>, vector<1x128xf32>
    %add3A_20 = vector.broadcast %get3A_19 : vector<1x128xf32> to vector<1024x128xf32>
    %add3A_21 = arith.addf %mul3A_16, %add3A_20 : vector<1024x128xf32>
    %max3A = arith.constant 0.000000e+00 : f32
    %max3A_22 = vector.broadcast %max3A : f32 to vector<1024x128xf32>
    %max3A_23 = arith.maximumf %add3A_21, %max3A_22 : vector<1024x128xf32>
    %get3A_24 = arith.constant 0 : index
    %get3A_25 = arith.constant 0 : index
    %get3A_26 = vector.load %arg5[%get3A_24, %get3A_25] : memref<128x128xf32, #tpu.memory_space<vmem>>, vector<128x128xf32>
    %dot_general3A = arith.constant dense<0.000000e+00> : vector<1024x128xf32>
    %dot_general3A_27 = tpu.matmul %max3A_23, %get3A_26, %dot_general3A {dimension_numbers = #tpu.dot_dimension_numbers<[1], [0], [0], [1], [0, 0, 1, 1], [], []>, transpose_lhs_hint = false} : vector<1024x128xf32>, vector<128x128xf32>, vector<1024x128xf32> -> vector<1024x128xf32>
    %get3A_28 = arith.constant 0 : index
    %get3A_29 = arith.constant 0 : index
    %get3A_30 = vector.load %arg3[%get3A_28, %get3A_29] : memref<1024x1xf32, #tpu.memory_space<vmem>>, vector<1024x1xf32>
    %mul3A_31 = vector.broadcast %get3A_30 : vector<1024x1xf32> to vector<1024x128xf32>
    %mul3A_32 = arith.mulf %dot_general3A_27, %mul3A_31 : vector<1024x128xf32>
    %swap3A = arith.constant 0 : index
    %swap3A_33 = arith.constant 0 : index
    %swap3A_34 = vector.load %arg6[%swap3A, %swap3A_33] : memref<1024x128xf32, #tpu.memory_space<vmem>>, vector<1024x128xf32>
    tpu.vector_store %arg6[%swap3A, %swap3A_33], %mul3A_32 {strides = array<i32>} : memref<1024x128xf32, #tpu.memory_space<vmem>>, vector<1024x128xf32>,
    return
  }
  func.func @transform_0(%arg0: i32) -> (i32, i32, i32) {
    %c0_i32 = arith.constant 0 : i32
    %c0_i32_0 = arith.constant 0 : i32
    %c0_i32_1 = arith.constant 0 : i32
    return %c0_i32, %arg0, %c0_i32_0 : i32, i32, i32
  }
  func.func @transform_1(%arg0: i32) -> (i32, i32) {
    %c0_i32 = arith.constant 0 : i32
    %c0_i32_0 = arith.constant 0 : i32
    return %arg0, %c0_i32 : i32, i32
  }
  func.func @transform_2(%arg0: i32) -> (i32, i32) {
    %c0_i32 = arith.constant 0 : i32
    %c0_i32_0 = arith.constant 0 : i32
    return %arg0, %c0_i32 : i32, i32
  }
  func.func @transform_3(%arg0: i32) -> (i32, i32) {
    %c0_i32 = arith.constant 0 : i32
    %c0_i32_0 = arith.constant 0 : i32
    %c0_i32_1 = arith.constant 0 : i32
    return %c0_i32, %c0_i32_0 : i32, i32
  }
  func.func @transform_4(%arg0: i32) -> (i32, i32) {
    %c0_i32 = arith.constant 0 : i32
    %c0_i32_0 = arith.constant 0 : i32
    %c0_i32_1 = arith.constant 0 : i32
    return %c0_i32, %c0_i32_0 : i32, i32
  }
  func.func @transform_5(%arg0: i32) -> (i32, i32) {
    %c0_i32 = arith.constant 0 : i32
    %c0_i32_0 = arith.constant 0 : i32
    return %arg0, %c0_i32 : i32, i32
  }
}

module attributes {stable_mosaic.version = 14 : i64} {
  func.func @body(%arg0: i32, %arg1: memref<2x1024x128xf32, #tpu.memory_space<vmem>>, %arg2: memref<1024x128xf32, #tpu.memory_space<vmem>>, %arg3: memref<1024x1xf32, #tpu.memory_space<vmem>>, %arg4: memref<1x128xf32, #tpu.memory_space<vmem>>, %arg5: memref<1024x128xf32, #tpu.memory_space<vmem>>) attributes {dimension_semantics = [#tpu.dimension_semantics<arbitrary>], iteration_bounds = array<i64: 10>, scalar_prefetch = 0 : i64, scratch_operands = 0 : i64, tpu.core_type = #tpu.core_type<tc>, window_params = [{transform_indices = @transform_0, window_bounds = array<i64: 2, 1024, 128>}, {transform_indices = @transform_1, window_bounds = array<i64: 1024, 128>}, {transform_indices = @transform_2, window_bounds = array<i64: 1024, 1>}, {pipeline_mode = #tpu.pipeline_mode<synchronous>, transform_indices = @transform_3, window_bounds = array<i64: 1, 128>}, {transform_indices = @transform_4, window_bounds = array<i64: 1024, 128>}]} {
    %get3A = arith.constant 0 : index
    %get3A_0 = arith.constant 0 : index
    %get3A_1 = arith.constant 0 : index
    %get3A_2 = vector.load %arg1[%get3A, %get3A_0, %get3A_1] : memref<2x1024x128xf32, #tpu.memory_space<vmem>>, vector<1x1024x128xf32>
    %get3A_3 = vector.shape_cast %get3A_2 : vector<1x1024x128xf32> to vector<1024x128xf32>
    %get3A_4 = arith.constant 1 : index
    %get3A_5 = arith.constant 0 : index
    %get3A_6 = arith.constant 0 : index
    %get3A_7 = vector.load %arg1[%get3A_4, %get3A_5, %get3A_6] : memref<2x1024x128xf32, #tpu.memory_space<vmem>>, vector<1x1024x128xf32>
    %get3A_8 = vector.shape_cast %get3A_7 : vector<1x1024x128xf32> to vector<1024x128xf32>
    %add3A = arith.addf %get3A_3, %get3A_8 : vector<1024x128xf32>
    %get3A_9 = arith.constant 0 : index
    %get3A_10 = arith.constant 0 : index
    %get3A_11 = vector.load %arg2[%get3A_9, %get3A_10] : memref<1024x128xf32, #tpu.memory_space<vmem>>, vector<1024x128xf32>
    %add3A_12 = arith.addf %add3A, %get3A_11 : vector<1024x128xf32>
    %get3A_13 = arith.constant 0 : index
    %get3A_14 = arith.constant 0 : index
    %get3A_15 = vector.load %arg3[%get3A_13, %get3A_14] : memref<1024x1xf32, #tpu.memory_space<vmem>>, vector<1024x1xf32>
    %mul3A = vector.broadcast %get3A_15 : vector<1024x1xf32> to vector<1024x128xf32>
    %mul3A_16 = arith.mulf %add3A_12, %mul3A : vector<1024x128xf32>
    %get3A_17 = arith.constant 0 : index
    %get3A_18 = arith.constant 0 : index
    %get3A_19 = vector.load %arg4[%get3A_17, %get3A_18] : memref<1x128xf32, #tpu.memory_space<vmem>>, vector<1x128xf32>
    %add3A_20 = vector.broadcast %get3A_19 : vector<1x128xf32> to vector<1024x128xf32>
    %add3A_21 = arith.addf %mul3A_16, %add3A_20 : vector<1024x128xf32>
    %swap3A = arith.constant 0 : index
    %swap3A_22 = arith.constant 0 : index
    %swap3A_23 = vector.load %arg5[%swap3A, %swap3A_22] : memref<1024x128xf32, #tpu.memory_space<vmem>>, vector<1024x128xf32>
    tpu.vector_store %arg5[%swap3A, %swap3A_22], %add3A_21 {strides = array<i32>} : memref<1024x128xf32, #tpu.memory_space<vmem>>, vector<1024x128xf32>,
    return
  }
  func.func @transform_0(%arg0: i32) -> (i32, i32, i32) {
    %c0_i32 = arith.constant 0 : i32
    %c0_i32_0 = arith.constant 0 : i32
    %c0_i32_1 = arith.constant 0 : i32
    return %c0_i32, %arg0, %c0_i32_0 : i32, i32, i32
  }
  func.func @transform_1(%arg0: i32) -> (i32, i32) {
    %c0_i32 = arith.constant 0 : i32
    %c0_i32_0 = arith.constant 0 : i32
    return %arg0, %c0_i32 : i32, i32
  }
  func.func @transform_2(%arg0: i32) -> (i32, i32) {
    %c0_i32 = arith.constant 0 : i32
    %c0_i32_0 = arith.constant 0 : i32
    return %arg0, %c0_i32 : i32, i32
  }
  func.func @transform_3(%arg0: i32) -> (i32, i32) {
    %c0_i32 = arith.constant 0 : i32
    %c0_i32_0 = arith.constant 0 : i32
    %c0_i32_1 = arith.constant 0 : i32
    return %c0_i32, %c0_i32_0 : i32, i32
  }
  func.func @transform_4(%arg0: i32) -> (i32, i32) {
    %c0_i32 = arith.constant 0 : i32
    %c0_i32_0 = arith.constant 0 : i32
    return %arg0, %c0_i32 : i32, i32
  }
}

</mosaic_0001>

<sc_bundles>
// kernel: kernel.11.cloned.1.call-start
scs
__scs_entry_jumppad:
0x0: {  	(pc) =	sbr.rel $0x88, $3  }
0x1: {  	(tag) =	ssettag $0x0;
	lr =	simm.s32 $0x1  }
0x2: {  	[smem:$0x3F9B] =	sst lr;
	_ =	strace $0xD0000000  }
0x3: {  	_ = 	snop  }
0x4: {  	_ = 	snop  }
0x5: {  	_ = 	snop  }
0x6: {  	_ = 	snop  }
0x7: {  	_ = 	snop  }
__scs_overlays_trampoline_lowered:
0x8: {  	[smem:$0x3FAA] =	sst s0  }
0x9: {  	[smem:$0x3FAB] =	sst s1  }
0xa: {  	[smem:$0x3FAC] =	sst s2  }
0xb: {  	[smem:$0x3FAD] =	sst s3  }
0xc: {  	[smem:$0x3FAE] =	sst s4  }
0xd: {  	[smem:$0x3FAF] =	sst s5  }
0xe: {  	[smem:$0x3FB0] =	sst s6  }
0xf: {  	[smem:$0x3FB1] =	sst s7  }
0x10: {  	[smem:$0x3FB2] =	sst s8  }
0x11: {  	[smem:$0x3FB3] =	sst s9;
	s0 =	simm.s32 @!p0 $0x0  }
0x12: {  	s1 =	sld [smem:$0x3F99];
	s0 =	simm.s32 @p0 $0x1  }
0x13: {  	[smem:$0x3FB4] =	sst s0;
	s0 =	simm.s32 @!p1 $0x0  }
0x14: {  	s2 =	sld [smem:$0x3F98];
	s0 =	simm.s32 @p1 $0x1  }
0x15: {  	[smem:$0x3FB5] =	sst s0;
	s0 =	simm.s32 @!p2 $0x0  }
0x16: {  	s3 =	sld [smem:$0x3FDB];
	s0 =	simm.s32 @p2 $0x1  }
0x17: {  	s4 =	simm.s32 $0x1BF5;
	[smem:$0x3FB7] =	sst s0  }
0x18: {  	s0 =	sld [smem:$0x3F9A];
	_ =	swait.ge [sflag:s4], $0x0  }
0x19: {  	s7 =	sld [smem:$0x3F9B]  }
0x1a: {  	s8 =	sadd.s32 $0xFFFFE003, lr  }
0x1b: {  	s9 =	sadd.s32 $0xFFFFFEF7, lr;
	s5 =	simm.s32 $0xFFFFFFFF;
	p2 =	slt.u32 s8, $0xFFFFF086  }
0x1c: {  	p1 =	slt.u32 s9, $0xF7A;
	s5 =	simm.s32 @!p2 $0x0  }
0x1d: {  	s5 =	simm.s32 @p1 $0x1;
	p0 =	seq.s32 s7, s2  }
0x1e: {  	s7 =	smul.u32 @!p0 $0xF7A, s2;
	p2 =	seq.s32 @!p0 s5, $0x0  }
0x1f: {  	s9 =	smul.u32 $0xF7A, s1;
	s8 =	simm.s32 @!p0 $0x1BF5;
	p2 =	por !p2, p0  }
0x20: {  	[sflag:s8] =	ssyncset.s32 @!p0 $0xFFFFF086;
	s6 =	sadd.s32 @!p0 s3, s7;
	s7 =	simm.s32 @!p0 $0x108  }
0x21: {  	s3 =	sadd.s32 s3, s9;
	s6 =	sadd.s32 @!p0 $0x88, s6;
	s7 =	simm.s32 @p2 $0x1082  }
0x22: {  	[simem:s7], [sflag:s8] =	dma.local @!p0 [hbm:s6], $0xF7A  }
0x23: {  	s9 =	sor.u32 $0xD0000000, s2;
	s6 =	simm.s32 $0x108;
	_ =	swait.ge @!p0 [sflag:s8], $0x0  }
0x24: {  	s3 =	sadd.s32 $0x88, s3;
	s6 =	simm.s32 @!p1 $0x1082;
	[sflag:s4] =	ssyncset.s32 $0xFFFFF086  }
0x25: {  	[simem:s6], [sflag:s4] =	dma.local [hbm:s3], $0xF7A  }
0x26: {  	[smem:$0x3F9B] =	sst s1;
	(tag) =	ssettag s2;
	_ =	strace s9  }
0x27: {  	s1 =	sld [smem:$0x3FAB]  }
0x28: {  	s2 =	sld [smem:$0x3FAC]  }
0x29: {  	s4 =	sld [smem:$0x3FAE]  }
0x2a: {  	p0 =	seq.s32 s5, $0x0;
	s5 =	sld [smem:$0x3FAF]  }
0x2b: {  	s6 =	sld [smem:$0x3FB0]  }
0x2c: {  	s7 =	sld [smem:$0x3FB1]  }
0x2d: {  	s3 =	simm.s32 $0x108;
	s8 =	sld [smem:$0x3FB2]  }
0x2e: {  	s3 =	simm.s32 @!p0 $0x1082;
	s9 =	sld [smem:$0x3FB3]  }
0x2f: {  	lr =	sadd.s32 s0, s3;
	s0 =	sld [smem:$0x3FAA]  }
0x30: {  	s3 =	sld [smem:$0x3FAD]  }
0x31: {  	[smem:$0x3FB6] =	sst s10  }
0x32: {  	s10 =	sld [smem:$0x3FB4];
	_ =	sdelay $0x3  }
0x33: {  	p0 =	seq.s32 s10, $0x1;
	s10 =	sld [smem:$0x3FB6];
	_ =	sdelay $0x3  }
0x34: {  	[smem:$0x3FB6] =	sst s10  }
0x35: {  	s10 =	sld [smem:$0x3FB5];
	_ =	sdelay $0x3  }
0x36: {  	p1 =	seq.s32 s10, $0x1;
	s10 =	sld [smem:$0x3FB6];
	_ =	sdelay $0x3  }
0x37: {  	[smem:$0x3FB6] =	sst s10  }
0x38: {  	s10 =	sld [smem:$0x3FB7]  }
0x39: {  	_ = 	snop;
	(pc) =	sbr.ind lr, $3  }
0x3a: {  	_ = 	snop  }
0x3b: {  	_ = 	snop  }
0x3c: {  	p2 =	seq.s32 s10, $0x1;
	s10 =	sld [smem:$0x3FB6]  }
0x3d: {  	_ =	shalt  }
0x3e: {  	_ =	shalt  }
0x3f: {  	_ =	shalt  }
0x40: {  	_ =	shalt  }
0x41: {  	_ =	shalt  }
0x42: {  	_ =	shalt  }
0x43: {  	_ =	shalt  }
0x44: {  	_ =	shalt  }
0x45: {  	_ =	shalt  }
0x46: {  	_ =	shalt  }
0x47: {  	_ =	shalt  }
0x48: {  	_ =	shalt  }
0x49: {  	_ =	shalt  }
0x4a: {  	_ =	shalt  }
0x4b: {  	_ =	shalt  }
0x4c: {  	_ =	shalt  }
0x4d: {  	_ =	shalt  }
0x4e: {  	_ =	shalt  }
0x4f: {  	_ =	shalt  }
0x50: {  	_ =	shalt  }
0x51: {  	_ =	shalt  }
0x52: {  	_ =	shalt  }
0x53: {  	_ =	shalt  }
0x54: {  	_ =	shalt  }
0x55: {  	_ =	shalt  }
0x56: {  	_ =	shalt  }
0x57: {  	_ =	shalt  }
0x58: {  	_ =	shalt  }
0x59: {  	_ =	shalt  }
0x5a: {  	_ =	shalt  }
0x5b: {  	_ =	shalt  }
0x5c: {  	_ =	shalt  }
0x5d: {  	_ =	shalt  }
0x5e: {  	_ =	shalt  }
0x5f: {  	_ =	shalt  }
0x60: {  	_ =	shalt  }
0x61: {  	_ =	shalt  }
0x62: {  	_ =	shalt  }
0x63: {  	_ =	shalt  }
0x64: {  	_ =	shalt  }
0x65: {  	_ =	shalt  }
0x66: {  	_ =	shalt  }
0x67: {  	_ =	shalt  }
0x68: {  	_ =	shalt  }
0x69: {  	_ =	shalt  }
0x6a: {  	_ =	shalt  }
0x6b: {  	_ =	shalt  }
0x6c: {  	_ =	shalt  }
0x6d: {  	_ =	shalt  }
0x6e: {  	_ =	shalt  }
0x6f: {  	_ =	shalt  }
0x70: {  	_ =	shalt  }
0x71: {  	_ =	shalt  }
0x72: {  	_ =	shalt  }
0x73: {  	_ =	shalt  }
0x74: {  	_ =	shalt  }
0x75: {  	_ =	shalt  }
0x76: {  	_ =	shalt  }
0x77: {  	_ =	shalt  }
0x78: {  	_ =	shalt  }
0x79: {  	_ =	shalt  }
0x7a: {  	_ =	shalt  }
0x7b: {  	_ =	shalt  }
0x7c: {  	_ =	shalt  }
0x7d: {  	_ =	shalt  }
0x7e: {  	_ =	shalt  }
0x7f: {  	_ =	shalt  }
0x80: {  	_ =	shalt  }
0x81: {  	_ =	shalt  }
0x82: {  	_ =	shalt  }
0x83: {  	_ =	shalt  }
0x84: {  	_ =	shalt  }
0x85: {  	_ =	shalt  }
0x86: {  	_ =	shalt  }
0x87: {  	_ =	shalt  }
.Lfunc_end0:
.L_simem_size_0:
called_computation.1_lowered:
.L_overlay_start_0:
0x88: {  	s2 =	sld [smem:$0x3FD9]  }
0x89: {  	s3 =	sld [smem:$0x3FFE];
	_ =	sdelay $0x1  }
0x8a: {  	s1 =	srdreg.scid  }
0x8b: {  	s0 =	sand.u32 $0x1, s1  }
0x8c: {  	s17 =	sshll.u32 s0, $0xA;
	s2 =	sadd.s32 s3, s2  }
0x8d: {  	s2 =	sadd.s32 s2, s17  }
0x8e: {  	[smem:$0x3FC2] =	sst s2  }
0x8f: {  	_ = 	snop  }
0x90: {  	s2 =	sld [smem:$0x3FD0];
	(tm) =	ssettm $0x1  }
0x91: {  	s18 =	sld [smem:$0x3FFB];
	_ =	sdelay $0x3  }
0x92: {  	_ =	strace s18  }
0x93: {  	s3 =	sld [smem:$0x3FFC];
	_ =	sdelay $0x3  }
0x94: {  	_ =	strace s3  }
0x95: {  	s3 =	sld [smem:$0x3FFD];
	_ =	sdelay $0x3  }
0x96: {  	_ =	strace s3  }
0x97: {  	_ =	strace $0x8FFFFFFF  }
0x98: {  	s19 =	sld [smem:$0x3FDB];
	_ =	sdelay $0x1  }
0x99: {  	s4 =	simm.s32 $_scs_section_size  }
0x9a: {  	s5 =	simm.s32 $_size__tile_overlayer_lowered;
	s6 =	simm.s32 $_tile_overlayer_lowered  }
0x9b: {  	s22 =	simm.s32 $0x1BFF;
	s21 =	sshll.u32 s6, $0x1;
	s3 =	sadd.s32 s4, s19  }
0x9c: {  	s7 =	simm.s32 $0x0;
	s20 =	sshll.u32 s5, $0x1;
	s5 =	sadd.s32 s21, s3  }
0x9d: {  	[timem:s7], [sflag:s22] =	dma.local [hbm:s5], s20  }
0x9e: {  	_ =	swait.ge [sflag:s22], s20  }
0x9f: {  	s4 =	ssub.s32 $0x0, s20;
	[sflag:s22] =	ssyncset.done $0x0  }
0xa0: {  	[sflag:s22] =	ssyncadd.s32 s4;
	_ =	sdelay $0x1  }
0xa1: {  	s23 =	simm.s32 $0x1B8B  }
0xa2: {  	_ =	swait.ge [sflag:s23], $0x1  }
0xa3: {  	[sflag:s23] =	ssyncset.done $0x0  }
0xa4: {  	s25 =	simm.s32 $0x1B8E;
	s24 =	sld [smem:$0x3FFE];
	[sflag:s23] =	ssyncadd.s32 $0xFFFFFFFF  }
0xa5: {  	s26 =	simm.s32 $execute0_lowered;
	[smem:$0x3FD2] =	sst s25  }
0xa6: {  	s5 =	sshll.u32 s26, $0x1;
	_ =	strace $0x80000049;
	[dreg:$0x1] =	wrdreg $0xFFFFFFFF  }
0xa7: {  	s28 =	simm.s32 $_size_execute0_lowered;
	s3 =	sadd.s32 s3, s5;
	[dreg:$0x0] =	wrdreg $0x0  }
0xa8: {  	s5 =	sshll.u32 s28, $0x1;
	[dreg:$0x2] =	wrdreg s3  }
0xa9: {  	[dreg:$0x3] =	wrdreg s5  }
0xaa: {  	[dreg:$0x4] =	wrdreg $0xC0  }
0xab: {  	_ =	task [dreg:s7], $0x5FFFF  }
0xac: {  	[dreg:$0x1] =	wrdreg $0xFFFFFFFF  }
0xad: {  	[dreg:$0x0] =	wrdreg $0x60  }
0xae: {  	[dreg:$0x2] =	wrdreg s2  }
0xaf: {  	[dreg:$0x3] =	wrdreg s24  }
0xb0: {  	[dreg:$0x4] =	wrdreg $0x84000  }
0xb1: {  	[dreg:$0x5] =	wrdreg $0x9  }
0xb2: {  	_ =	task.clear_ibuf [dreg:s7], $0x6FFFF;
	_ =	strace $0x90000049  }
0xb3: {  	s29 =	simm.s32 $0x9;
	_ =	strace $0x8000004B  }
0xb4: {  	_ =	swait.ge [sflag:s29], $0x1  }
0xb5: {  	[sflag:s29] =	ssyncadd.s32 $0xFFFFFFFF  }
0xb6: {  	_ =	strace $0x9000004B  }
0xb7: {  	_ =	sfence  }
0xb8: {  	s30 =	sld [smem:$0x0];
	_ =	sdelay $0x2  }
0xb9: {  	s31 =	sshll.u32 s1, $0xD;
	s1 =	sshrl.u32 s1, $0x2  }
0xba: {  	s3 =	sand.u32 $0x4000, s31;
	s1 =	sadd.s32 s1, s30  }
0xbb: {  	s0 =	sor.u32 s3, s0;
	s1 =	sshll.u32 s1, $0x11  }
0xbc: {  	s0 =	sor.u32 s1, s0  }
0xbd: {  	s0 =	sadd.s32 $0x8F2B, s0  }
0xbe: {  	[sflag:s0] =	ssyncadd.remote.s32 $0x1  }
0xbf: {  	_ =	sfence.sel $0xFFFF  }
0xc0: {  	[dreg:$0x0] =	wrdreg $0xFFFFFFFF;
	(pc) =	sbr.abs _section_cstart, $3  }
0xc1: {  	[dreg:$0x1] =	wrdreg $0xFFFFFFFF  }
0xc2: {  	_ =	task.clear_ibuf [dreg:s7], $0x2FFFF;
	_ =	strace $0x9FFFFFFF  }
0xc3: {  	(tm) =	ssettm $0x7FFFFFFF  }
tec
execute0_lowered:
.L_overlay_start_1:
0x0: {  	(tag) =	ssettag $0x1  }
0x1: {  	s1 =	rddreg [dreg:$0x0]  }
0x2: {  	s0 =	rddreg [dreg:$0x1]  }
0x3: {  	s2 =	rddreg [dreg:$0x2];
	s3 =	srdreg.scid;
	s4 =	simm.s32 $0x0  }
0x4: {  	s11 =	stileid.u32;
	s28 =	simm.s32 $0x6;
	s29 =	simm.s32 $0x300  }
0x5: {  	s30 =	simm.s32 $0x3;
	s31 =	simm.s32 $0x180;
	s6 =	smul.u32 $0x13C00, s11  }
0x6: {  	s3 =	sand.u32 $0x1, s3;
	[smem:$0x7FF] =	sst s4;
	s16 =	smul.u32 $0x4F000, s11  }
0x7: {  	s8 =	sadd.s32 $0xCA00, s0;
	s9 =	sadd.s32 $0x2C00, s0;
	s10 =	smul.u32 $0x5000, s11  }
0x8: {  	s20 =	sshll.u32 s11, $0x6;
	s5 =	smul.u32 $0x13C000, s3;
	_ =	strace $0x8000004A  }
0x9: {  	s7 =	sshll.u32 s3, $0x4;
	[dreg:$0x4] =	wrdreg s9;
	s17 =	ssub.s32 $0x2, s3  }
0xa: {  	s3 =	smul.u32 $0x50000, s3;
	s15 =	sor.u32 s11, s7;
	s18 =	sshrl.u32 s17, $0x1  }
0xb: {  	s7 =	sshrl.u32 s16, $0x2;
	s5 =	sadd.s32 s6, s5;
	s6 =	smul.u32 $0x5000, s15  }
0xc: {  	s19 =	sadd.s32 s7, s2;
	s3 =	sadd.s32 s10, s3;
	s7 =	sor.u32 $0x1C07, s20  }
0xd: {  	s20 =	simm.s32 $0x1;
	s5 =	sshrl.u32 s5, $0x3;
	s22 =	sor.u32 $0x500, s3  }
0xe: {  	s25 =	sor.u32 $0x400, s3;
	s26 =	sor.u32 $0x300, s3;
	s3 =	sor.u32 $0x200, s3  }
0xf: {  	s0 =	sadd.s32 s5, s0;
	s5 =	ssub.s32 s17, s18;
	s6 =	sshrl.u32 s6, $0x3  }
0x10: {  	s10 =	sshrl.u32 s22, $0x3;
	s3 =	sshrl.u32 s3, $0x3;
	s17 =	sshrl.u32 s19, $0x3  }
0x11: {  	s18 =	simm.s32 $0x7;
	s19 =	simm.s32 $0x100;
	s22 =	simm.s32 $0x400  }
0x12: {  	s6 =	sadd.s32 s8, s6;
	s0 =	sadd.s32 $0x20A00, s0;
	s24 =	smax.u32 s5, $0x1  }
0x13: {  	s13 =	sadd.s32 s10, s8;
	s5 =	sshrl.u32 s26, $0x3;
	s16 =	sadd.s32 s3, s8  }
0x14: {  	s26 =	simm.s32 $0x4400;
	s3 =	simm.s32 $0x280;
	[dreg:$0x5] =	wrdreg s6  }
0x15: {  	s21 =	sadd.s32 $0x20, s6;
	s23 =	sadd.s32 $0x9C0, s6;
	[dreg:$0x9] =	wrdreg s0  }
0x16: {  	s6 =	sadd.s32 $0x9E0, s6;
	[dreg:$0xa] =	wrdreg s24;
	s0 =	sshrl.u32 s25, $0x3  }
0x17: {  	s15 =	sadd.s32 s5, s8;
	s24 =	simm.s32 $0x200;
	[dreg:$0x6] =	wrdreg s21  }
0x18: {  	s25 =	simm.s32 $0x2;
	s5 =	simm.s32 $0x380;
	[dreg:$0x7] =	wrdreg s23  }
0x19: {  	[dreg:$0x8] =	wrdreg s6;
	s14 =	sadd.s32 s0, s8;
	s21 =	simm.s32 $0x80  }
0x1a: {  	s23 =	simm.s32 $0x5;
	s0 =	simm.s32 $0x4;
	s8 =	simm.s32 $0x0  }
.LBB2_1:
0x1b: {  	s6 =	rddreg [dreg:$0x4]  }
0x1c: {  	[spmem:s17], [sflag:s7] =	dma.local [hbm:s6], $0x2780  }
0x1d: {  	_ =	swait.ge [sflag:s18], $0x2780  }
0x1e: {  	[sflag:s18] =	ssyncset.done $0x0  }
0x1f: {  	[sflag:s18] =	ssyncadd.s32 $0xFFFFD880  }
0x20: {  	[bflag:$0x0] =	sbarrier.arrive $0xFFFF  }
0x21: {  	s12 =	rddreg [dreg:$0x5]  }
0x22: {  	[tilespmem:s4], [sflag:$0x1] =	stream.linear.gather [hbm4b:s12+s4], $0x100, $0x38;
	[tilespmem:$0x1C000] =	vst v63  }
0x23: {  	s9 =	rddreg [dreg:$0x6]  }
0x24: {  	[tilespmem:s19], [sflag:$0x2] =	stream.linear.gather [hbm4b:s9+s4], $0x100, $0x38;
	[tilespmem:$0x1C000] =	vst v63  }
0x25: {  	_ =	swait.ge [sflag:s20], $0x100  }
0x26: {  	[sflag:s20] =	ssyncset.done $0x0  }
0x27: {  	[sflag:s20] =	ssyncadd.s32 $0xFFFFFF00  }
0x28: {  	[tilespmem:s22], [sflag:$0x5] =	stream.indirect.gather [hbm4b:s1+s21], $0x80, s4, s21, $0xb8;
	[tilespmem:$0x1C000] =	vst v63  }
0x29: {  	_ =	swait.ge [sflag:s23], $0x4000  }
0x2a: {  	[sflag:s23] =	ssyncset.done $0x0  }
0x2b: {  	s9 =	sadd.s32 $0x0, s16;
	[sflag:s23] =	ssyncadd.s32 $0xFFFFC000  }
0x2c: {  	[tilespmem:s24], [sflag:$0x3] =	stream.linear.gather [hbm4b:s9+s4], $0x100, $0x38;
	[tilespmem:$0x1C000] =	vst v63  }
0x2d: {  	_ =	swait.ge [sflag:s25], $0x100  }
0x2e: {  	[sflag:s25] =	ssyncset.done $0x0  }
0x2f: {  	[sflag:s25] =	ssyncadd.s32 $0xFFFFFF00  }
0x30: {  	[tilespmem:s26], [sflag:$0x6] =	stream.indirect.gather [hbm4b:s1+s21], $0x80, s19, s21, $0xb8;
	[tilespmem:$0x1C000] =	vst v63  }
0x31: {  	_ = 	snop  }
0x32: {  	[spmem:s2] =	stream.indirect.scatter.add.f32 [tilespmem:s22], [sflag:$0x7], $0x80, s21, s21, $0xb8;
	[tilespmem:$0x1C000] =	vst v63  }
0x33: {  	_ =	swait.ge [sflag:s18], $0x4000  }
0x34: {  	[sflag:s18] =	ssyncset.done $0x0  }
0x35: {  	[sflag:s18] =	ssyncadd.s32 $0xFFFFC000  }
0x36: {  	_ =	swait.ge [sflag:s28], $0x4000  }
0x37: {  	[sflag:s28] =	ssyncset.done $0x0  }
0x38: {  	s10 =	sadd.s32 $0x0, s15;
	[sflag:s28] =	ssyncadd.s32 $0xFFFFC000  }
0x39: {  	[tilespmem:s29], [sflag:$0x4] =	stream.linear.gather [hbm4b:s10+s4], $0x100, $0x38;
	[tilespmem:$0x1C000] =	vst v63  }
0x3a: {  	_ =	swait.ge [sflag:s30], $0x100  }
0x3b: {  	[sflag:s30] =	ssyncset.done $0x0  }
0x3c: {  	[sflag:s30] =	ssyncadd.s32 $0xFFFFFF00  }
0x3d: {  	[tilespmem:s22], [sflag:$0x5] =	stream.indirect.gather [hbm4b:s1+s21], $0x80, s24, s21, $0xb8;
	[tilespmem:$0x1C000] =	vst v63  }
0x3e: {  	_ = 	snop  }
0x3f: {  	[spmem:s2] =	stream.indirect.scatter.add.f32 [tilespmem:s26], [sflag:$0x7], $0x80, s31, s21, $0xb8;
	[tilespmem:$0x1C000] =	vst v63  }
0x40: {  	_ =	swait.ge [sflag:s18], $0x4000  }
0x41: {  	[sflag:s18] =	ssyncset.done $0x0  }
0x42: {  	[sflag:s18] =	ssyncadd.s32 $0xFFFFC000  }
0x43: {  	_ =	swait.ge [sflag:s23], $0x4000  }
0x44: {  	[sflag:s23] =	ssyncset.done $0x0  }
0x45: {  	s11 =	sadd.s32 $0x0, s14;
	[sflag:s23] =	ssyncadd.s32 $0xFFFFC000  }
0x46: {  	[tilespmem:s4], [sflag:$0x1] =	stream.linear.gather [hbm4b:s11+s4], $0x100, $0x38;
	[tilespmem:$0x1C000] =	vst v63  }
0x47: {  	_ =	swait.ge [sflag:s0], $0x100  }
0x48: {  	[sflag:s0] =	ssyncset.done $0x0  }
0x49: {  	[sflag:s0] =	ssyncadd.s32 $0xFFFFFF00  }
0x4a: {  	[tilespmem:s26], [sflag:$0x6] =	stream.indirect.gather [hbm4b:s1+s21], $0x80, s29, s21, $0xb8;
	[tilespmem:$0x1C000] =	vst v63  }
0x4b: {  	_ = 	snop  }
0x4c: {  	[spmem:s2] =	stream.indirect.scatter.add.f32 [tilespmem:s22], [sflag:$0x7], $0x80, s3, s21, $0xb8;
	[tilespmem:$0x1C000] =	vst v63  }
0x4d: {  	_ =	swait.ge [sflag:s18], $0x4000  }
0x4e: {  	[sflag:s18] =	ssyncset.done $0x0  }
0x4f: {  	[sflag:s18] =	ssyncadd.s32 $0xFFFFC000  }
0x50: {  	_ =	swait.ge [sflag:s28], $0x4000  }
0x51: {  	[sflag:s28] =	ssyncset.done $0x0  }
0x52: {  	s12 =	sadd.s32 $0x0, s13;
	[sflag:s28] =	ssyncadd.s32 $0xFFFFC000  }
0x53: {  	[tilespmem:s19], [sflag:$0x2] =	stream.linear.gather [hbm4b:s12+s4], $0x100, $0x38;
	[tilespmem:$0x1C000] =	vst v63  }
0x54: {  	_ =	swait.ge [sflag:s20], $0x100  }
0x55: {  	[sflag:s20] =	ssyncset.done $0x0  }
0x56: {  	[sflag:s20] =	ssyncadd.s32 $0xFFFFFF00  }
0x57: {  	[tilespmem:s22], [sflag:$0x5] =	stream.indirect.gather [hbm4b:s1+s21], $0x80, s4, s21, $0xb8;
	[tilespmem:$0x1C000] =	vst v63  }
0x58: {  	_ = 	snop  }
0x59: {  	[spmem:s2] =	stream.indirect.scatter.add.f32 [tilespmem:s26], [sflag:$0x7], $0x80, s5, s21, $0xb8;
	[tilespmem:$0x1C000] =	vst v63  }
0x5a: {  	_ =	swait.ge [sflag:s18], $0x4000  }
0x5b: {  	[sflag:s18] =	ssyncset.done $0x0  }
0x5c: {  	[sflag:s18] =	ssyncadd.s32 $0xFFFFC000  }
0x5d: {  	_ =	swait.ge [sflag:s23], $0x4000  }
0x5e: {  	s9 =	simm.s32 $0x80;
	s10 =	simm.s32 $0x100;
	[sflag:s23] =	ssyncset.done $0x0  }
.LBB2_2:
0x5f: {  	s6 =	sadd.s32 s9, s16  }
0x60: {  	[sflag:s23] =	ssyncadd.s32 $0xFFFFC000;
	s11 =	smov.u32 s10;
	s12 =	sadd.s32 $0x80, s10  }
0x61: {  	[tilespmem:s24], [sflag:$0x3] =	stream.linear.gather [hbm4b:s6+s4], $0x100, $0x38;
	[tilespmem:$0x1C000] =	vst v63  }
0x62: {  	p0 =	sne.s32 s10, $0x900;
	_ =	swait.ge [sflag:s25], $0x100  }
0x63: {  	[sflag:s25] =	ssyncset.done $0x0  }
0x64: {  	[sflag:s25] =	ssyncadd.s32 $0xFFFFFF00  }
0x65: {  	[tilespmem:s26], [sflag:$0x6] =	stream.indirect.gather [hbm4b:s1+s21], $0x80, s19, s21, $0xb8;
	[tilespmem:$0x1C000] =	vst v63  }
0x66: {  	_ = 	snop  }
0x67: {  	[spmem:s2] =	stream.indirect.scatter.add.f32 [tilespmem:s22], [sflag:$0x7], $0x80, s21, s21, $0xb8;
	[tilespmem:$0x1C000] =	vst v63  }
0x68: {  	_ =	swait.ge [sflag:s18], $0x4000  }
0x69: {  	[sflag:s18] =	ssyncset.done $0x0  }
0x6a: {  	[sflag:s18] =	ssyncadd.s32 $0xFFFFC000  }
0x6b: {  	_ =	swait.ge [sflag:s28], $0x4000  }
0x6c: {  	[sflag:s28] =	ssyncset.done $0x0  }
0x6d: {  	s6 =	sadd.s32 s9, s15;
	[sflag:s28] =	ssyncadd.s32 $0xFFFFC000  }
0x6e: {  	[tilespmem:s29], [sflag:$0x4] =	stream.linear.gather [hbm4b:s6+s4], $0x100, $0x38;
	[tilespmem:$0x1C000] =	vst v63  }
0x6f: {  	_ =	swait.ge [sflag:s30], $0x100  }
0x70: {  	[sflag:s30] =	ssyncset.done $0x0  }
0x71: {  	[sflag:s30] =	ssyncadd.s32 $0xFFFFFF00  }
0x72: {  	[tilespmem:s22], [sflag:$0x5] =	stream.indirect.gather [hbm4b:s1+s21], $0x80, s24, s21, $0xb8;
	[tilespmem:$0x1C000] =	vst v63  }
0x73: {  	_ = 	snop  }
0x74: {  	[spmem:s2] =	stream.indirect.scatter.add.f32 [tilespmem:s26], [sflag:$0x7], $0x80, s31, s21, $0xb8;
	[tilespmem:$0x1C000] =	vst v63  }
0x75: {  	_ =	swait.ge [sflag:s18], $0x4000  }
0x76: {  	[sflag:s18] =	ssyncset.done $0x0  }
0x77: {  	[sflag:s18] =	ssyncadd.s32 $0xFFFFC000  }
0x78: {  	_ =	swait.ge [sflag:s23], $0x4000  }
0x79: {  	[sflag:s23] =	ssyncset.done $0x0  }
0x7a: {  	s6 =	sadd.s32 s9, s14;
	[sflag:s23] =	ssyncadd.s32 $0xFFFFC000  }
0x7b: {  	[tilespmem:s4], [sflag:$0x1] =	stream.linear.gather [hbm4b:s6+s4], $0x100, $0x38;
	[tilespmem:$0x1C000] =	vst v63  }
0x7c: {  	_ =	swait.ge [sflag:s0], $0x100  }
0x7d: {  	[sflag:s0] =	ssyncset.done $0x0  }
0x7e: {  	[sflag:s0] =	ssyncadd.s32 $0xFFFFFF00  }
0x7f: {  	[tilespmem:s26], [sflag:$0x6] =	stream.indirect.gather [hbm4b:s1+s21], $0x80, s29, s21, $0xb8;
	[tilespmem:$0x1C000] =	vst v63  }
0x80: {  	_ = 	snop  }
0x81: {  	[spmem:s2] =	stream.indirect.scatter.add.f32 [tilespmem:s22], [sflag:$0x7], $0x80, s3, s21, $0xb8;
	[tilespmem:$0x1C000] =	vst v63  }
0x82: {  	_ =	swait.ge [sflag:s18], $0x4000  }
0x83: {  	[sflag:s18] =	ssyncset.done $0x0  }
0x84: {  	[sflag:s18] =	ssyncadd.s32 $0xFFFFC000  }
0x85: {  	_ =	swait.ge [sflag:s28], $0x4000  }
0x86: {  	[sflag:s28] =	ssyncset.done $0x0  }
0x87: {  	s6 =	sadd.s32 s9, s13;
	s9 =	smov.u32 s11;
	[sflag:s28] =	ssyncadd.s32 $0xFFFFC000  }
0x88: {  	[tilespmem:s19], [sflag:$0x2] =	stream.linear.gather [hbm4b:s6+s4], $0x100, $0x38;
	[tilespmem:$0x1C000] =	vst v63  }
0x89: {  	_ =	swait.ge [sflag:s20], $0x100  }
0x8a: {  	[sflag:s20] =	ssyncset.done $0x0  }
0x8b: {  	[sflag:s20] =	ssyncadd.s32 $0xFFFFFF00  }
0x8c: {  	[tilespmem:s22], [sflag:$0x5] =	stream.indirect.gather [hbm4b:s1+s21], $0x80, s4, s21, $0xb8;
	[tilespmem:$0x1C000] =	vst v63  }
0x8d: {  	_ = 	snop  }
0x8e: {  	[spmem:s2] =	stream.indirect.scatter.add.f32 [tilespmem:s26], [sflag:$0x7], $0x80, s5, s21, $0xb8;
	[tilespmem:$0x1C000] =	vst v63  }
.Ltmp0:
0x8f: {  	_ =	swait.ge [sflag:s18], $0x4000;
	(pc) =	sbr.rel @p0 .LBB2_2-.Ltmp0, $4  }
0x90: {  	[sflag:s18] =	ssyncset.done $0x0  }
0x91: {  	[sflag:s18] =	ssyncadd.s32 $0xFFFFC000  }
0x92: {  	_ =	swait.ge [sflag:s23], $0x4000  }
0x93: {  	s10 =	smov.u32 s12;
	[sflag:s23] =	ssyncset.done $0x0  }
0x94: {  	s6 =	sadd.s32 s9, s16;
	[sflag:s23] =	ssyncadd.s32 $0xFFFFC000  }
0x95: {  	[tilespmem:s24], [sflag:$0x3] =	stream.linear.gather [hbm4b:s6+s4], $0x100, $0x38;
	[tilespmem:$0x1C000] =	vst v63  }
0x96: {  	_ =	swait.ge [sflag:s25], $0x100  }
0x97: {  	[sflag:s25] =	ssyncset.done $0x0  }
0x98: {  	[sflag:s25] =	ssyncadd.s32 $0xFFFFFF00  }
0x99: {  	[tilespmem:s26], [sflag:$0x6] =	stream.indirect.gather [hbm4b:s1+s21], $0x80, s19, s21, $0xb8;
	[tilespmem:$0x1C000] =	vst v63  }
0x9a: {  	_ = 	snop  }
0x9b: {  	[spmem:s2] =	stream.indirect.scatter.add.f32 [tilespmem:s22], [sflag:$0x7], $0x80, s21, s21, $0xb8;
	[tilespmem:$0x1C000] =	vst v63  }
0x9c: {  	_ =	swait.ge [sflag:s18], $0x4000  }
0x9d: {  	[sflag:s18] =	ssyncset.done $0x0  }
0x9e: {  	[sflag:s18] =	ssyncadd.s32 $0xFFFFC000  }
0x9f: {  	_ =	swait.ge [sflag:s28], $0x4000  }
0xa0: {  	[sflag:s28] =	ssyncset.done $0x0  }
0xa1: {  	s10 =	sadd.s32 s9, s15;
	[sflag:s28] =	ssyncadd.s32 $0xFFFFC000  }
0xa2: {  	[tilespmem:s29], [sflag:$0x4] =	stream.linear.gather [hbm4b:s10+s4], $0x100, $0x38;
	[tilespmem:$0x1C000] =	vst v63  }
0xa3: {  	_ =	swait.ge [sflag:s30], $0x100  }
0xa4: {  	[sflag:s30] =	ssyncset.done $0x0  }
0xa5: {  	[sflag:s30] =	ssyncadd.s32 $0xFFFFFF00  }
0xa6: {  	[tilespmem:s22], [sflag:$0x5] =	stream.indirect.gather [hbm4b:s1+s21], $0x80, s24, s21, $0xb8;
	[tilespmem:$0x1C000] =	vst v63  }
0xa7: {  	_ = 	snop  }
0xa8: {  	[spmem:s2] =	stream.indirect.scatter.add.f32 [tilespmem:s26], [sflag:$0x7], $0x80, s31, s21, $0xb8;
	[tilespmem:$0x1C000] =	vst v63  }
0xa9: {  	_ =	swait.ge [sflag:s18], $0x4000  }
0xaa: {  	[sflag:s18] =	ssyncset.done $0x0  }
0xab: {  	[sflag:s18] =	ssyncadd.s32 $0xFFFFC000  }
0xac: {  	_ =	swait.ge [sflag:s23], $0x4000  }
0xad: {  	[sflag:s23] =	ssyncset.done $0x0  }
0xae: {  	s11 =	sadd.s32 s9, s14;
	[sflag:s23] =	ssyncadd.s32 $0xFFFFC000  }
0xaf: {  	[tilespmem:s4], [sflag:$0x1] =	stream.linear.gather [hbm4b:s11+s4], $0x100, $0x38;
	[tilespmem:$0x1C000] =	vst v63  }
0xb0: {  	_ =	swait.ge [sflag:s0], $0x100  }
0xb1: {  	[sflag:s0] =	ssyncset.done $0x0  }
0xb2: {  	[sflag:s0] =	ssyncadd.s32 $0xFFFFFF00  }
0xb3: {  	[tilespmem:s26], [sflag:$0x6] =	stream.indirect.gather [hbm4b:s1+s21], $0x80, s29, s21, $0xb8;
	[tilespmem:$0x1C000] =	vst v63  }
0xb4: {  	_ = 	snop  }
0xb5: {  	[spmem:s2] =	stream.indirect.scatter.add.f32 [tilespmem:s22], [sflag:$0x7], $0x80, s3, s21, $0xb8;
	[tilespmem:$0x1C000] =	vst v63  }
0xb6: {  	_ =	swait.ge [sflag:s18], $0x4000  }
0xb7: {  	[sflag:s18] =	ssyncset.done $0x0  }
0xb8: {  	[sflag:s18] =	ssyncadd.s32 $0xFFFFC000  }
0xb9: {  	_ =	swait.ge [sflag:s28], $0x4000  }
0xba: {  	[sflag:s28] =	ssyncset.done $0x0  }
0xbb: {  	s12 =	sadd.s32 s9, s13;
	[sflag:s28] =	ssyncadd.s32 $0xFFFFC000  }
0xbc: {  	[tilespmem:s19], [sflag:$0x2] =	stream.linear.gather [hbm4b:s12+s4], $0x100, $0x38;
	[tilespmem:$0x1C000] =	vst v63  }
0xbd: {  	_ =	swait.ge [sflag:s20], $0x100  }
0xbe: {  	[sflag:s20] =	ssyncset.done $0x0  }
0xbf: {  	[sflag:s20] =	ssyncadd.s32 $0xFFFFFF00  }
0xc0: {  	[tilespmem:s22], [sflag:$0x5] =	stream.indirect.gather [hbm4b:s1+s21], $0x80, s4, s21, $0xb8;
	[tilespmem:$0x1C000] =	vst v63  }
0xc1: {  	_ = 	snop  }
0xc2: {  	[spmem:s2] =	stream.indirect.scatter.add.f32 [tilespmem:s26], [sflag:$0x7], $0x80, s5, s21, $0xb8;
	[tilespmem:$0x1C000] =	vst v63  }
0xc3: {  	_ =	swait.ge [sflag:s18], $0x4000  }
0xc4: {  	[sflag:s18] =	ssyncset.done $0x0  }
0xc5: {  	[sflag:s18] =	ssyncadd.s32 $0xFFFFC000  }
0xc6: {  	_ =	swait.ge [sflag:s23], $0x4000  }
0xc7: {  	[sflag:s23] =	ssyncset.done $0x0  }
0xc8: {  	s9 =	rddreg [dreg:$0x7];
	[sflag:s23] =	ssyncadd.s32 $0xFFFFC000  }
0xc9: {  	[tilespmem:s24], [sflag:$0x3] =	stream.linear.gather [hbm4b:s9+s4], $0x100, $0x38;
	[tilespmem:$0x1C000] =	vst v63  }
0xca: {  	_ =	swait.ge [sflag:s25], $0x100  }
0xcb: {  	[sflag:s25] =	ssyncset.done $0x0  }
0xcc: {  	[sflag:s25] =	ssyncadd.s32 $0xFFFFFF00  }
0xcd: {  	[tilespmem:s26], [sflag:$0x6] =	stream.indirect.gather [hbm4b:s1+s21], $0x80, s19, s21, $0xb8;
	[tilespmem:$0x1C000] =	vst v63  }
0xce: {  	_ = 	snop  }
0xcf: {  	[spmem:s2] =	stream.indirect.scatter.add.f32 [tilespmem:s22], [sflag:$0x7], $0x80, s21, s21, $0xb8;
	[tilespmem:$0x1C000] =	vst v63  }
0xd0: {  	_ =	swait.ge [sflag:s18], $0x4000  }
0xd1: {  	[sflag:s18] =	ssyncset.done $0x0  }
0xd2: {  	[sflag:s18] =	ssyncadd.s32 $0xFFFFC000  }
0xd3: {  	_ =	swait.ge [sflag:s28], $0x4000  }
0xd4: {  	[sflag:s28] =	ssyncset.done $0x0  }
0xd5: {  	s10 =	rddreg [dreg:$0x8];
	[sflag:s28] =	ssyncadd.s32 $0xFFFFC000  }
0xd6: {  	[tilespmem:s29], [sflag:$0x4] =	stream.linear.gather [hbm4b:s10+s4], $0x100, $0x38;
	[tilespmem:$0x1C000] =	vst v63  }
0xd7: {  	_ =	swait.ge [sflag:s30], $0x100  }
0xd8: {  	[sflag:s30] =	ssyncset.done $0x0  }
0xd9: {  	[sflag:s30] =	ssyncadd.s32 $0xFFFFFF00  }
0xda: {  	[tilespmem:s22], [sflag:$0x5] =	stream.indirect.gather [hbm4b:s1+s21], $0x80, s24, s21, $0xb8;
	[tilespmem:$0x1C000] =	vst v63  }
0xdb: {  	_ = 	snop  }
0xdc: {  	[spmem:s2] =	stream.indirect.scatter.add.f32 [tilespmem:s26], [sflag:$0x7], $0x80, s31, s21, $0xb8;
	[tilespmem:$0x1C000] =	vst v63  }
0xdd: {  	_ =	swait.ge [sflag:s18], $0x4000  }
0xde: {  	[sflag:s18] =	ssyncset.done $0x0  }
0xdf: {  	[sflag:s18] =	ssyncadd.s32 $0xFFFFC000  }
0xe0: {  	_ =	swait.ge [sflag:s23], $0x4000  }
0xe1: {  	[sflag:s23] =	ssyncset.done $0x0  }
0xe2: {  	[sflag:s23] =	ssyncadd.s32 $0xFFFFC000  }
0xe3: {  	_ =	swait.ge [sflag:s0], $0x100  }
0xe4: {  	[sflag:s0] =	ssyncset.done $0x0  }
0xe5: {  	[sflag:s0] =	ssyncadd.s32 $0xFFFFFF00  }
0xe6: {  	[tilespmem:s26], [sflag:$0x6] =	stream.indirect.gather [hbm4b:s1+s21], $0x80, s29, s21, $0xb8;
	[tilespmem:$0x1C000] =	vst v63  }
0xe7: {  	_ = 	snop  }
0xe8: {  	[spmem:s2] =	stream.indirect.scatter.add.f32 [tilespmem:s22], [sflag:$0x7], $0x80, s3, s21, $0xb8;
	[tilespmem:$0x1C000] =	vst v63  }
0xe9: {  	_ =	swait.ge [sflag:s18], $0x4000  }
0xea: {  	[sflag:s18] =	ssyncset.done $0x0  }
0xeb: {  	[sflag:s18] =	ssyncadd.s32 $0xFFFFC000  }
0xec: {  	_ =	swait.ge [sflag:s28], $0x4000  }
0xed: {  	[sflag:s28] =	ssyncset.done $0x0  }
0xee: {  	[sflag:s28] =	ssyncadd.s32 $0xFFFFC000  }
0xef: {  	[spmem:s2] =	stream.indirect.scatter.add.f32 [tilespmem:s26], [sflag:$0x7], $0x80, s5, s21, $0xb8;
	[tilespmem:$0x1C000] =	vst v63  }
0xf0: {  	_ =	swait.ge [sflag:s18], $0x4000  }
0xf1: {  	[sflag:s18] =	ssyncset.done $0x0  }
0xf2: {  	[sflag:s18] =	ssyncadd.s32 $0xFFFFC000  }
0xf3: {  	[bflag:$0x0] =	sbarrier.arrive $0xFFFF  }
0xf4: {  	s11 =	rddreg [dreg:$0x9]  }
0xf5: {  	[hbm:s11], [sflag:s7] =	dma.local [spmem:s17], $0x2780  }
0xf6: {  	_ =	swait.ge [sflag:s18], $0x2780  }
0xf7: {  	s8 =	sadd.s32 $0x1, s8;
	s12 =	rddreg [dreg:$0xa]  }
0xf8: {  	p0 =	sne.s32 s8, s12  }
.Ltmp1:
0xf9: {  	_ = 	snop;
	(pc) =	sbr.rel @p0 .LBB2_1-.Ltmp1, $3  }
0xfa: {  	_ =	sdelay $0x1  }
0xfb: {  	[sflag:s18] =	ssyncset.done $0x0  }
0xfc: {  	[sflag:s18] =	ssyncadd.s32 $0xFFFFD880  }
0xfd: {  	_ =	sfence.sel $0x180000  }
0xfe: {  	[bflag:$0x0] =	sbarrier.arrive $0xFFFF  }
0xff: {  	_ =	strace $0x9000004A  }
0x100: {  	s0 =	stileid.u32;
	[bflag:$0x2] =	sbarrier.arrive $0xFFFF  }
0x101: {  	p0 =	sne.s32 s0, $0x0;
	s0 =	rddreg [dreg:$0x3]  }
0x102: {  	s0 =	sadd.s32 @!p0 $0x100000, s0  }
0x103: {  	[sflag:s0] =	ssyncadd.tile.s32 @!p0 $0x1;
	_ =	shalt  }
.Lfunc_end2:
_tile_overlayer_lowered:
.L_overlay_start_2:
0x104: {  	(tag) =	ssettag $0x2  }
0x105: {  	s0 =	rddreg [dreg:$0x0];
	s2 =	stileid.u32  }
0x106: {  	s1 =	rddreg [dreg:$0x1];
	p0 =	sne.s32 s2, $0x0  }
0x107: {  	s3 =	rddreg [dreg:$0x2];
	[bflag:$0x3] =	sbarrier.arrive $0xFFFF;
	s2 =	simm.s32 @!p0 $0x1C07  }
0x108: {  	[timem:s3], [sflag:s2] =	dma.local @!p0 [hbm:s0], s1  }
0x109: {  	s0 =	simm.s32 @!p0 $0x7  }
0x10a: {  	_ =	swait.ge @!p0 [sflag:s0], s1  }
0x10b: {  	s1 =	ssub.s32 @!p0 $0x0, s1;
	[sflag:s0] =	ssyncset.done @!p0 $0x0  }
0x10c: {  	[sflag:s0] =	ssyncadd.s32 @!p0 s1  }
0x10d: {  	[bflag:$0x3] =	sbarrier.arrive $0xFFFF  }
0x10e: {  	_ =	shalt  }

// kernel: kernel.14.cloned.1.call-start
scs
__scs_entry_jumppad:
0x0: {  	(pc) =	sbr.rel $0x88, $3  }
0x1: {  	(tag) =	ssettag $0x0;
	lr =	simm.s32 $0x1  }
0x2: {  	[smem:$0x3F9B] =	sst lr;
	_ =	strace $0xD0000000  }
0x3: {  	_ = 	snop  }
0x4: {  	_ = 	snop  }
0x5: {  	_ = 	snop  }
0x6: {  	_ = 	snop  }
0x7: {  	_ = 	snop  }
__scs_overlays_trampoline_lowered:
0x8: {  	[smem:$0x3FAA] =	sst s0  }
0x9: {  	[smem:$0x3FAB] =	sst s1  }
0xa: {  	[smem:$0x3FAC] =	sst s2  }
0xb: {  	[smem:$0x3FAD] =	sst s3  }
0xc: {  	[smem:$0x3FAE] =	sst s4  }
0xd: {  	[smem:$0x3FAF] =	sst s5  }
0xe: {  	[smem:$0x3FB0] =	sst s6  }
0xf: {  	[smem:$0x3FB1] =	sst s7  }
0x10: {  	[smem:$0x3FB2] =	sst s8  }
0x11: {  	[smem:$0x3FB3] =	sst s9;
	s0 =	simm.s32 @!p0 $0x0  }
0x12: {  	s1 =	sld [smem:$0x3F99];
	s0 =	simm.s32 @p0 $0x1  }
0x13: {  	[smem:$0x3FB4] =	sst s0;
	s0 =	simm.s32 @!p1 $0x0  }
0x14: {  	s2 =	sld [smem:$0x3F98];
	s0 =	simm.s32 @p1 $0x1  }
0x15: {  	[smem:$0x3FB5] =	sst s0;
	s0 =	simm.s32 @!p2 $0x0  }
0x16: {  	s3 =	sld [smem:$0x3FDB];
	s0 =	simm.s32 @p2 $0x1  }
0x17: {  	s4 =	simm.s32 $0x1BF5;
	[smem:$0x3FB7] =	sst s0  }
0x18: {  	s0 =	sld [smem:$0x3F9A];
	_ =	swait.ge [sflag:s4], $0x0  }
0x19: {  	s7 =	sld [smem:$0x3F9B]  }
0x1a: {  	s8 =	sadd.s32 $0xFFFFE003, lr  }
0x1b: {  	s9 =	sadd.s32 $0xFFFFFEF7, lr;
	s5 =	simm.s32 $0xFFFFFFFF;
	p2 =	slt.u32 s8, $0xFFFFF086  }
0x1c: {  	p1 =	slt.u32 s9, $0xF7A;
	s5 =	simm.s32 @!p2 $0x0  }
0x1d: {  	s5 =	simm.s32 @p1 $0x1;
	p0 =	seq.s32 s7, s2  }
0x1e: {  	s7 =	smul.u32 @!p0 $0xF7A, s2;
	p2 =	seq.s32 @!p0 s5, $0x0  }
0x1f: {  	s9 =	smul.u32 $0xF7A, s1;
	s8 =	simm.s32 @!p0 $0x1BF5;
	p2 =	por !p2, p0  }
0x20: {  	[sflag:s8] =	ssyncset.s32 @!p0 $0xFFFFF086;
	s6 =	sadd.s32 @!p0 s3, s7;
	s7 =	simm.s32 @!p0 $0x108  }
0x21: {  	s3 =	sadd.s32 s3, s9;
	s6 =	sadd.s32 @!p0 $0x88, s6;
	s7 =	simm.s32 @p2 $0x1082  }
0x22: {  	[simem:s7], [sflag:s8] =	dma.local @!p0 [hbm:s6], $0xF7A  }
0x23: {  	s9 =	sor.u32 $0xD0000000, s2;
	s6 =	simm.s32 $0x108;
	_ =	swait.ge @!p0 [sflag:s8], $0x0  }
0x24: {  	s3 =	sadd.s32 $0x88, s3;
	s6 =	simm.s32 @!p1 $0x1082;
	[sflag:s4] =	ssyncset.s32 $0xFFFFF086  }
0x25: {  	[simem:s6], [sflag:s4] =	dma.local [hbm:s3], $0xF7A  }
0x26: {  	[smem:$0x3F9B] =	sst s1;
	(tag) =	ssettag s2;
	_ =	strace s9  }
0x27: {  	s1 =	sld [smem:$0x3FAB]  }
0x28: {  	s2 =	sld [smem:$0x3FAC]  }
0x29: {  	s4 =	sld [smem:$0x3FAE]  }
0x2a: {  	p0 =	seq.s32 s5, $0x0;
	s5 =	sld [smem:$0x3FAF]  }
0x2b: {  	s6 =	sld [smem:$0x3FB0]  }
0x2c: {  	s7 =	sld [smem:$0x3FB1]  }
0x2d: {  	s3 =	simm.s32 $0x108;
	s8 =	sld [smem:$0x3FB2]  }
0x2e: {  	s3 =	simm.s32 @!p0 $0x1082;
	s9 =	sld [smem:$0x3FB3]  }
0x2f: {  	lr =	sadd.s32 s0, s3;
	s0 =	sld [smem:$0x3FAA]  }
0x30: {  	s3 =	sld [smem:$0x3FAD]  }
0x31: {  	[smem:$0x3FB6] =	sst s10  }
0x32: {  	s10 =	sld [smem:$0x3FB4];
	_ =	sdelay $0x3  }
0x33: {  	p0 =	seq.s32 s10, $0x1;
	s10 =	sld [smem:$0x3FB6];
	_ =	sdelay $0x3  }
0x34: {  	[smem:$0x3FB6] =	sst s10  }
0x35: {  	s10 =	sld [smem:$0x3FB5];
	_ =	sdelay $0x3  }
0x36: {  	p1 =	seq.s32 s10, $0x1;
	s10 =	sld [smem:$0x3FB6];
	_ =	sdelay $0x3  }
0x37: {  	[smem:$0x3FB6] =	sst s10  }
0x38: {  	s10 =	sld [smem:$0x3FB7]  }
0x39: {  	_ = 	snop;
	(pc) =	sbr.ind lr, $3  }
0x3a: {  	_ = 	snop  }
0x3b: {  	_ = 	snop  }
0x3c: {  	p2 =	seq.s32 s10, $0x1;
	s10 =	sld [smem:$0x3FB6]  }
0x3d: {  	_ =	shalt  }
0x3e: {  	_ =	shalt  }
0x3f: {  	_ =	shalt  }
0x40: {  	_ =	shalt  }
0x41: {  	_ =	shalt  }
0x42: {  	_ =	shalt  }
0x43: {  	_ =	shalt  }
0x44: {  	_ =	shalt  }
0x45: {  	_ =	shalt  }
0x46: {  	_ =	shalt  }
0x47: {  	_ =	shalt  }
0x48: {  	_ =	shalt  }
0x49: {  	_ =	shalt  }
0x4a: {  	_ =	shalt  }
0x4b: {  	_ =	shalt  }
0x4c: {  	_ =	shalt  }
0x4d: {  	_ =	shalt  }
0x4e: {  	_ =	shalt  }
0x4f: {  	_ =	shalt  }
0x50: {  	_ =	shalt  }
0x51: {  	_ =	shalt  }
0x52: {  	_ =	shalt  }
0x53: {  	_ =	shalt  }
0x54: {  	_ =	shalt  }
0x55: {  	_ =	shalt  }
0x56: {  	_ =	shalt  }
0x57: {  	_ =	shalt  }
0x58: {  	_ =	shalt  }
0x59: {  	_ =	shalt  }
0x5a: {  	_ =	shalt  }
0x5b: {  	_ =	shalt  }
0x5c: {  	_ =	shalt  }
0x5d: {  	_ =	shalt  }
0x5e: {  	_ =	shalt  }
0x5f: {  	_ =	shalt  }
0x60: {  	_ =	shalt  }
0x61: {  	_ =	shalt  }
0x62: {  	_ =	shalt  }
0x63: {  	_ =	shalt  }
0x64: {  	_ =	shalt  }
0x65: {  	_ =	shalt  }
0x66: {  	_ =	shalt  }
0x67: {  	_ =	shalt  }
0x68: {  	_ =	shalt  }
0x69: {  	_ =	shalt  }
0x6a: {  	_ =	shalt  }
0x6b: {  	_ =	shalt  }
0x6c: {  	_ =	shalt  }
0x6d: {  	_ =	shalt  }
0x6e: {  	_ =	shalt  }
0x6f: {  	_ =	shalt  }
0x70: {  	_ =	shalt  }
0x71: {  	_ =	shalt  }
0x72: {  	_ =	shalt  }
0x73: {  	_ =	shalt  }
0x74: {  	_ =	shalt  }
0x75: {  	_ =	shalt  }
0x76: {  	_ =	shalt  }
0x77: {  	_ =	shalt  }
0x78: {  	_ =	shalt  }
0x79: {  	_ =	shalt  }
0x7a: {  	_ =	shalt  }
0x7b: {  	_ =	shalt  }
0x7c: {  	_ =	shalt  }
0x7d: {  	_ =	shalt  }
0x7e: {  	_ =	shalt  }
0x7f: {  	_ =	shalt  }
0x80: {  	_ =	shalt  }
0x81: {  	_ =	shalt  }
0x82: {  	_ =	shalt  }
0x83: {  	_ =	shalt  }
0x84: {  	_ =	shalt  }
0x85: {  	_ =	shalt  }
0x86: {  	_ =	shalt  }
0x87: {  	_ =	shalt  }
.Lfunc_end0:
.L_simem_size_0:
called_computation.2_lowered:
.L_overlay_start_0:
0x88: {  	s2 =	sld [smem:$0x3FD9]  }
0x89: {  	s3 =	sld [smem:$0x3FFE];
	_ =	sdelay $0x1  }
0x8a: {  	s1 =	srdreg.scid  }
0x8b: {  	s0 =	sand.u32 $0x1, s1  }
0x8c: {  	s17 =	sshll.u32 s0, $0xA;
	s2 =	sadd.s32 s3, s2  }
0x8d: {  	s2 =	sadd.s32 s2, s17  }
0x8e: {  	[smem:$0x3FC2] =	sst s2  }
0x8f: {  	_ = 	snop  }
0x90: {  	s2 =	sld [smem:$0x3FD0];
	(tm) =	ssettm $0x1  }
0x91: {  	s18 =	sld [smem:$0x3FFB];
	_ =	sdelay $0x3  }
0x92: {  	_ =	strace s18  }
0x93: {  	s3 =	sld [smem:$0x3FFC];
	_ =	sdelay $0x3  }
0x94: {  	_ =	strace s3  }
0x95: {  	s3 =	sld [smem:$0x3FFD];
	_ =	sdelay $0x3  }
0x96: {  	_ =	strace s3  }
0x97: {  	_ =	strace $0x8FFFFFFF  }
0x98: {  	s19 =	sld [smem:$0x3FDB];
	_ =	sdelay $0x1  }
0x99: {  	s4 =	simm.s32 $_scs_section_size  }
0x9a: {  	s5 =	simm.s32 $_size__tile_overlayer_lowered;
	s6 =	simm.s32 $_tile_overlayer_lowered  }
0x9b: {  	s22 =	simm.s32 $0x1BFF;
	s21 =	sshll.u32 s6, $0x1;
	s3 =	sadd.s32 s4, s19  }
0x9c: {  	s7 =	simm.s32 $0x0;
	s20 =	sshll.u32 s5, $0x1;
	s5 =	sadd.s32 s21, s3  }
0x9d: {  	[timem:s7], [sflag:s22] =	dma.local [hbm:s5], s20  }
0x9e: {  	_ =	swait.ge [sflag:s22], s20  }
0x9f: {  	s4 =	ssub.s32 $0x0, s20;
	[sflag:s22] =	ssyncset.done $0x0  }
0xa0: {  	[sflag:s22] =	ssyncadd.s32 s4;
	_ =	sdelay $0x1  }
0xa1: {  	s23 =	simm.s32 $0x1B8B  }
0xa2: {  	_ =	swait.ge [sflag:s23], $0x1  }
0xa3: {  	[sflag:s23] =	ssyncset.done $0x0  }
0xa4: {  	s25 =	simm.s32 $0x1B8E;
	s24 =	sld [smem:$0x3FFE];
	[sflag:s23] =	ssyncadd.s32 $0xFFFFFFFF  }
0xa5: {  	s26 =	simm.s32 $execute0_lowered;
	[smem:$0x3FD2] =	sst s25  }
0xa6: {  	s5 =	sshll.u32 s26, $0x1;
	_ =	strace $0x8000004C;
	[dreg:$0x1] =	wrdreg $0xFFFFFFFF  }
0xa7: {  	s28 =	simm.s32 $_size_execute0_lowered;
	s3 =	sadd.s32 s3, s5;
	[dreg:$0x0] =	wrdreg $0x0  }
0xa8: {  	s5 =	sshll.u32 s28, $0x1;
	[dreg:$0x2] =	wrdreg s3  }
0xa9: {  	[dreg:$0x3] =	wrdreg s5  }
0xaa: {  	[dreg:$0x4] =	wrdreg $0xC0  }
0xab: {  	_ =	task [dreg:s7], $0x5FFFF  }
0xac: {  	[dreg:$0x1] =	wrdreg $0xFFFFFFFF  }
0xad: {  	[dreg:$0x0] =	wrdreg $0x60  }
0xae: {  	[dreg:$0x2] =	wrdreg s2  }
0xaf: {  	[dreg:$0x3] =	wrdreg s24  }
0xb0: {  	[dreg:$0x4] =	wrdreg $0x84000  }
0xb1: {  	[dreg:$0x5] =	wrdreg $0x9  }
0xb2: {  	_ =	task.clear_ibuf [dreg:s7], $0x6FFFF;
	_ =	strace $0x9000004C  }
0xb3: {  	s29 =	simm.s32 $0x9;
	_ =	strace $0x8000004E  }
0xb4: {  	_ =	swait.ge [sflag:s29], $0x1  }
0xb5: {  	[sflag:s29] =	ssyncadd.s32 $0xFFFFFFFF  }
0xb6: {  	_ =	strace $0x9000004E  }
0xb7: {  	_ =	sfence  }
0xb8: {  	s30 =	sld [smem:$0x0];
	_ =	sdelay $0x2  }
0xb9: {  	s31 =	sshll.u32 s1, $0xD;
	s1 =	sshrl.u32 s1, $0x2  }
0xba: {  	s3 =	sand.u32 $0x4000, s31;
	s1 =	sadd.s32 s1, s30  }
0xbb: {  	s0 =	sor.u32 s3, s0;
	s1 =	sshll.u32 s1, $0x11  }
0xbc: {  	s0 =	sor.u32 s1, s0  }
0xbd: {  	s0 =	sadd.s32 $0x8F2B, s0  }
0xbe: {  	[sflag:s0] =	ssyncadd.remote.s32 $0x1  }
0xbf: {  	_ =	sfence.sel $0xFFFF  }
0xc0: {  	[dreg:$0x0] =	wrdreg $0xFFFFFFFF;
	(pc) =	sbr.abs _section_cstart, $3  }
0xc1: {  	[dreg:$0x1] =	wrdreg $0xFFFFFFFF  }
0xc2: {  	_ =	task.clear_ibuf [dreg:s7], $0x2FFFF;
	_ =	strace $0x9FFFFFFF  }
0xc3: {  	(tm) =	ssettm $0x7FFFFFFF  }
tec
execute0_lowered:
.L_overlay_start_1:
0x0: {  	(tag) =	ssettag $0x1  }
0x1: {  	s1 =	rddreg [dreg:$0x0]  }
0x2: {  	s0 =	rddreg [dreg:$0x1]  }
0x3: {  	s2 =	rddreg [dreg:$0x2];
	s3 =	srdreg.scid;
	s4 =	simm.s32 $0x0  }
0x4: {  	s11 =	stileid.u32;
	s28 =	simm.s32 $0x6;
	s29 =	simm.s32 $0x300  }
0x5: {  	s30 =	simm.s32 $0x3;
	s31 =	simm.s32 $0x180;
	s6 =	smul.u32 $0x13C00, s11  }
0x6: {  	s3 =	sand.u32 $0x1, s3;
	[smem:$0x7FF] =	sst s4;
	s16 =	smul.u32 $0x4F000, s11  }
0x7: {  	s8 =	sadd.s32 $0xCA00, s0;
	s9 =	sadd.s32 $0x2C00, s0;
	s10 =	smul.u32 $0x5000, s11  }
0x8: {  	s20 =	sshll.u32 s11, $0x6;
	s5 =	smul.u32 $0x13C000, s3;
	_ =	strace $0x8000004D  }
0x9: {  	s7 =	sshll.u32 s3, $0x4;
	[dreg:$0x4] =	wrdreg s9;
	s17 =	ssub.s32 $0x2, s3  }
0xa: {  	s3 =	smul.u32 $0x50000, s3;
	s15 =	sor.u32 s11, s7;
	s18 =	sshrl.u32 s17, $0x1  }
0xb: {  	s7 =	sshrl.u32 s16, $0x2;
	s5 =	sadd.s32 s6, s5;
	s6 =	smul.u32 $0x5000, s15  }
0xc: {  	s19 =	sadd.s32 s7, s2;
	s3 =	sadd.s32 s10, s3;
	s7 =	sor.u32 $0x1C07, s20  }
0xd: {  	s20 =	simm.s32 $0x1;
	s5 =	sshrl.u32 s5, $0x3;
	s22 =	sor.u32 $0x500, s3  }
0xe: {  	s25 =	sor.u32 $0x400, s3;
	s26 =	sor.u32 $0x300, s3;
	s3 =	sor.u32 $0x200, s3  }
0xf: {  	s0 =	sadd.s32 s5, s0;
	s5 =	ssub.s32 s17, s18;
	s6 =	sshrl.u32 s6, $0x3  }
0x10: {  	s10 =	sshrl.u32 s22, $0x3;
	s3 =	sshrl.u32 s3, $0x3;
	s17 =	sshrl.u32 s19, $0x3  }
0x11: {  	s18 =	simm.s32 $0x7;
	s19 =	simm.s32 $0x100;
	s22 =	simm.s32 $0x400  }
0x12: {  	s6 =	sadd.s32 s8, s6;
	s0 =	sadd.s32 $0x20A00, s0;
	s24 =	smax.u32 s5, $0x1  }
0x13: {  	s13 =	sadd.s32 s10, s8;
	s5 =	sshrl.u32 s26, $0x3;
	s16 =	sadd.s32 s3, s8  }
0x14: {  	s26 =	simm.s32 $0x4400;
	s3 =	simm.s32 $0x280;
	[dreg:$0x5] =	wrdreg s6  }
0x15: {  	s21 =	sadd.s32 $0x20, s6;
	s23 =	sadd.s32 $0x9C0, s6;
	[dreg:$0x9] =	wrdreg s0  }
0x16: {  	s6 =	sadd.s32 $0x9E0, s6;
	[dreg:$0xa] =	wrdreg s24;
	s0 =	sshrl.u32 s25, $0x3  }
0x17: {  	s15 =	sadd.s32 s5, s8;
	s24 =	simm.s32 $0x200;
	[dreg:$0x6] =	wrdreg s21  }
0x18: {  	s25 =	simm.s32 $0x2;
	s5 =	simm.s32 $0x380;
	[dreg:$0x7] =	wrdreg s23  }
0x19: {  	[dreg:$0x8] =	wrdreg s6;
	s14 =	sadd.s32 s0, s8;
	s21 =	simm.s32 $0x80  }
0x1a: {  	s23 =	simm.s32 $0x5;
	s0 =	simm.s32 $0x4;
	s8 =	simm.s32 $0x0  }
.LBB2_1:
0x1b: {  	s6 =	rddreg [dreg:$0x4]  }
0x1c: {  	[spmem:s17], [sflag:s7] =	dma.local [hbm:s6], $0x2780  }
0x1d: {  	_ =	swait.ge [sflag:s18], $0x2780  }
0x1e: {  	[sflag:s18] =	ssyncset.done $0x0  }
0x1f: {  	[sflag:s18] =	ssyncadd.s32 $0xFFFFD880  }
0x20: {  	[bflag:$0x0] =	sbarrier.arrive $0xFFFF  }
0x21: {  	s12 =	rddreg [dreg:$0x5]  }
0x22: {  	[tilespmem:s4], [sflag:$0x1] =	stream.linear.gather [hbm4b:s12+s4], $0x100, $0x38;
	[tilespmem:$0x1C000] =	vst v63  }
0x23: {  	s9 =	rddreg [dreg:$0x6]  }
0x24: {  	[tilespmem:s19], [sflag:$0x2] =	stream.linear.gather [hbm4b:s9+s4], $0x100, $0x38;
	[tilespmem:$0x1C000] =	vst v63  }
0x25: {  	_ =	swait.ge [sflag:s20], $0x100  }
0x26: {  	[sflag:s20] =	ssyncset.done $0x0  }
0x27: {  	[sflag:s20] =	ssyncadd.s32 $0xFFFFFF00  }
0x28: {  	[tilespmem:s22], [sflag:$0x5] =	stream.indirect.gather [hbm4b:s1+s21], $0x80, s4, s21, $0xb8;
	[tilespmem:$0x1C000] =	vst v63  }
0x29: {  	_ =	swait.ge [sflag:s23], $0x4000  }
0x2a: {  	[sflag:s23] =	ssyncset.done $0x0  }
0x2b: {  	s9 =	sadd.s32 $0x0, s16;
	[sflag:s23] =	ssyncadd.s32 $0xFFFFC000  }
0x2c: {  	[tilespmem:s24], [sflag:$0x3] =	stream.linear.gather [hbm4b:s9+s4], $0x100, $0x38;
	[tilespmem:$0x1C000] =	vst v63  }
0x2d: {  	_ =	swait.ge [sflag:s25], $0x100  }
0x2e: {  	[sflag:s25] =	ssyncset.done $0x0  }
0x2f: {  	[sflag:s25] =	ssyncadd.s32 $0xFFFFFF00  }
0x30: {  	[tilespmem:s26], [sflag:$0x6] =	stream.indirect.gather [hbm4b:s1+s21], $0x80, s19, s21, $0xb8;
	[tilespmem:$0x1C000] =	vst v63  }
0x31: {  	_ = 	snop  }
0x32: {  	[spmem:s2] =	stream.indirect.scatter.add.f32 [tilespmem:s22], [sflag:$0x7], $0x80, s21, s21, $0xb8;
	[tilespmem:$0x1C000] =	vst v63  }
0x33: {  	_ =	swait.ge [sflag:s18], $0x4000  }
0x34: {  	[sflag:s18] =	ssyncset.done $0x0  }
0x35: {  	[sflag:s18] =	ssyncadd.s32 $0xFFFFC000  }
0x36: {  	_ =	swait.ge [sflag:s28], $0x4000  }
0x37: {  	[sflag:s28] =	ssyncset.done $0x0  }
0x38: {  	s10 =	sadd.s32 $0x0, s15;
	[sflag:s28] =	ssyncadd.s32 $0xFFFFC000  }
0x39: {  	[tilespmem:s29], [sflag:$0x4] =	stream.linear.gather [hbm4b:s10+s4], $0x100, $0x38;
	[tilespmem:$0x1C000] =	vst v63  }
0x3a: {  	_ =	swait.ge [sflag:s30], $0x100  }
0x3b: {  	[sflag:s30] =	ssyncset.done $0x0  }
0x3c: {  	[sflag:s30] =	ssyncadd.s32 $0xFFFFFF00  }
0x3d: {  	[tilespmem:s22], [sflag:$0x5] =	stream.indirect.gather [hbm4b:s1+s21], $0x80, s24, s21, $0xb8;
	[tilespmem:$0x1C000] =	vst v63  }
0x3e: {  	_ = 	snop  }
0x3f: {  	[spmem:s2] =	stream.indirect.scatter.add.f32 [tilespmem:s26], [sflag:$0x7], $0x80, s31, s21, $0xb8;
	[tilespmem:$0x1C000] =	vst v63  }
0x40: {  	_ =	swait.ge [sflag:s18], $0x4000  }
0x41: {  	[sflag:s18] =	ssyncset.done $0x0  }
0x42: {  	[sflag:s18] =	ssyncadd.s32 $0xFFFFC000  }
0x43: {  	_ =	swait.ge [sflag:s23], $0x4000  }
0x44: {  	[sflag:s23] =	ssyncset.done $0x0  }
0x45: {  	s11 =	sadd.s32 $0x0, s14;
	[sflag:s23] =	ssyncadd.s32 $0xFFFFC000  }
0x46: {  	[tilespmem:s4], [sflag:$0x1] =	stream.linear.gather [hbm4b:s11+s4], $0x100, $0x38;
	[tilespmem:$0x1C000] =	vst v63  }
0x47: {  	_ =	swait.ge [sflag:s0], $0x100  }
0x48: {  	[sflag:s0] =	ssyncset.done $0x0  }
0x49: {  	[sflag:s0] =	ssyncadd.s32 $0xFFFFFF00  }
0x4a: {  	[tilespmem:s26], [sflag:$0x6] =	stream.indirect.gather [hbm4b:s1+s21], $0x80, s29, s21, $0xb8;
	[tilespmem:$0x1C000] =	vst v63  }
0x4b: {  	_ = 	snop  }
0x4c: {  	[spmem:s2] =	stream.indirect.scatter.add.f32 [tilespmem:s22], [sflag:$0x7], $0x80, s3, s21, $0xb8;
	[tilespmem:$0x1C000] =	vst v63  }
0x4d: {  	_ =	swait.ge [sflag:s18], $0x4000  }
0x4e: {  	[sflag:s18] =	ssyncset.done $0x0  }
0x4f: {  	[sflag:s18] =	ssyncadd.s32 $0xFFFFC000  }
0x50: {  	_ =	swait.ge [sflag:s28], $0x4000  }
0x51: {  	[sflag:s28] =	ssyncset.done $0x0  }
0x52: {  	s12 =	sadd.s32 $0x0, s13;
	[sflag:s28] =	ssyncadd.s32 $0xFFFFC000  }
0x53: {  	[tilespmem:s19], [sflag:$0x2] =	stream.linear.gather [hbm4b:s12+s4], $0x100, $0x38;
	[tilespmem:$0x1C000] =	vst v63  }
0x54: {  	_ =	swait.ge [sflag:s20], $0x100  }
0x55: {  	[sflag:s20] =	ssyncset.done $0x0  }
0x56: {  	[sflag:s20] =	ssyncadd.s32 $0xFFFFFF00  }
0x57: {  	[tilespmem:s22], [sflag:$0x5] =	stream.indirect.gather [hbm4b:s1+s21], $0x80, s4, s21, $0xb8;
	[tilespmem:$0x1C000] =	vst v63  }
0x58: {  	_ = 	snop  }
0x59: {  	[spmem:s2] =	stream.indirect.scatter.add.f32 [tilespmem:s26], [sflag:$0x7], $0x80, s5, s21, $0xb8;
	[tilespmem:$0x1C000] =	vst v63  }
0x5a: {  	_ =	swait.ge [sflag:s18], $0x4000  }
0x5b: {  	[sflag:s18] =	ssyncset.done $0x0  }
0x5c: {  	[sflag:s18] =	ssyncadd.s32 $0xFFFFC000  }
0x5d: {  	_ =	swait.ge [sflag:s23], $0x4000  }
0x5e: {  	s9 =	simm.s32 $0x80;
	s10 =	simm.s32 $0x100;
	[sflag:s23] =	ssyncset.done $0x0  }
.LBB2_2:
0x5f: {  	s6 =	sadd.s32 s9, s16  }
0x60: {  	[sflag:s23] =	ssyncadd.s32 $0xFFFFC000;
	s11 =	smov.u32 s10;
	s12 =	sadd.s32 $0x80, s10  }
0x61: {  	[tilespmem:s24], [sflag:$0x3] =	stream.linear.gather [hbm4b:s6+s4], $0x100, $0x38;
	[tilespmem:$0x1C000] =	vst v63  }
0x62: {  	p0 =	sne.s32 s10, $0x900;
	_ =	swait.ge [sflag:s25], $0x100  }
0x63: {  	[sflag:s25] =	ssyncset.done $0x0  }
0x64: {  	[sflag:s25] =	ssyncadd.s32 $0xFFFFFF00  }
0x65: {  	[tilespmem:s26], [sflag:$0x6] =	stream.indirect.gather [hbm4b:s1+s21], $0x80, s19, s21, $0xb8;
	[tilespmem:$0x1C000] =	vst v63  }
0x66: {  	_ = 	snop  }
0x67: {  	[spmem:s2] =	stream.indirect.scatter.add.f32 [tilespmem:s22], [sflag:$0x7], $0x80, s21, s21, $0xb8;
	[tilespmem:$0x1C000] =	vst v63  }
0x68: {  	_ =	swait.ge [sflag:s18], $0x4000  }
0x69: {  	[sflag:s18] =	ssyncset.done $0x0  }
0x6a: {  	[sflag:s18] =	ssyncadd.s32 $0xFFFFC000  }
0x6b: {  	_ =	swait.ge [sflag:s28], $0x4000  }
0x6c: {  	[sflag:s28] =	ssyncset.done $0x0  }
0x6d: {  	s6 =	sadd.s32 s9, s15;
	[sflag:s28] =	ssyncadd.s32 $0xFFFFC000  }
0x6e: {  	[tilespmem:s29], [sflag:$0x4] =	stream.linear.gather [hbm4b:s6+s4], $0x100, $0x38;
	[tilespmem:$0x1C000] =	vst v63  }
0x6f: {  	_ =	swait.ge [sflag:s30], $0x100  }
0x70: {  	[sflag:s30] =	ssyncset.done $0x0  }
0x71: {  	[sflag:s30] =	ssyncadd.s32 $0xFFFFFF00  }
0x72: {  	[tilespmem:s22], [sflag:$0x5] =	stream.indirect.gather [hbm4b:s1+s21], $0x80, s24, s21, $0xb8;
	[tilespmem:$0x1C000] =	vst v63  }
0x73: {  	_ = 	snop  }
0x74: {  	[spmem:s2] =	stream.indirect.scatter.add.f32 [tilespmem:s26], [sflag:$0x7], $0x80, s31, s21, $0xb8;
	[tilespmem:$0x1C000] =	vst v63  }
0x75: {  	_ =	swait.ge [sflag:s18], $0x4000  }
0x76: {  	[sflag:s18] =	ssyncset.done $0x0  }
0x77: {  	[sflag:s18] =	ssyncadd.s32 $0xFFFFC000  }
0x78: {  	_ =	swait.ge [sflag:s23], $0x4000  }
0x79: {  	[sflag:s23] =	ssyncset.done $0x0  }
0x7a: {  	s6 =	sadd.s32 s9, s14;
	[sflag:s23] =	ssyncadd.s32 $0xFFFFC000  }
0x7b: {  	[tilespmem:s4], [sflag:$0x1] =	stream.linear.gather [hbm4b:s6+s4], $0x100, $0x38;
	[tilespmem:$0x1C000] =	vst v63  }
0x7c: {  	_ =	swait.ge [sflag:s0], $0x100  }
0x7d: {  	[sflag:s0] =	ssyncset.done $0x0  }
0x7e: {  	[sflag:s0] =	ssyncadd.s32 $0xFFFFFF00  }
0x7f: {  	[tilespmem:s26], [sflag:$0x6] =	stream.indirect.gather [hbm4b:s1+s21], $0x80, s29, s21, $0xb8;
	[tilespmem:$0x1C000] =	vst v63  }
0x80: {  	_ = 	snop  }
0x81: {  	[spmem:s2] =	stream.indirect.scatter.add.f32 [tilespmem:s22], [sflag:$0x7], $0x80, s3, s21, $0xb8;
	[tilespmem:$0x1C000] =	vst v63  }
0x82: {  	_ =	swait.ge [sflag:s18], $0x4000  }
0x83: {  	[sflag:s18] =	ssyncset.done $0x0  }
0x84: {  	[sflag:s18] =	ssyncadd.s32 $0xFFFFC000  }
0x85: {  	_ =	swait.ge [sflag:s28], $0x4000  }
0x86: {  	[sflag:s28] =	ssyncset.done $0x0  }
0x87: {  	s6 =	sadd.s32 s9, s13;
	s9 =	smov.u32 s11;
	[sflag:s28] =	ssyncadd.s32 $0xFFFFC000  }
0x88: {  	[tilespmem:s19], [sflag:$0x2] =	stream.linear.gather [hbm4b:s6+s4], $0x100, $0x38;
	[tilespmem:$0x1C000] =	vst v63  }
0x89: {  	_ =	swait.ge [sflag:s20], $0x100  }
0x8a: {  	[sflag:s20] =	ssyncset.done $0x0  }
0x8b: {  	[sflag:s20] =	ssyncadd.s32 $0xFFFFFF00  }
0x8c: {  	[tilespmem:s22], [sflag:$0x5] =	stream.indirect.gather [hbm4b:s1+s21], $0x80, s4, s21, $0xb8;
	[tilespmem:$0x1C000] =	vst v63  }
0x8d: {  	_ = 	snop  }
0x8e: {  	[spmem:s2] =	stream.indirect.scatter.add.f32 [tilespmem:s26], [sflag:$0x7], $0x80, s5, s21, $0xb8;
	[tilespmem:$0x1C000] =	vst v63  }
.Ltmp0:
0x8f: {  	_ =	swait.ge [sflag:s18], $0x4000;
	(pc) =	sbr.rel @p0 .LBB2_2-.Ltmp0, $4  }
0x90: {  	[sflag:s18] =	ssyncset.done $0x0  }
0x91: {  	[sflag:s18] =	ssyncadd.s32 $0xFFFFC000  }
0x92: {  	_ =	swait.ge [sflag:s23], $0x4000  }
0x93: {  	s10 =	smov.u32 s12;
	[sflag:s23] =	ssyncset.done $0x0  }
0x94: {  	s6 =	sadd.s32 s9, s16;
	[sflag:s23] =	ssyncadd.s32 $0xFFFFC000  }
0x95: {  	[tilespmem:s24], [sflag:$0x3] =	stream.linear.gather [hbm4b:s6+s4], $0x100, $0x38;
	[tilespmem:$0x1C000] =	vst v63  }
0x96: {  	_ =	swait.ge [sflag:s25], $0x100  }
0x97: {  	[sflag:s25] =	ssyncset.done $0x0  }
0x98: {  	[sflag:s25] =	ssyncadd.s32 $0xFFFFFF00  }
0x99: {  	[tilespmem:s26], [sflag:$0x6] =	stream.indirect.gather [hbm4b:s1+s21], $0x80, s19, s21, $0xb8;
	[tilespmem:$0x1C000] =	vst v63  }
0x9a: {  	_ = 	snop  }
0x9b: {  	[spmem:s2] =	stream.indirect.scatter.add.f32 [tilespmem:s22], [sflag:$0x7], $0x80, s21, s21, $0xb8;
	[tilespmem:$0x1C000] =	vst v63  }
0x9c: {  	_ =	swait.ge [sflag:s18], $0x4000  }
0x9d: {  	[sflag:s18] =	ssyncset.done $0x0  }
0x9e: {  	[sflag:s18] =	ssyncadd.s32 $0xFFFFC000  }
0x9f: {  	_ =	swait.ge [sflag:s28], $0x4000  }
0xa0: {  	[sflag:s28] =	ssyncset.done $0x0  }
0xa1: {  	s10 =	sadd.s32 s9, s15;
	[sflag:s28] =	ssyncadd.s32 $0xFFFFC000  }
0xa2: {  	[tilespmem:s29], [sflag:$0x4] =	stream.linear.gather [hbm4b:s10+s4], $0x100, $0x38;
	[tilespmem:$0x1C000] =	vst v63  }
0xa3: {  	_ =	swait.ge [sflag:s30], $0x100  }
0xa4: {  	[sflag:s30] =	ssyncset.done $0x0  }
0xa5: {  	[sflag:s30] =	ssyncadd.s32 $0xFFFFFF00  }
0xa6: {  	[tilespmem:s22], [sflag:$0x5] =	stream.indirect.gather [hbm4b:s1+s21], $0x80, s24, s21, $0xb8;
	[tilespmem:$0x1C000] =	vst v63  }
0xa7: {  	_ = 	snop  }
0xa8: {  	[spmem:s2] =	stream.indirect.scatter.add.f32 [tilespmem:s26], [sflag:$0x7], $0x80, s31, s21, $0xb8;
	[tilespmem:$0x1C000] =	vst v63  }
0xa9: {  	_ =	swait.ge [sflag:s18], $0x4000  }
0xaa: {  	[sflag:s18] =	ssyncset.done $0x0  }
0xab: {  	[sflag:s18] =	ssyncadd.s32 $0xFFFFC000  }
0xac: {  	_ =	swait.ge [sflag:s23], $0x4000  }
0xad: {  	[sflag:s23] =	ssyncset.done $0x0  }
0xae: {  	s11 =	sadd.s32 s9, s14;
	[sflag:s23] =	ssyncadd.s32 $0xFFFFC000  }
0xaf: {  	[tilespmem:s4], [sflag:$0x1] =	stream.linear.gather [hbm4b:s11+s4], $0x100, $0x38;
	[tilespmem:$0x1C000] =	vst v63  }
0xb0: {  	_ =	swait.ge [sflag:s0], $0x100  }
0xb1: {  	[sflag:s0] =	ssyncset.done $0x0  }
0xb2: {  	[sflag:s0] =	ssyncadd.s32 $0xFFFFFF00  }
0xb3: {  	[tilespmem:s26], [sflag:$0x6] =	stream.indirect.gather [hbm4b:s1+s21], $0x80, s29, s21, $0xb8;
	[tilespmem:$0x1C000] =	vst v63  }
0xb4: {  	_ = 	snop  }
0xb5: {  	[spmem:s2] =	stream.indirect.scatter.add.f32 [tilespmem:s22], [sflag:$0x7], $0x80, s3, s21, $0xb8;
	[tilespmem:$0x1C000] =	vst v63  }
0xb6: {  	_ =	swait.ge [sflag:s18], $0x4000  }
0xb7: {  	[sflag:s18] =	ssyncset.done $0x0  }
0xb8: {  	[sflag:s18] =	ssyncadd.s32 $0xFFFFC000  }
0xb9: {  	_ =	swait.ge [sflag:s28], $0x4000  }
0xba: {  	[sflag:s28] =	ssyncset.done $0x0  }
0xbb: {  	s12 =	sadd.s32 s9, s13;
	[sflag:s28] =	ssyncadd.s32 $0xFFFFC000  }
0xbc: {  	[tilespmem:s19], [sflag:$0x2] =	stream.linear.gather [hbm4b:s12+s4], $0x100, $0x38;
	[tilespmem:$0x1C000] =	vst v63  }
0xbd: {  	_ =	swait.ge [sflag:s20], $0x100  }
0xbe: {  	[sflag:s20] =	ssyncset.done $0x0  }
0xbf: {  	[sflag:s20] =	ssyncadd.s32 $0xFFFFFF00  }
0xc0: {  	[tilespmem:s22], [sflag:$0x5] =	stream.indirect.gather [hbm4b:s1+s21], $0x80, s4, s21, $0xb8;
	[tilespmem:$0x1C000] =	vst v63  }
0xc1: {  	_ = 	snop  }
0xc2: {  	[spmem:s2] =	stream.indirect.scatter.add.f32 [tilespmem:s26], [sflag:$0x7], $0x80, s5, s21, $0xb8;
	[tilespmem:$0x1C000] =	vst v63  }
0xc3: {  	_ =	swait.ge [sflag:s18], $0x4000  }
0xc4: {  	[sflag:s18] =	ssyncset.done $0x0  }
0xc5: {  	[sflag:s18] =	ssyncadd.s32 $0xFFFFC000  }
0xc6: {  	_ =	swait.ge [sflag:s23], $0x4000  }
0xc7: {  	[sflag:s23] =	ssyncset.done $0x0  }
0xc8: {  	s9 =	rddreg [dreg:$0x7];
	[sflag:s23] =	ssyncadd.s32 $0xFFFFC000  }
0xc9: {  	[tilespmem:s24], [sflag:$0x3] =	stream.linear.gather [hbm4b:s9+s4], $0x100, $0x38;
	[tilespmem:$0x1C000] =	vst v63  }
0xca: {  	_ =	swait.ge [sflag:s25], $0x100  }
0xcb: {  	[sflag:s25] =	ssyncset.done $0x0  }
0xcc: {  	[sflag:s25] =	ssyncadd.s32 $0xFFFFFF00  }
0xcd: {  	[tilespmem:s26], [sflag:$0x6] =	stream.indirect.gather [hbm4b:s1+s21], $0x80, s19, s21, $0xb8;
	[tilespmem:$0x1C000] =	vst v63  }
0xce: {  	_ = 	snop  }
0xcf: {  	[spmem:s2] =	stream.indirect.scatter.add.f32 [tilespmem:s22], [sflag:$0x7], $0x80, s21, s21, $0xb8;
	[tilespmem:$0x1C000] =	vst v63  }
0xd0: {  	_ =	swait.ge [sflag:s18], $0x4000  }
0xd1: {  	[sflag:s18] =	ssyncset.done $0x0  }
0xd2: {  	[sflag:s18] =	ssyncadd.s32 $0xFFFFC000  }
0xd3: {  	_ =	swait.ge [sflag:s28], $0x4000  }
0xd4: {  	[sflag:s28] =	ssyncset.done $0x0  }
0xd5: {  	s10 =	rddreg [dreg:$0x8];
	[sflag:s28] =	ssyncadd.s32 $0xFFFFC000  }
0xd6: {  	[tilespmem:s29], [sflag:$0x4] =	stream.linear.gather [hbm4b:s10+s4], $0x100, $0x38;
	[tilespmem:$0x1C000] =	vst v63  }
0xd7: {  	_ =	swait.ge [sflag:s30], $0x100  }
0xd8: {  	[sflag:s30] =	ssyncset.done $0x0  }
0xd9: {  	[sflag:s30] =	ssyncadd.s32 $0xFFFFFF00  }
0xda: {  	[tilespmem:s22], [sflag:$0x5] =	stream.indirect.gather [hbm4b:s1+s21], $0x80, s24, s21, $0xb8;
	[tilespmem:$0x1C000] =	vst v63  }
0xdb: {  	_ = 	snop  }
0xdc: {  	[spmem:s2] =	stream.indirect.scatter.add.f32 [tilespmem:s26], [sflag:$0x7], $0x80, s31, s21, $0xb8;
	[tilespmem:$0x1C000] =	vst v63  }
0xdd: {  	_ =	swait.ge [sflag:s18], $0x4000  }
0xde: {  	[sflag:s18] =	ssyncset.done $0x0  }
0xdf: {  	[sflag:s18] =	ssyncadd.s32 $0xFFFFC000  }
0xe0: {  	_ =	swait.ge [sflag:s23], $0x4000  }
0xe1: {  	[sflag:s23] =	ssyncset.done $0x0  }
0xe2: {  	[sflag:s23] =	ssyncadd.s32 $0xFFFFC000  }
0xe3: {  	_ =	swait.ge [sflag:s0], $0x100  }
0xe4: {  	[sflag:s0] =	ssyncset.done $0x0  }
0xe5: {  	[sflag:s0] =	ssyncadd.s32 $0xFFFFFF00  }
0xe6: {  	[tilespmem:s26], [sflag:$0x6] =	stream.indirect.gather [hbm4b:s1+s21], $0x80, s29, s21, $0xb8;
	[tilespmem:$0x1C000] =	vst v63  }
0xe7: {  	_ = 	snop  }
0xe8: {  	[spmem:s2] =	stream.indirect.scatter.add.f32 [tilespmem:s22], [sflag:$0x7], $0x80, s3, s21, $0xb8;
	[tilespmem:$0x1C000] =	vst v63  }
0xe9: {  	_ =	swait.ge [sflag:s18], $0x4000  }
0xea: {  	[sflag:s18] =	ssyncset.done $0x0  }
0xeb: {  	[sflag:s18] =	ssyncadd.s32 $0xFFFFC000  }
0xec: {  	_ =	swait.ge [sflag:s28], $0x4000  }
0xed: {  	[sflag:s28] =	ssyncset.done $0x0  }
0xee: {  	[sflag:s28] =	ssyncadd.s32 $0xFFFFC000  }
0xef: {  	[spmem:s2] =	stream.indirect.scatter.add.f32 [tilespmem:s26], [sflag:$0x7], $0x80, s5, s21, $0xb8;
	[tilespmem:$0x1C000] =	vst v63  }
0xf0: {  	_ =	swait.ge [sflag:s18], $0x4000  }
0xf1: {  	[sflag:s18] =	ssyncset.done $0x0  }
0xf2: {  	[sflag:s18] =	ssyncadd.s32 $0xFFFFC000  }
0xf3: {  	[bflag:$0x0] =	sbarrier.arrive $0xFFFF  }
0xf4: {  	s11 =	rddreg [dreg:$0x9]  }
0xf5: {  	[hbm:s11], [sflag:s7] =	dma.local [spmem:s17], $0x2780  }
0xf6: {  	_ =	swait.ge [sflag:s18], $0x2780  }
0xf7: {  	s8 =	sadd.s32 $0x1, s8;
	s12 =	rddreg [dreg:$0xa]  }
0xf8: {  	p0 =	sne.s32 s8, s12  }
.Ltmp1:
0xf9: {  	_ = 	snop;
	(pc) =	sbr.rel @p0 .LBB2_1-.Ltmp1, $3  }
0xfa: {  	_ =	sdelay $0x1  }
0xfb: {  	[sflag:s18] =	ssyncset.done $0x0  }
0xfc: {  	[sflag:s18] =	ssyncadd.s32 $0xFFFFD880  }
0xfd: {  	_ =	sfence.sel $0x180000  }
0xfe: {  	[bflag:$0x0] =	sbarrier.arrive $0xFFFF  }
0xff: {  	_ =	strace $0x9000004D  }
0x100: {  	s0 =	stileid.u32;
	[bflag:$0x2] =	sbarrier.arrive $0xFFFF  }
0x101: {  	p0 =	sne.s32 s0, $0x0;
	s0 =	rddreg [dreg:$0x3]  }
0x102: {  	s0 =	sadd.s32 @!p0 $0x100000, s0  }
0x103: {  	[sflag:s0] =	ssyncadd.tile.s32 @!p0 $0x1;
	_ =	shalt  }
.Lfunc_end2:
_tile_overlayer_lowered:
.L_overlay_start_2:
0x104: {  	(tag) =	ssettag $0x2  }
0x105: {  	s0 =	rddreg [dreg:$0x0];
	s2 =	stileid.u32  }
0x106: {  	s1 =	rddreg [dreg:$0x1];
	p0 =	sne.s32 s2, $0x0  }
0x107: {  	s3 =	rddreg [dreg:$0x2];
	[bflag:$0x3] =	sbarrier.arrive $0xFFFF;
	s2 =	simm.s32 @!p0 $0x1C07  }
0x108: {  	[timem:s3], [sflag:s2] =	dma.local @!p0 [hbm:s0], s1  }
0x109: {  	s0 =	simm.s32 @!p0 $0x7  }
0x10a: {  	_ =	swait.ge @!p0 [sflag:s0], s1  }
0x10b: {  	s1 =	ssub.s32 @!p0 $0x0, s1;
	[sflag:s0] =	ssyncset.done @!p0 $0x0  }
0x10c: {  	[sflag:s0] =	ssyncadd.s32 @!p0 s1  }
0x10d: {  	[bflag:$0x3] =	sbarrier.arrive $0xFFFF  }
0x10e: {  	_ =	shalt  }

// kernel: kernel.8.cloned.1.call-start
scs
__scs_entry_jumppad:
0x0: {  	(pc) =	sbr.rel $0x88, $3  }
0x1: {  	(tag) =	ssettag $0x0;
	lr =	simm.s32 $0x1  }
0x2: {  	[smem:$0x3F9B] =	sst lr;
	_ =	strace $0xD0000000  }
0x3: {  	_ = 	snop  }
0x4: {  	_ = 	snop  }
0x5: {  	_ = 	snop  }
0x6: {  	_ = 	snop  }
0x7: {  	_ = 	snop  }
__scs_overlays_trampoline_lowered:
0x8: {  	[smem:$0x3FAA] =	sst s0  }
0x9: {  	[smem:$0x3FAB] =	sst s1  }
0xa: {  	[smem:$0x3FAC] =	sst s2  }
0xb: {  	[smem:$0x3FAD] =	sst s3  }
0xc: {  	[smem:$0x3FAE] =	sst s4  }
0xd: {  	[smem:$0x3FAF] =	sst s5  }
0xe: {  	[smem:$0x3FB0] =	sst s6  }
0xf: {  	[smem:$0x3FB1] =	sst s7  }
0x10: {  	[smem:$0x3FB2] =	sst s8  }
0x11: {  	[smem:$0x3FB3] =	sst s9;
	s0 =	simm.s32 @!p0 $0x0  }
0x12: {  	s1 =	sld [smem:$0x3F99];
	s0 =	simm.s32 @p0 $0x1  }
0x13: {  	[smem:$0x3FB4] =	sst s0;
	s0 =	simm.s32 @!p1 $0x0  }
0x14: {  	s2 =	sld [smem:$0x3F98];
	s0 =	simm.s32 @p1 $0x1  }
0x15: {  	[smem:$0x3FB5] =	sst s0;
	s0 =	simm.s32 @!p2 $0x0  }
0x16: {  	s3 =	sld [smem:$0x3FDB];
	s0 =	simm.s32 @p2 $0x1  }
0x17: {  	s4 =	simm.s32 $0x1BF5;
	[smem:$0x3FB7] =	sst s0  }
0x18: {  	s0 =	sld [smem:$0x3F9A];
	_ =	swait.ge [sflag:s4], $0x0  }
0x19: {  	s7 =	sld [smem:$0x3F9B]  }
0x1a: {  	s8 =	sadd.s32 $0xFFFFE003, lr  }
0x1b: {  	s9 =	sadd.s32 $0xFFFFFEF7, lr;
	s5 =	simm.s32 $0xFFFFFFFF;
	p2 =	slt.u32 s8, $0xFFFFF086  }
0x1c: {  	p1 =	slt.u32 s9, $0xF7A;
	s5 =	simm.s32 @!p2 $0x0  }
0x1d: {  	s5 =	simm.s32 @p1 $0x1;
	p0 =	seq.s32 s7, s2  }
0x1e: {  	s7 =	smul.u32 @!p0 $0xF7A, s2;
	p2 =	seq.s32 @!p0 s5, $0x0  }
0x1f: {  	s9 =	smul.u32 $0xF7A, s1;
	s8 =	simm.s32 @!p0 $0x1BF5;
	p2 =	por !p2, p0  }
0x20: {  	[sflag:s8] =	ssyncset.s32 @!p0 $0xFFFFF086;
	s6 =	sadd.s32 @!p0 s3, s7;
	s7 =	simm.s32 @!p0 $0x108  }
0x21: {  	s3 =	sadd.s32 s3, s9;
	s6 =	sadd.s32 @!p0 $0x88, s6;
	s7 =	simm.s32 @p2 $0x1082  }
0x22: {  	[simem:s7], [sflag:s8] =	dma.local @!p0 [hbm:s6], $0xF7A  }
0x23: {  	s9 =	sor.u32 $0xD0000000, s2;
	s6 =	simm.s32 $0x108;
	_ =	swait.ge @!p0 [sflag:s8], $0x0  }
0x24: {  	s3 =	sadd.s32 $0x88, s3;
	s6 =	simm.s32 @!p1 $0x1082;
	[sflag:s4] =	ssyncset.s32 $0xFFFFF086  }
0x25: {  	[simem:s6], [sflag:s4] =	dma.local [hbm:s3], $0xF7A  }
0x26: {  	[smem:$0x3F9B] =	sst s1;
	(tag) =	ssettag s2;
	_ =	strace s9  }
0x27: {  	s1 =	sld [smem:$0x3FAB]  }
0x28: {  	s2 =	sld [smem:$0x3FAC]  }
0x29: {  	s4 =	sld [smem:$0x3FAE]  }
0x2a: {  	p0 =	seq.s32 s5, $0x0;
	s5 =	sld [smem:$0x3FAF]  }
0x2b: {  	s6 =	sld [smem:$0x3FB0]  }
0x2c: {  	s7 =	sld [smem:$0x3FB1]  }
0x2d: {  	s3 =	simm.s32 $0x108;
	s8 =	sld [smem:$0x3FB2]  }
0x2e: {  	s3 =	simm.s32 @!p0 $0x1082;
	s9 =	sld [smem:$0x3FB3]  }
0x2f: {  	lr =	sadd.s32 s0, s3;
	s0 =	sld [smem:$0x3FAA]  }
0x30: {  	s3 =	sld [smem:$0x3FAD]  }
0x31: {  	[smem:$0x3FB6] =	sst s10  }
0x32: {  	s10 =	sld [smem:$0x3FB4];
	_ =	sdelay $0x3  }
0x33: {  	p0 =	seq.s32 s10, $0x1;
	s10 =	sld [smem:$0x3FB6];
	_ =	sdelay $0x3  }
0x34: {  	[smem:$0x3FB6] =	sst s10  }
0x35: {  	s10 =	sld [smem:$0x3FB5];
	_ =	sdelay $0x3  }
0x36: {  	p1 =	seq.s32 s10, $0x1;
	s10 =	sld [smem:$0x3FB6];
	_ =	sdelay $0x3  }
0x37: {  	[smem:$0x3FB6] =	sst s10  }
0x38: {  	s10 =	sld [smem:$0x3FB7]  }
0x39: {  	_ = 	snop;
	(pc) =	sbr.ind lr, $3  }
0x3a: {  	_ = 	snop  }
0x3b: {  	_ = 	snop  }
0x3c: {  	p2 =	seq.s32 s10, $0x1;
	s10 =	sld [smem:$0x3FB6]  }
0x3d: {  	_ =	shalt  }
0x3e: {  	_ =	shalt  }
0x3f: {  	_ =	shalt  }
0x40: {  	_ =	shalt  }
0x41: {  	_ =	shalt  }
0x42: {  	_ =	shalt  }
0x43: {  	_ =	shalt  }
0x44: {  	_ =	shalt  }
0x45: {  	_ =	shalt  }
0x46: {  	_ =	shalt  }
0x47: {  	_ =	shalt  }
0x48: {  	_ =	shalt  }
0x49: {  	_ =	shalt  }
0x4a: {  	_ =	shalt  }
0x4b: {  	_ =	shalt  }
0x4c: {  	_ =	shalt  }
0x4d: {  	_ =	shalt  }
0x4e: {  	_ =	shalt  }
0x4f: {  	_ =	shalt  }
0x50: {  	_ =	shalt  }
0x51: {  	_ =	shalt  }
0x52: {  	_ =	shalt  }
0x53: {  	_ =	shalt  }
0x54: {  	_ =	shalt  }
0x55: {  	_ =	shalt  }
0x56: {  	_ =	shalt  }
0x57: {  	_ =	shalt  }
0x58: {  	_ =	shalt  }
0x59: {  	_ =	shalt  }
0x5a: {  	_ =	shalt  }
0x5b: {  	_ =	shalt  }
0x5c: {  	_ =	shalt  }
0x5d: {  	_ =	shalt  }
0x5e: {  	_ =	shalt  }
0x5f: {  	_ =	shalt  }
0x60: {  	_ =	shalt  }
0x61: {  	_ =	shalt  }
0x62: {  	_ =	shalt  }
0x63: {  	_ =	shalt  }
0x64: {  	_ =	shalt  }
0x65: {  	_ =	shalt  }
0x66: {  	_ =	shalt  }
0x67: {  	_ =	shalt  }
0x68: {  	_ =	shalt  }
0x69: {  	_ =	shalt  }
0x6a: {  	_ =	shalt  }
0x6b: {  	_ =	shalt  }
0x6c: {  	_ =	shalt  }
0x6d: {  	_ =	shalt  }
0x6e: {  	_ =	shalt  }
0x6f: {  	_ =	shalt  }
0x70: {  	_ =	shalt  }
0x71: {  	_ =	shalt  }
0x72: {  	_ =	shalt  }
0x73: {  	_ =	shalt  }
0x74: {  	_ =	shalt  }
0x75: {  	_ =	shalt  }
0x76: {  	_ =	shalt  }
0x77: {  	_ =	shalt  }
0x78: {  	_ =	shalt  }
0x79: {  	_ =	shalt  }
0x7a: {  	_ =	shalt  }
0x7b: {  	_ =	shalt  }
0x7c: {  	_ =	shalt  }
0x7d: {  	_ =	shalt  }
0x7e: {  	_ =	shalt  }
0x7f: {  	_ =	shalt  }
0x80: {  	_ =	shalt  }
0x81: {  	_ =	shalt  }
0x82: {  	_ =	shalt  }
0x83: {  	_ =	shalt  }
0x84: {  	_ =	shalt  }
0x85: {  	_ =	shalt  }
0x86: {  	_ =	shalt  }
0x87: {  	_ =	shalt  }
.Lfunc_end0:
.L_simem_size_0:
called_computation_lowered:
.L_overlay_start_0:
0x88: {  	s2 =	sld [smem:$0x3FD9]  }
0x89: {  	s3 =	sld [smem:$0x3FFE];
	_ =	sdelay $0x1  }
0x8a: {  	s1 =	srdreg.scid  }
0x8b: {  	s0 =	sand.u32 $0x1, s1  }
0x8c: {  	s17 =	sshll.u32 s0, $0xA;
	s2 =	sadd.s32 s3, s2  }
0x8d: {  	s2 =	sadd.s32 s2, s17  }
0x8e: {  	[smem:$0x3FC2] =	sst s2  }
0x8f: {  	_ = 	snop  }
0x90: {  	s2 =	sld [smem:$0x3FD0];
	(tm) =	ssettm $0x1  }
0x91: {  	s18 =	sld [smem:$0x3FFB];
	_ =	sdelay $0x3  }
0x92: {  	_ =	strace s18  }
0x93: {  	s3 =	sld [smem:$0x3FFC];
	_ =	sdelay $0x3  }
0x94: {  	_ =	strace s3  }
0x95: {  	s3 =	sld [smem:$0x3FFD];
	_ =	sdelay $0x3  }
0x96: {  	_ =	strace s3  }
0x97: {  	_ =	strace $0x8FFFFFFF  }
0x98: {  	s19 =	sld [smem:$0x3FDB];
	_ =	sdelay $0x1  }
0x99: {  	s4 =	simm.s32 $_scs_section_size  }
0x9a: {  	s5 =	simm.s32 $_size__tile_overlayer_lowered;
	s6 =	simm.s32 $_tile_overlayer_lowered  }
0x9b: {  	s22 =	simm.s32 $0x1BFF;
	s21 =	sshll.u32 s6, $0x1;
	s3 =	sadd.s32 s4, s19  }
0x9c: {  	s7 =	simm.s32 $0x0;
	s20 =	sshll.u32 s5, $0x1;
	s5 =	sadd.s32 s21, s3  }
0x9d: {  	[timem:s7], [sflag:s22] =	dma.local [hbm:s5], s20  }
0x9e: {  	_ =	swait.ge [sflag:s22], s20  }
0x9f: {  	s4 =	ssub.s32 $0x0, s20;
	[sflag:s22] =	ssyncset.done $0x0  }
0xa0: {  	[sflag:s22] =	ssyncadd.s32 s4;
	_ =	sdelay $0x1  }
0xa1: {  	s23 =	simm.s32 $0x1B8B  }
0xa2: {  	_ =	swait.ge [sflag:s23], $0x1  }
0xa3: {  	[sflag:s23] =	ssyncset.done $0x0  }
0xa4: {  	s25 =	simm.s32 $0x1B8E;
	s24 =	sld [smem:$0x3FFE];
	[sflag:s23] =	ssyncadd.s32 $0xFFFFFFFF  }
0xa5: {  	s26 =	simm.s32 $execute0_lowered;
	[smem:$0x3FD2] =	sst s25  }
0xa6: {  	s5 =	sshll.u32 s26, $0x1;
	_ =	strace $0x80000046;
	[dreg:$0x1] =	wrdreg $0xFFFFFFFF  }
0xa7: {  	s28 =	simm.s32 $_size_execute0_lowered;
	s3 =	sadd.s32 s3, s5;
	[dreg:$0x0] =	wrdreg $0x0  }
0xa8: {  	s5 =	sshll.u32 s28, $0x1;
	[dreg:$0x2] =	wrdreg s3  }
0xa9: {  	[dreg:$0x3] =	wrdreg s5  }
0xaa: {  	[dreg:$0x4] =	wrdreg $0xC0  }
0xab: {  	_ =	task [dreg:s7], $0x5FFFF  }
0xac: {  	[dreg:$0x1] =	wrdreg $0xFFFFFFFF  }
0xad: {  	[dreg:$0x0] =	wrdreg $0x60  }
0xae: {  	[dreg:$0x2] =	wrdreg s24  }
0xaf: {  	[dreg:$0x3] =	wrdreg s2  }
0xb0: {  	[dreg:$0x4] =	wrdreg $0x9  }
0xb1: {  	_ =	task.clear_ibuf [dreg:s7], $0x5FFFF;
	_ =	strace $0x90000046  }
0xb2: {  	s29 =	simm.s32 $0x9;
	_ =	strace $0x80000048  }
0xb3: {  	_ =	swait.ge [sflag:s29], $0x1  }
0xb4: {  	[sflag:s29] =	ssyncadd.s32 $0xFFFFFFFF  }
0xb5: {  	_ =	strace $0x90000048  }
0xb6: {  	_ =	sfence  }
0xb7: {  	s30 =	sld [smem:$0x0];
	_ =	sdelay $0x2  }
0xb8: {  	s31 =	sshll.u32 s1, $0xD;
	s1 =	sshrl.u32 s1, $0x2  }
0xb9: {  	s3 =	sand.u32 $0x4000, s31;
	s1 =	sadd.s32 s1, s30  }
0xba: {  	s0 =	sor.u32 s3, s0;
	s1 =	sshll.u32 s1, $0x11  }
0xbb: {  	s0 =	sor.u32 s1, s0  }
0xbc: {  	s0 =	sadd.s32 $0x8F2B, s0  }
0xbd: {  	[sflag:s0] =	ssyncadd.remote.s32 $0x1  }
0xbe: {  	_ =	sfence.sel $0xFFFF  }
0xbf: {  	[dreg:$0x0] =	wrdreg $0xFFFFFFFF;
	(pc) =	sbr.abs _section_cstart, $3  }
0xc0: {  	[dreg:$0x1] =	wrdreg $0xFFFFFFFF  }
0xc1: {  	_ =	task.clear_ibuf [dreg:s7], $0x2FFFF;
	_ =	strace $0x9FFFFFFF  }
0xc2: {  	(tm) =	ssettm $0x7FFFFFFF  }
0xc3: {  	_ =	shalt  }
tec
execute0_lowered:
.L_overlay_start_1:
0x0: {  	(tag) =	ssettag $0x1  }
0x1: {  	s0 =	srdreg.scid;
	s3 =	rddreg [dreg:$0x0]  }
0x2: {  	s5 =	rddreg [dreg:$0x1];
	s1 =	stileid.u32;
	s4 =	sand.u32 $0x1, s0  }
0x3: {  	s9 =	simm.s32 $0x400;
	s0 =	rddreg [dreg:$0x2];
	s2 =	sshll.u32 s4, $0x4  }
0x4: {  	s8 =	sshll.u32 s1, $0x7;
	s4 =	ssub.s32 $0x2, s4;
	s6 =	sor.u32 s1, s2  }
0x5: {  	s2 =	simm.s32 $0x0;
	s7 =	smul.u32 $0x4E2, s6;
	s6 =	sshrl.u32 s6, $0x3  }
0x6: {  	s8 =	sand.u32 $0x380, s8;
	[smem:$0x7FF] =	sst s2;
	s6 =	smul.u32 $0x13C00, s6  }
0x7: {  	s30 =	sshrl.u32 s4, $0x1;
	_ =	strace $0x80000047;
	s3 =	sadd.s32 s7, s3  }
0x8: {  	s7 =	ssub.s32 s4, s30;
	s6 =	sor.u32 s8, s6;
	s3 =	sadd.s32 $0x2C00, s3  }
0x9: {  	s8 =	simm.s32 $0x80;
	s31 =	sshrl.u32 s6, $0x3;
	s6 =	simm.s32 $0x1  }
0xa: {  	v0 =	vimm.f32 $0.0e+00;
	v1 =	vimm.f32 $1.000000000e+00;
	s4 =	sadd.s32 s5, s31;
	s5 =	smax.u32 s7, $0x1;
	s7 =	simm.s32 $0x2780  }
.LBB2_1:
0xb: {  	s10 =	simm.s32 $0x40;
	s11 =	simm.s32 $0x0  }
.LBB2_2:
0xc: {  	p0 =	sne.s32 s10, $0x9DC0;
	[tilespmem:s11+$0x2780] =	vst v0;
	s11 =	smov.u32 s10;
	s10 =	sadd.s32 $0x40, s10  }
.Ltmp0:
0xd: {  	(pc) =	sbr.rel @p0 .LBB2_2-.Ltmp0, $2  }
0xe: {  	_ =	sdelay $0x2  }
0xf: {  	s11 =	sshra.s32 s11, $0x2  }
0x10: {  	[tilespmem:s11+$0x2780] =	vst v0;
	s10 =	simm.s32 $0x0  }
0x11: {  	[tilespmem:s10], [sflag:$0x1] =	stream.linear.gather [hbm4b:s3+s10], $0x2710, $0x38;
	[tilespmem:$0x4F00] =	vst v63  }
0x12: {  	_ =	swait.ge [sflag:s6], $0x2710  }
0x13: {  	[sflag:s6] =	ssyncset.done $0x0  }
0x14: {  	s11 =	simm.s32 $0x0;
	s10 =	simm.s32 $0x40;
	[sflag:s6] =	ssyncadd.s32 $0xFFFFD8F0  }
.LBB2_4:
0x15: {  	p0 =	sne.s32 s10, $0x9C00;
	v2 =	vld [tilespmem:s11+$0x0];
	_ =	sdelay $0x3  }
.Ltmp1:
0x16: {  	(pc) =	sbr.rel @p0 .LBB2_4-.Ltmp1, $2  }
0x17: {  	_ =	sdelay $0x2  }
0x18: {  	s11 =	sshra.s32 s10, $0x2;
	s10 =	sadd.s32 $0x40, s10;
	[tilespmem:v2+s7+$0x0] =	vst.idx.add.f32.msk $0xffff, v1  }
0x19: {  	v2 =	vld [tilespmem:s11+$0x0];
	_ =	sdelay $0x5  }
0x1a: {  	s2 =	sadd.s32 $0x1, s2  }
0x1b: {  	p0 =	sne.s32 s2, s5  }
.Ltmp2:
0x1c: {  	[tilespmem:v2+s7+$0x0] =	vst.idx.add.f32.msk $0xffff, v1;
	(pc) =	sbr.rel @p0 .LBB2_1-.Ltmp2, $4  }
0x1d: {  	[hbm4b:s4+s8] =	stream.strided.scatter [tilespmem:s7], [sflag:$0x1], $0x2780, s9, s8, $0x38;
	[tilespmem:$0x4F00] =	vst v63  }
0x1e: {  	_ =	swait.ge [sflag:s6], $0x2780  }
0x1f: {  	[sflag:s6] =	ssyncset.done $0x0  }
0x20: {  	[sflag:s6] =	ssyncadd.s32 $0xFFFFD880  }
0x21: {  	_ =	sfence.sel $0x180000  }
0x22: {  	[bflag:$0x0] =	sbarrier.arrive $0xFFFF  }
0x23: {  	p0 =	sne.s32 s1, $0x0;
	_ =	strace $0x90000047  }
0x24: {  	s0 =	sadd.s32 @!p0 $0x100000, s0;
	[bflag:$0x2] =	sbarrier.arrive $0xFFFF  }
0x25: {  	[sflag:s0] =	ssyncadd.tile.s32 @!p0 $0x1;
	_ =	shalt  }
.Lfunc_end2:
_tile_overlayer_lowered:
.L_overlay_start_2:
0x26: {  	(tag) =	ssettag $0x2  }
0x27: {  	s0 =	rddreg [dreg:$0x0];
	s2 =	stileid.u32  }
0x28: {  	s1 =	rddreg [dreg:$0x1];
	p0 =	sne.s32 s2, $0x0  }
0x29: {  	s3 =	rddreg [dreg:$0x2];
	[bflag:$0x3] =	sbarrier.arrive $0xFFFF;
	s2 =	simm.s32 @!p0 $0x1C01  }
0x2a: {  	[timem:s3], [sflag:s2] =	dma.local @!p0 [hbm:s0], s1  }
0x2b: {  	s0 =	simm.s32 @!p0 $0x1  }
0x2c: {  	_ =	swait.ge @!p0 [sflag:s0], s1  }
0x2d: {  	s1 =	ssub.s32 @!p0 $0x0, s1;
	[sflag:s0] =	ssyncset.done @!p0 $0x0  }
0x2e: {  	[sflag:s0] =	ssyncadd.s32 @!p0 s1  }
0x2f: {  	[bflag:$0x3] =	sbarrier.arrive $0xFFFF  }
0x30: {  	_ =	shalt  }

</sc_bundles>
